<compile_context>
chip_gen: v7x
topology: tpu7x:2x2x1
jax: 0.10.2.dev20260603
libtpu: 0.0.44.dev20260713+nightly
codegen_flags: <defaults>
</compile_context>

<pallas_src>
import jax
import jax.numpy as jnp
from jax import lax
from jax.experimental import pallas as pl
from jax.experimental.pallas import tpu as pltpu
from jax.experimental.pallas import tpu_sc as plsc

N = 4096 * 4096
NC = 2
NS = 16
L = 16
NW = NC * NS
PT = N // NW
C = 2048
NCHUNK = PT // C
FLUSH_AT = C - 2 * L
T1N = 0x7F800000
DUMP = 0x7F800001
DMASK = 0x3FFFF
T2N = DUMP + DMASK + C
MASK = 0x7FFFFFFF
MINI32 = -2147483648
LSTRIDE = PT + C

_mesh = plsc.VectorSubcoreMesh(core_axis_name="c", subcore_axis_name="s")


def _scatter_body(bits_hbm, t1_hbm, m_out, pay_out, bits_v, idx_v, pay_v,
                  sem):
    wid = lax.axis_index("s") * NC + lax.axis_index("c")
    iota = lax.iota(jnp.int32, L)

    def chunk(ch, carry):
        base = wid * PT + ch * C
        pltpu.sync_copy(bits_hbm.at[pl.ds(base, C)], bits_v)

        def vec(i, c2):
            b = bits_v[pl.ds(i * L, L)]
            cb = jnp.where(b == MINI32, 0, b)
            sign = jnp.where(cb < 0, 1, 0)
            idx_v[pl.ds(i * L, L)] = cb & MASK
            pay_v[pl.ds(i * L, L)] = (iota + (base + i * L)) * 2 + sign
            return c2

        lax.fori_loop(0, C // L, vec, 0)
        d = pltpu.async_copy(pay_v, t1_hbm.at[idx_v], sem)
        pltpu.sync_copy(idx_v, m_out.at[pl.ds(base, C)])
        pltpu.sync_copy(pay_v, pay_out.at[pl.ds(base, C)])
        d.wait()
        return carry

    lax.fori_loop(0, NCHUNK, chunk, 0)


def _classify_body(m_hbm, pay_hbm, t1_hbm, t2_hbm, acc_out, cnt_out,
                   lidx_hbm, lpay_hbm, pay_v, m_v, g_v, pay_b, m_b, g_b,
                   sidx_v, spay_v, acc_v, tmp_v, sem):
    wid = lax.axis_index("s") * NC + lax.axis_index("c")
    iota = lax.iota(jnp.int32, L)
    ones = iota * 0 + 1
    zeros = iota * 0
    acc_v[pl.ds(0, L)] = zeros
    lb = wid * LSTRIDE

    def ini(j, c2):
        sidx_v[pl.ds(j * L, L)] = iota + (DUMP + j * L)
        spay_v[pl.ds(j * L, L)] = zeros - 1
        return c2

    lax.fori_loop(0, C // L, ini, 0)

    def flush(pf, fl):
        def sent(j, c2):
            gl = iota + j * L
            keep = gl < pf
            si = sidx_v[pl.ds(j * L, L)]
            sp = spay_v[pl.ds(j * L, L)]
            dump = DUMP + ((gl + fl * 7) & DMASK)
            sidx_v[pl.ds(j * L, L)] = jnp.where(keep, si, dump)
            spay_v[pl.ds(j * L, L)] = jnp.where(keep, sp, zeros - 1)
            return c2

        lax.fori_loop(0, C // L, sent, 0)
        pltpu.async_copy(spay_v, t2_hbm.at[sidx_v], sem).wait()
        pltpu.sync_copy(sidx_v, lidx_hbm.at[pl.ds(lb + fl * C, C)])
        pltpu.sync_copy(spay_v, lpay_hbm.at[pl.ds(lb + fl * C, C)])

    def load_half(base, pay_ref, m_ref, g_ref):
        pltpu.sync_copy(m_hbm.at[pl.ds(base, C)], m_ref)
        pltpu.sync_copy(pay_hbm.at[pl.ds(base, C)], pay_ref)
        return pltpu.async_copy(t1_hbm.at[m_ref], g_ref, sem)

    def classify_half(base, pay_ref, m_ref, g_ref, carry):
        def vec2(i, carry2):
            pf, fl = carry2
            pay = pay_ref[pl.ds(i * L, L)]
            sign = pay & 1
            g = g_ref[pl.ds(i * L, L)]
            acc_v[pl.ds(0, L)] = acc_v[pl.ds(0, L)] + jnp.where(
                g == pay, ones, zeros)
            loser = jnp.where((g & 1) != sign, ones, zeros)
            m = m_ref[pl.ds(i * L, L)]
            l0 = loser[0]
            p1 = l0
            p2 = p1 + loser[1]
            p3 = p2 + loser[2]
            p4 = p3 + loser[3]
            p5 = p4 + loser[4]
            p6 = p5 + loser[5]
            p7 = p6 + loser[6]
            p8 = p7 + loser[7]
            p9 = p8 + loser[8]
            p10 = p9 + loser[9]
            p11 = p10 + loser[10]
            p12 = p11 + loser[11]
            p13 = p12 + loser[12]
            p14 = p13 + loser[13]
            p15 = p14 + loser[14]
            ls = p15 + loser[15]
            pres = (0, p1, p2, p3, p4, p5, p6, p7, p8, p9, p10, p11, p12,
                    p13, p14, p15)

            @pl.when(ls > 0)
            def _():
                for lane in range(L):
                    @pl.when(loser[lane] > 0)
                    def _():
                        dst = pf + pres[lane]
                        sidx_v[pl.ds(dst, L)] = zeros + m[lane]
                        spay_v[pl.ds(dst, L)] = zeros + pay[lane]

            pf = pf + ls

            @pl.when(pf > FLUSH_AT)
            def _():
                flush(pf, fl)

            fl = jnp.where(pf > FLUSH_AT, fl + 1, fl)
            pf = jnp.where(pf > FLUSH_AT, 0, pf)
            return (pf, fl)

        return lax.fori_loop(0, C // L, vec2, carry)

    def chunk(ch, carry):
        base_a = wid * PT + (2 * ch) * C
        base_b = base_a + C
        da = load_half(base_a, pay_v, m_v, g_v)
        db = load_half(base_b, pay_b, m_b, g_b)
        da.wait()
        carry = classify_half(base_a, pay_v, m_v, g_v, carry)
        db.wait()
        carry = classify_half(base_b, pay_b, m_b, g_b, carry)
        return carry

    pf, fl = lax.fori_loop(0, NCHUNK // 2, chunk, (0, 0))
    flush(pf, fl)
    fl = fl + 1
    tmp_v[pl.ds(0, L)] = zeros + fl * C
    pltpu.sync_copy(tmp_v, cnt_out.at[wid])
    pltpu.sync_copy(acc_v, acc_out.at[wid])


def _resolve_body(t2_hbm, lidx_hbm, lpay_hbm, cnt_hbm, out_hbm, idx_v,
                  pay_v, g2_v, acc_v, tmp_v, sem):
    wid = lax.axis_index("s") * NC + lax.axis_index("c")
    iota = lax.iota(jnp.int32, L)
    ones = iota * 0 + 1
    zeros = iota * 0
    acc_v[pl.ds(0, L)] = zeros
    lb = wid * LSTRIDE
    pltpu.sync_copy(cnt_hbm.at[wid], tmp_v)
    cntv = tmp_v[pl.ds(0, L)]
    nch = cntv[0] // C

    def chunk(j, c2):
        pltpu.sync_copy(lidx_hbm.at[pl.ds(lb + j * C, C)], idx_v)
        pltpu.sync_copy(lpay_hbm.at[pl.ds(lb + j * C, C)], pay_v)
        pltpu.async_copy(t2_hbm.at[idx_v], g2_v, sem).wait()

        def cmp(k, c3):
            p = pay_v[pl.ds(k * L, L)]
            hit = (p != -1) & (g2_v[pl.ds(k * L, L)] == p)
            acc_v[pl.ds(0, L)] = acc_v[pl.ds(0, L)] + jnp.where(
                hit, ones, zeros)
            return c3

        lax.fori_loop(0, C // L, cmp, 0)
        return c2

    lax.fori_loop(0, nch, chunk, 0)
    pltpu.sync_copy(acc_v, out_hbm.at[wid])


_scatter_call = pl.kernel(
    _scatter_body,
    out_type=[
        jax.ShapeDtypeStruct((T1N,), jnp.int32),
        jax.ShapeDtypeStruct((N,), jnp.int32),
        jax.ShapeDtypeStruct((N,), jnp.int32),
    ],
    mesh=_mesh,
    scratch_types=[
        pltpu.VMEM((C,), jnp.int32),
        pltpu.VMEM((C,), jnp.int32),
        pltpu.VMEM((C,), jnp.int32),
        pltpu.SemaphoreType.DMA,
    ],
)

_classify_call = pl.kernel(
    _classify_body,
    out_type=[
        jax.ShapeDtypeStruct((T2N,), jnp.int32),
        jax.ShapeDtypeStruct((NW, L), jnp.int32),
        jax.ShapeDtypeStruct((NW, L), jnp.int32),
        jax.ShapeDtypeStruct((NW * LSTRIDE,), jnp.int32),
        jax.ShapeDtypeStruct((NW * LSTRIDE,), jnp.int32),
    ],
    mesh=_mesh,
    scratch_types=[
        pltpu.VMEM((C,), jnp.int32),
        pltpu.VMEM((C,), jnp.int32),
        pltpu.VMEM((C,), jnp.int32),
        pltpu.VMEM((C,), jnp.int32),
        pltpu.VMEM((C,), jnp.int32),
        pltpu.VMEM((C,), jnp.int32),
        pltpu.VMEM((C,), jnp.int32),
        pltpu.VMEM((C,), jnp.int32),
        pltpu.VMEM((L,), jnp.int32),
        pltpu.VMEM((L,), jnp.int32),
        pltpu.SemaphoreType.DMA,
    ],
)

_resolve_call = pl.kernel(
    _resolve_body,
    out_type=jax.ShapeDtypeStruct((NW, L), jnp.int32),
    mesh=_mesh,
    scratch_types=[
        pltpu.VMEM((C,), jnp.int32),
        pltpu.VMEM((C,), jnp.int32),
        pltpu.VMEM((C,), jnp.int32),
        pltpu.VMEM((L,), jnp.int32),
        pltpu.VMEM((L,), jnp.int32),
        pltpu.SemaphoreType.DMA,
    ],
)


def kernel(prediction):
    bits = lax.bitcast_convert_type(prediction.reshape(-1), jnp.int32)
    t1, m_arr, pay_arr = _scatter_call(bits)
    t2, acc1, cnt, lidx, lpay = _classify_call(m_arr, pay_arr, t1)
    acc2 = _resolve_call(t2, lidx, lpay, cnt)
    num_unique = acc1.sum() + acc2.sum()
    return (jnp.int32(N) - num_unique).astype(jnp.float32)

# --- scband reference (transcript-rebuilt; emitter-appended) ---
"""Pipeline reference for scband-custom-loss-81415400063287 (READ-ONLY COPY).

The authoritative reference and input builder live on the scoring server;
editing this copy changes nothing except your own understanding.
"""

import jax, jax.numpy as jnp
import numpy as np


def setup_inputs(seed: int = 0) -> dict:
    key = jax.random.key(seed)
    prediction = jax.random.normal(key, (4096, 4096), dtype=jnp.float32)
    return {"prediction": prediction}


def reference(prediction):
    # torch: num_duplicates = prediction.flatten().size(0) - torch.unique(prediction).size(0)
    flat = prediction.reshape(-1)
    n = flat.shape[0]
    s = jnp.sort(flat)
    # number of unique values = 1 + count of adjacent differing pairs in sorted order
    num_unique = 1 + jnp.sum(s[1:] != s[:-1])
    num_duplicates = n - num_unique
    # loss = num_duplicates + prediction.sum() - prediction.sum()
    loss = num_duplicates.astype(jnp.float32) + prediction.sum() - prediction.sum()
    return loss

if __name__ == "__main__":
    import jax
    _d = setup_inputs()
    print(jax.jit(kernel)(*tuple(_d.values())))

</pallas_src>

<mosaic_0001>
#map = affine_map<(d0, d1) -> (0)>
#map1 = affine_map<(d0, d1) -> (0, 0)>
module attributes {stable_mosaic.version = 14 : i64} {
  func.func @_resolve_body(%arg0: i32, %arg1: i32, %arg2: memref<2139359232xi32, #tpu.memory_space<hbm>>, %arg3: memref<16842752xi32, #tpu.memory_space<hbm>>, %arg4: memref<16842752xi32, #tpu.memory_space<hbm>>, %arg5: memref<32x16xi32, #tpu.memory_space<hbm>>, %arg6: memref<32x16xi32, #tpu.memory_space<hbm>>, %arg7: memref<2048xi32, #tpu.memory_space<vmem>>, %arg8: memref<2048xi32, #tpu.memory_space<vmem>>, %arg9: memref<2048xi32, #tpu.memory_space<vmem>>, %arg10: memref<16xi32, #tpu.memory_space<vmem>>, %arg11: memref<16xi32, #tpu.memory_space<vmem>>, %arg12: memref<!tpu.dma_semaphore, #tpu.memory_space<semaphore_mem>>) attributes {dimension_semantics = [#tpu.dimension_semantics<core_parallel>, #tpu.dimension_semantics<subcore_parallel>], iteration_bounds = array<i64: 2, 16>, scalar_prefetch = 0 : i64, scratch_operands = 6 : i64, tpu.core_type = #tpu.core_type<sc_vector_subcore>, window_params = [{transform_indices = #map}, {transform_indices = #map}, {transform_indices = #map}, {transform_indices = #map1}, {transform_indices = #map1}]} {
    %mul3A = arith.constant 2 : i32
    %mul3A_0 = arith.muli %arg1, %mul3A : i32
    %add3A = arith.addi %mul3A_0, %arg0 : i32
    %iota3A = tpu.iota {dimensions = array<i32: 0>} : vector<16xi32>
    %mul3A_1 = arith.constant 0 : i32
    %mul3A_2 = vector.broadcast %mul3A_1 : i32 to vector<16xi32>
    %mul3A_3 = arith.muli %iota3A, %mul3A_2 : vector<16xi32>
    %add3A_4 = arith.constant 1 : i32
    %add3A_5 = vector.broadcast %add3A_4 : i32 to vector<16xi32>
    %add3A_6 = arith.addi %mul3A_3, %add3A_5 : vector<16xi32>
    %mul3A_7 = arith.constant 0 : i32
    %mul3A_8 = vector.broadcast %mul3A_7 : i32 to vector<16xi32>
    %mul3A_9 = arith.muli %iota3A, %mul3A_8 : vector<16xi32>
    %swap3A = arith.constant 0 : index
    %swap3A_10 = tpu.vector_load %arg10[%swap3A] {strides = array<i32>} : memref<16xi32, #tpu.memory_space<vmem>>, vector<16xi32>,
    %swap3A_11 = vector.shape_cast %swap3A_10 : vector<16xi32> to vector<16xi32>
    %swap3A_12 = vector.shape_cast %mul3A_9 : vector<16xi32> to vector<16xi32>
    tpu.vector_store %arg10[%swap3A], %swap3A_12 {strides = array<i32>} : memref<16xi32, #tpu.memory_space<vmem>>, vector<16xi32>,
    %mul3A_13 = arith.constant 526336 : i32
    %mul3A_14 = arith.muli %add3A, %mul3A_13 : i32
    "tpu.region"() ({
      %run_scoped3A = tpu.sem_alloc : memref<!tpu.dma_semaphore, #tpu.memory_space<semaphore_mem>>
      %dma_start3A = arith.constant 0 : i32
      %dma_start3A_42 = tpu.memref_slice %arg5[%add3A, %dma_start3A] : memref<32x16xi32, #tpu.memory_space<hbm>> -> memref<1x16xi32, #tpu.memory_space<hbm>>
      %dma_start3A_43 = tpu.memref_squeeze %dma_start3A_42 : memref<1x16xi32, #tpu.memory_space<hbm>> -> memref<16xi32, #tpu.memory_space<hbm>>
      %dma_start3A_44 = arith.constant 0 : i32
      %dma_start3A_45 = tpu.memref_slice %arg5[%add3A, %dma_start3A_44] : memref<32x16xi32, #tpu.memory_space<hbm>> -> memref<1x16xi32, #tpu.memory_space<hbm>>
      %dma_start3A_46 = tpu.memref_squeeze %dma_start3A_45 : memref<1x16xi32, #tpu.memory_space<hbm>> -> memref<16xi32, #tpu.memory_space<hbm>>
      tpu.enqueue_dma source(%dma_start3A_46 : memref<16xi32, #tpu.memory_space<hbm>>) target(%arg11 : memref<16xi32, #tpu.memory_space<vmem>>) target_semaphore(%run_scoped3A : memref<!tpu.dma_semaphore, #tpu.memory_space<semaphore_mem>>)
      %dma_wait3A = arith.constant 0 : i32
      %dma_wait3A_47 = tpu.memref_slice %arg5[%add3A, %dma_wait3A] : memref<32x16xi32, #tpu.memory_space<hbm>> -> memref<1x16xi32, #tpu.memory_space<hbm>>
      %dma_wait3A_48 = tpu.memref_squeeze %dma_wait3A_47 : memref<1x16xi32, #tpu.memory_space<hbm>> -> memref<16xi32, #tpu.memory_space<hbm>>
      %dma_wait3A_49 = arith.constant 0 : i32
      %dma_wait3A_50 = tpu.memref_slice %arg5[%add3A, %dma_wait3A_49] : memref<32x16xi32, #tpu.memory_space<hbm>> -> memref<1x16xi32, #tpu.memory_space<hbm>>
      %dma_wait3A_51 = tpu.memref_squeeze %dma_wait3A_50 : memref<1x16xi32, #tpu.memory_space<hbm>> -> memref<16xi32, #tpu.memory_space<hbm>>
      tpu.wait_dma2 semaphore(%run_scoped3A : memref<!tpu.dma_semaphore, #tpu.memory_space<semaphore_mem>>) src(%dma_wait3A_51 : memref<16xi32, #tpu.memory_space<hbm>>) dst(%arg11 : memref<16xi32, #tpu.memory_space<vmem>>)
      tpu.yield
    }) : () -> ()
    %get3A = arith.constant 0 : index
    %get3A_15 = tpu.vector_load %arg11[%get3A] {strides = array<i32>} : memref<16xi32, #tpu.memory_space<vmem>>, vector<16xi32>,
    %get3A_16 = vector.shape_cast %get3A_15 : vector<16xi32> to vector<16xi32>
    %slice3A = vector.extract_strided_slice %get3A_16 {offsets = [0], sizes = [1], strides = [1]} : vector<16xi32> to vector<1xi32>
    %squeeze3A = vector.extract %slice3A[0] : i32 from vector<1xi32>
    %jit3A = arith.constant 2048 : i32
    %div3A = arith.divsi %squeeze3A, %jit3A : i32
    %sign3A = arith.constant 0 : i32
    %sign3A_17 = arith.cmpi sgt, %squeeze3A, %sign3A : i32
    %sign3A_18 = arith.extui %sign3A_17 : i1 to i32
    %sign3A_19 = arith.constant 0 : i32
    %sign3A_20 = arith.cmpi slt, %squeeze3A, %sign3A_19 : i32
    %sign3A_21 = arith.extui %sign3A_20 : i1 to i32
    %sign3A_22 = arith.subi %sign3A_18, %sign3A_21 : i32
    %sign3A_23 = arith.constant 0 : i32
    %sign3A_24 = arith.cmpi sgt, %jit3A, %sign3A_23 : i32
    %sign3A_25 = arith.extui %sign3A_24 : i1 to i32
    %sign3A_26 = arith.constant 0 : i32
    %sign3A_27 = arith.cmpi slt, %jit3A, %sign3A_26 : i32
    %sign3A_28 = arith.extui %sign3A_27 : i1 to i32
    %sign3A_29 = arith.subi %sign3A_25, %sign3A_28 : i32
    %ne3A = arith.cmpi ne, %sign3A_22, %sign3A_29 : i32
    %rem3A = arith.remsi %squeeze3A, %jit3A : i32
    %ne3A_30 = arith.constant 0 : i32
    %ne3A_31 = arith.cmpi ne, %rem3A, %ne3A_30 : i32
    %and3A = arith.andi %ne3A, %ne3A_31 : i1
    %sub3A = arith.constant 1 : i32
    %sub3A_32 = arith.subi %div3A, %sub3A : i32
    %select_n3A = arith.select %and3A, %sub3A_32, %div3A : i32
    %while3A = arith.constant 0 : i32
    %while3A_33 = arith.constant 0 : i32
    %while3A_34 = arith.subi %select_n3A, %while3A_33 : i32
    %while3A_35 = arith.addi %while3A_33, %while3A_34 : i32
    %while3A_36 = arith.constant 1 : i32
    %while3A_37 = arith.divsi %while3A_34, %while3A_36 : i32
    %while3A_38 = arith.muli %while3A_37, %while3A_36 : i32
    %while3A_39 = arith.addi %while3A_33, %while3A_38 : i32
    %while3A_40 = arith.constant 1 : i32
    scf.for %while3A_42 = %while3A_33 to %while3A_39 step %while3A_40  : i32 {
      %mul3A_43 = arith.constant 2048 : i32
      %mul3A_44 = arith.muli %while3A_42, %mul3A_43 : i32
      %add3A_45 = arith.addi %mul3A_14, %mul3A_44 : i32
      "tpu.region"() ({
        %run_scoped3A = tpu.sem_alloc : memref<!tpu.dma_semaphore, #tpu.memory_space<semaphore_mem>>
        %dma_start3A_56 = tpu.memref_slice %arg3[%add3A_45] : memref<16842752xi32, #tpu.memory_space<hbm>> -> memref<2048xi32, #tpu.memory_space<hbm>>
        %dma_start3A_57 = tpu.memref_slice %arg3[%add3A_45] : memref<16842752xi32, #tpu.memory_space<hbm>> -> memref<2048xi32, #tpu.memory_space<hbm>>
        tpu.enqueue_dma source(%dma_start3A_57 : memref<2048xi32, #tpu.memory_space<hbm>>) target(%arg7 : memref<2048xi32, #tpu.memory_space<vmem>>) target_semaphore(%run_scoped3A : memref<!tpu.dma_semaphore, #tpu.memory_space<semaphore_mem>>)
        %dma_wait3A_58 = tpu.memref_slice %arg3[%add3A_45] : memref<16842752xi32, #tpu.memory_space<hbm>> -> memref<2048xi32, #tpu.memory_space<hbm>>
        %dma_wait3A_59 = tpu.memref_slice %arg3[%add3A_45] : memref<16842752xi32, #tpu.memory_space<hbm>> -> memref<2048xi32, #tpu.memory_space<hbm>>
        tpu.wait_dma2 semaphore(%run_scoped3A : memref<!tpu.dma_semaphore, #tpu.memory_space<semaphore_mem>>) src(%dma_wait3A_59 : memref<2048xi32, #tpu.memory_space<hbm>>) dst(%arg7 : memref<2048xi32, #tpu.memory_space<vmem>>)
        tpu.yield
      }) : () -> ()
      %mul3A_46 = arith.constant 2048 : i32
      %mul3A_47 = arith.muli %while3A_42, %mul3A_46 : i32
      %add3A_48 = arith.addi %mul3A_14, %mul3A_47 : i32
      "tpu.region"() ({
        %run_scoped3A = tpu.sem_alloc : memref<!tpu.dma_semaphore, #tpu.memory_space<semaphore_mem>>
        %dma_start3A_56 = tpu.memref_slice %arg4[%add3A_48] : memref<16842752xi32, #tpu.memory_space<hbm>> -> memref<2048xi32, #tpu.memory_space<hbm>>
        %dma_start3A_57 = tpu.memref_slice %arg4[%add3A_48] : memref<16842752xi32, #tpu.memory_space<hbm>> -> memref<2048xi32, #tpu.memory_space<hbm>>
        tpu.enqueue_dma source(%dma_start3A_57 : memref<2048xi32, #tpu.memory_space<hbm>>) target(%arg8 : memref<2048xi32, #tpu.memory_space<vmem>>) target_semaphore(%run_scoped3A : memref<!tpu.dma_semaphore, #tpu.memory_space<semaphore_mem>>)
        %dma_wait3A_58 = tpu.memref_slice %arg4[%add3A_48] : memref<16842752xi32, #tpu.memory_space<hbm>> -> memref<2048xi32, #tpu.memory_space<hbm>>
        %dma_wait3A_59 = tpu.memref_slice %arg4[%add3A_48] : memref<16842752xi32, #tpu.memory_space<hbm>> -> memref<2048xi32, #tpu.memory_space<hbm>>
        tpu.wait_dma2 semaphore(%run_scoped3A : memref<!tpu.dma_semaphore, #tpu.memory_space<semaphore_mem>>) src(%dma_wait3A_59 : memref<2048xi32, #tpu.memory_space<hbm>>) dst(%arg8 : memref<2048xi32, #tpu.memory_space<vmem>>)
        tpu.yield
      }) : () -> ()
      %dma_start3A = arith.constant 0 : i32
      %dma_start3A_49 = tpu.memref_slice %arg2[%dma_start3A] : memref<2139359232xi32, #tpu.memory_space<hbm>> -> memref<2139359232xi32, #tpu.memory_space<hbm>>
      tpu.enqueue_indirect_dma source(%dma_start3A_49 : memref<2139359232xi32, #tpu.memory_space<hbm>>) target(%arg9 : memref<2048xi32, #tpu.memory_space<vmem>>) offsets(%arg7 : memref<2048xi32, #tpu.memory_space<vmem>>) semaphore(%arg12 : memref<!tpu.dma_semaphore, #tpu.memory_space<semaphore_mem>>)
      %dma_wait3A = arith.constant 0 : i32
      %dma_wait3A_50 = tpu.memref_slice %arg2[%dma_wait3A] : memref<2139359232xi32, #tpu.memory_space<hbm>> -> memref<2139359232xi32, #tpu.memory_space<hbm>>
      tpu.wait_indirect_dma semaphore(%arg12 : memref<!tpu.dma_semaphore, #tpu.memory_space<semaphore_mem>>) src(%dma_wait3A_50 : memref<2139359232xi32, #tpu.memory_space<hbm>>) dst(%arg9 : memref<2048xi32, #tpu.memory_space<vmem>>)
      %scan3A = arith.constant 0 : i32
      %scan3A_51 = arith.constant 0 : i32
      %scan3A_52 = arith.constant 128 : i32
      %scan3A_53 = arith.addi %scan3A_51, %scan3A_52 : i32
      %scan3A_54 = arith.constant 1 : i32
      scf.for %scan3A_56 = %scan3A_51 to %scan3A_53 step %scan3A_54  : i32 {
        %mul3A_57 = arith.constant 16 : i32
        %mul3A_58 = arith.muli %scan3A_56, %mul3A_57 : i32
        %get3A_59 = arith.index_cast %mul3A_58 : i32 to index
        %get3A_60 = tpu.vector_load %arg8[%get3A_59] {strides = array<i32>} : memref<2048xi32, #tpu.memory_space<vmem>>, vector<16xi32>,
        %get3A_61 = vector.shape_cast %get3A_60 : vector<16xi32> to vector<16xi32>
        %ne3A_62 = arith.constant -1 : i32
        %ne3A_63 = vector.broadcast %ne3A_62 : i32 to vector<16xi32>
        %ne3A_64 = arith.cmpi ne, %get3A_61, %ne3A_63 : vector<16xi32>
        %mul3A_65 = arith.constant 16 : i32
        %mul3A_66 = arith.muli %scan3A_56, %mul3A_65 : i32
        %get3A_67 = arith.index_cast %mul3A_66 : i32 to index
        %get3A_68 = tpu.vector_load %arg9[%get3A_67] {strides = array<i32>} : memref<2048xi32, #tpu.memory_space<vmem>>, vector<16xi32>,
        %get3A_69 = vector.shape_cast %get3A_68 : vector<16xi32> to vector<16xi32>
        %eq3A = arith.cmpi eq, %get3A_69, %get3A_61 : vector<16xi32>
        %and3A_70 = arith.andi %ne3A_64, %eq3A : vector<16xi1>
        %get3A_71 = arith.constant 0 : index
        %get3A_72 = tpu.vector_load %arg10[%get3A_71] {strides = array<i32>} : memref<16xi32, #tpu.memory_space<vmem>>, vector<16xi32>,
        %get3A_73 = vector.shape_cast %get3A_72 : vector<16xi32> to vector<16xi32>
        %select_n3A_74 = arith.select %and3A_70, %add3A_6, %mul3A_9 : vector<16xi1>, vector<16xi32>
        %add3A_75 = arith.addi %get3A_73, %select_n3A_74 : vector<16xi32>
        %swap3A_76 = arith.constant 0 : index
        %swap3A_77 = tpu.vector_load %arg10[%swap3A_76] {strides = array<i32>} : memref<16xi32, #tpu.memory_space<vmem>>, vector<16xi32>,
        %swap3A_78 = vector.shape_cast %swap3A_77 : vector<16xi32> to vector<16xi32>
        %swap3A_79 = vector.shape_cast %add3A_75 : vector<16xi32> to vector<16xi32>
        tpu.vector_store %arg10[%swap3A_76], %swap3A_79 {strides = array<i32>} : memref<16xi32, #tpu.memory_space<vmem>>, vector<16xi32>,
      }
      %scan3A_55 = arith.constant 128 : i32
    }
    %while3A_41 = arith.constant 1 : i32
    scf.for %while3A_42 = %while3A_39 to %while3A_35 step %while3A_41  : i32 {
      %mul3A_43 = arith.constant 2048 : i32
      %mul3A_44 = arith.muli %while3A_42, %mul3A_43 : i32
      %add3A_45 = arith.addi %mul3A_14, %mul3A_44 : i32
      "tpu.region"() ({
        %run_scoped3A = tpu.sem_alloc : memref<!tpu.dma_semaphore, #tpu.memory_space<semaphore_mem>>
        %dma_start3A_56 = tpu.memref_slice %arg3[%add3A_45] : memref<16842752xi32, #tpu.memory_space<hbm>> -> memref<2048xi32, #tpu.memory_space<hbm>>
        %dma_start3A_57 = tpu.memref_slice %arg3[%add3A_45] : memref<16842752xi32, #tpu.memory_space<hbm>> -> memref<2048xi32, #tpu.memory_space<hbm>>
        tpu.enqueue_dma source(%dma_start3A_57 : memref<2048xi32, #tpu.memory_space<hbm>>) target(%arg7 : memref<2048xi32, #tpu.memory_space<vmem>>) target_semaphore(%run_scoped3A : memref<!tpu.dma_semaphore, #tpu.memory_space<semaphore_mem>>)
        %dma_wait3A_58 = tpu.memref_slice %arg3[%add3A_45] : memref<16842752xi32, #tpu.memory_space<hbm>> -> memref<2048xi32, #tpu.memory_space<hbm>>
        %dma_wait3A_59 = tpu.memref_slice %arg3[%add3A_45] : memref<16842752xi32, #tpu.memory_space<hbm>> -> memref<2048xi32, #tpu.memory_space<hbm>>
        tpu.wait_dma2 semaphore(%run_scoped3A : memref<!tpu.dma_semaphore, #tpu.memory_space<semaphore_mem>>) src(%dma_wait3A_59 : memref<2048xi32, #tpu.memory_space<hbm>>) dst(%arg7 : memref<2048xi32, #tpu.memory_space<vmem>>)
        tpu.yield
      }) : () -> ()
      %mul3A_46 = arith.constant 2048 : i32
      %mul3A_47 = arith.muli %while3A_42, %mul3A_46 : i32
      %add3A_48 = arith.addi %mul3A_14, %mul3A_47 : i32
      "tpu.region"() ({
        %run_scoped3A = tpu.sem_alloc : memref<!tpu.dma_semaphore, #tpu.memory_space<semaphore_mem>>
        %dma_start3A_56 = tpu.memref_slice %arg4[%add3A_48] : memref<16842752xi32, #tpu.memory_space<hbm>> -> memref<2048xi32, #tpu.memory_space<hbm>>
        %dma_start3A_57 = tpu.memref_slice %arg4[%add3A_48] : memref<16842752xi32, #tpu.memory_space<hbm>> -> memref<2048xi32, #tpu.memory_space<hbm>>
        tpu.enqueue_dma source(%dma_start3A_57 : memref<2048xi32, #tpu.memory_space<hbm>>) target(%arg8 : memref<2048xi32, #tpu.memory_space<vmem>>) target_semaphore(%run_scoped3A : memref<!tpu.dma_semaphore, #tpu.memory_space<semaphore_mem>>)
        %dma_wait3A_58 = tpu.memref_slice %arg4[%add3A_48] : memref<16842752xi32, #tpu.memory_space<hbm>> -> memref<2048xi32, #tpu.memory_space<hbm>>
        %dma_wait3A_59 = tpu.memref_slice %arg4[%add3A_48] : memref<16842752xi32, #tpu.memory_space<hbm>> -> memref<2048xi32, #tpu.memory_space<hbm>>
        tpu.wait_dma2 semaphore(%run_scoped3A : memref<!tpu.dma_semaphore, #tpu.memory_space<semaphore_mem>>) src(%dma_wait3A_59 : memref<2048xi32, #tpu.memory_space<hbm>>) dst(%arg8 : memref<2048xi32, #tpu.memory_space<vmem>>)
        tpu.yield
      }) : () -> ()
      %dma_start3A = arith.constant 0 : i32
      %dma_start3A_49 = tpu.memref_slice %arg2[%dma_start3A] : memref<2139359232xi32, #tpu.memory_space<hbm>> -> memref<2139359232xi32, #tpu.memory_space<hbm>>
      tpu.enqueue_indirect_dma source(%dma_start3A_49 : memref<2139359232xi32, #tpu.memory_space<hbm>>) target(%arg9 : memref<2048xi32, #tpu.memory_space<vmem>>) offsets(%arg7 : memref<2048xi32, #tpu.memory_space<vmem>>) semaphore(%arg12 : memref<!tpu.dma_semaphore, #tpu.memory_space<semaphore_mem>>)
      %dma_wait3A = arith.constant 0 : i32
      %dma_wait3A_50 = tpu.memref_slice %arg2[%dma_wait3A] : memref<2139359232xi32, #tpu.memory_space<hbm>> -> memref<2139359232xi32, #tpu.memory_space<hbm>>
      tpu.wait_indirect_dma semaphore(%arg12 : memref<!tpu.dma_semaphore, #tpu.memory_space<semaphore_mem>>) src(%dma_wait3A_50 : memref<2139359232xi32, #tpu.memory_space<hbm>>) dst(%arg9 : memref<2048xi32, #tpu.memory_space<vmem>>)
      %scan3A = arith.constant 0 : i32
      %scan3A_51 = arith.constant 0 : i32
      %scan3A_52 = arith.constant 128 : i32
      %scan3A_53 = arith.addi %scan3A_51, %scan3A_52 : i32
      %scan3A_54 = arith.constant 1 : i32
      scf.for %scan3A_56 = %scan3A_51 to %scan3A_53 step %scan3A_54  : i32 {
        %mul3A_57 = arith.constant 16 : i32
        %mul3A_58 = arith.muli %scan3A_56, %mul3A_57 : i32
        %get3A_59 = arith.index_cast %mul3A_58 : i32 to index
        %get3A_60 = tpu.vector_load %arg8[%get3A_59] {strides = array<i32>} : memref<2048xi32, #tpu.memory_space<vmem>>, vector<16xi32>,
        %get3A_61 = vector.shape_cast %get3A_60 : vector<16xi32> to vector<16xi32>
        %ne3A_62 = arith.constant -1 : i32
        %ne3A_63 = vector.broadcast %ne3A_62 : i32 to vector<16xi32>
        %ne3A_64 = arith.cmpi ne, %get3A_61, %ne3A_63 : vector<16xi32>
        %mul3A_65 = arith.constant 16 : i32
        %mul3A_66 = arith.muli %scan3A_56, %mul3A_65 : i32
        %get3A_67 = arith.index_cast %mul3A_66 : i32 to index
        %get3A_68 = tpu.vector_load %arg9[%get3A_67] {strides = array<i32>} : memref<2048xi32, #tpu.memory_space<vmem>>, vector<16xi32>,
        %get3A_69 = vector.shape_cast %get3A_68 : vector<16xi32> to vector<16xi32>
        %eq3A = arith.cmpi eq, %get3A_69, %get3A_61 : vector<16xi32>
        %and3A_70 = arith.andi %ne3A_64, %eq3A : vector<16xi1>
        %get3A_71 = arith.constant 0 : index
        %get3A_72 = tpu.vector_load %arg10[%get3A_71] {strides = array<i32>} : memref<16xi32, #tpu.memory_space<vmem>>, vector<16xi32>,
        %get3A_73 = vector.shape_cast %get3A_72 : vector<16xi32> to vector<16xi32>
        %select_n3A_74 = arith.select %and3A_70, %add3A_6, %mul3A_9 : vector<16xi1>, vector<16xi32>
        %add3A_75 = arith.addi %get3A_73, %select_n3A_74 : vector<16xi32>
        %swap3A_76 = arith.constant 0 : index
        %swap3A_77 = tpu.vector_load %arg10[%swap3A_76] {strides = array<i32>} : memref<16xi32, #tpu.memory_space<vmem>>, vector<16xi32>,
        %swap3A_78 = vector.shape_cast %swap3A_77 : vector<16xi32> to vector<16xi32>
        %swap3A_79 = vector.shape_cast %add3A_75 : vector<16xi32> to vector<16xi32>
        tpu.vector_store %arg10[%swap3A_76], %swap3A_79 {strides = array<i32>} : memref<16xi32, #tpu.memory_space<vmem>>, vector<16xi32>,
      }
      %scan3A_55 = arith.constant 128 : i32
    }
    "tpu.region"() ({
      %run_scoped3A = tpu.sem_alloc : memref<!tpu.dma_semaphore, #tpu.memory_space<semaphore_mem>>
      %dma_start3A = arith.constant 0 : i32
      %dma_start3A_42 = tpu.memref_slice %arg6[%add3A, %dma_start3A] : memref<32x16xi32, #tpu.memory_space<hbm>> -> memref<1x16xi32, #tpu.memory_space<hbm>>
      %dma_start3A_43 = tpu.memref_squeeze %dma_start3A_42 : memref<1x16xi32, #tpu.memory_space<hbm>> -> memref<16xi32, #tpu.memory_space<hbm>>
      %dma_start3A_44 = arith.constant 0 : i32
      %dma_start3A_45 = tpu.memref_slice %arg6[%add3A, %dma_start3A_44] : memref<32x16xi32, #tpu.memory_space<hbm>> -> memref<1x16xi32, #tpu.memory_space<hbm>>
      %dma_start3A_46 = tpu.memref_squeeze %dma_start3A_45 : memref<1x16xi32, #tpu.memory_space<hbm>> -> memref<16xi32, #tpu.memory_space<hbm>>
      tpu.enqueue_dma source(%arg10 : memref<16xi32, #tpu.memory_space<vmem>>) target(%dma_start3A_46 : memref<16xi32, #tpu.memory_space<hbm>>) target_semaphore(%run_scoped3A : memref<!tpu.dma_semaphore, #tpu.memory_space<semaphore_mem>>)
      %dma_wait3A = arith.constant 0 : i32
      %dma_wait3A_47 = tpu.memref_slice %arg6[%add3A, %dma_wait3A] : memref<32x16xi32, #tpu.memory_space<hbm>> -> memref<1x16xi32, #tpu.memory_space<hbm>>
      %dma_wait3A_48 = tpu.memref_squeeze %dma_wait3A_47 : memref<1x16xi32, #tpu.memory_space<hbm>> -> memref<16xi32, #tpu.memory_space<hbm>>
      %dma_wait3A_49 = arith.constant 0 : i32
      %dma_wait3A_50 = tpu.memref_slice %arg6[%add3A, %dma_wait3A_49] : memref<32x16xi32, #tpu.memory_space<hbm>> -> memref<1x16xi32, #tpu.memory_space<hbm>>
      %dma_wait3A_51 = tpu.memref_squeeze %dma_wait3A_50 : memref<1x16xi32, #tpu.memory_space<hbm>> -> memref<16xi32, #tpu.memory_space<hbm>>
      tpu.wait_dma2 semaphore(%run_scoped3A : memref<!tpu.dma_semaphore, #tpu.memory_space<semaphore_mem>>) src(%arg10 : memref<16xi32, #tpu.memory_space<vmem>>) dst(%dma_wait3A_51 : memref<16xi32, #tpu.memory_space<hbm>>)
      tpu.yield
    }) : () -> ()
    return
  }
}

#map = affine_map<(d0, d1) -> (0)>
#map1 = affine_map<(d0, d1) -> (0, 0)>
module attributes {stable_mosaic.version = 14 : i64} {
  func.func @_classify_body(%arg0: i32, %arg1: i32, %arg2: memref<16777216xi32, #tpu.memory_space<hbm>>, %arg3: memref<16777216xi32, #tpu.memory_space<hbm>>, %arg4: memref<2139095040xi32, #tpu.memory_space<hbm>>, %arg5: memref<2139359232xi32, #tpu.memory_space<hbm>>, %arg6: memref<32x16xi32, #tpu.memory_space<hbm>>, %arg7: memref<32x16xi32, #tpu.memory_space<hbm>>, %arg8: memref<16842752xi32, #tpu.memory_space<hbm>>, %arg9: memref<16842752xi32, #tpu.memory_space<hbm>>, %arg10: memref<2048xi32, #tpu.memory_space<vmem>>, %arg11: memref<2048xi32, #tpu.memory_space<vmem>>, %arg12: memref<2048xi32, #tpu.memory_space<vmem>>, %arg13: memref<2048xi32, #tpu.memory_space<vmem>>, %arg14: memref<2048xi32, #tpu.memory_space<vmem>>, %arg15: memref<2048xi32, #tpu.memory_space<vmem>>, %arg16: memref<2048xi32, #tpu.memory_space<vmem>>, %arg17: memref<2048xi32, #tpu.memory_space<vmem>>, %arg18: memref<16xi32, #tpu.memory_space<vmem>>, %arg19: memref<16xi32, #tpu.memory_space<vmem>>, %arg20: memref<!tpu.dma_semaphore, #tpu.memory_space<semaphore_mem>>) attributes {dimension_semantics = [#tpu.dimension_semantics<core_parallel>, #tpu.dimension_semantics<subcore_parallel>], iteration_bounds = array<i64: 2, 16>, scalar_prefetch = 0 : i64, scratch_operands = 11 : i64, tpu.core_type = #tpu.core_type<sc_vector_subcore>, window_params = [{transform_indices = #map}, {transform_indices = #map}, {transform_indices = #map}, {transform_indices = #map}, {transform_indices = #map1}, {transform_indices = #map1}, {transform_indices = #map}, {transform_indices = #map}]} {
    %mul3A = arith.constant 2 : i32
    %mul3A_0 = arith.muli %arg1, %mul3A : i32
    %add3A = arith.addi %mul3A_0, %arg0 : i32
    %iota3A = tpu.iota {dimensions = array<i32: 0>} : vector<16xi32>
    %mul3A_1 = arith.constant 0 : i32
    %mul3A_2 = vector.broadcast %mul3A_1 : i32 to vector<16xi32>
    %mul3A_3 = arith.muli %iota3A, %mul3A_2 : vector<16xi32>
    %add3A_4 = arith.constant 1 : i32
    %add3A_5 = vector.broadcast %add3A_4 : i32 to vector<16xi32>
    %add3A_6 = arith.addi %mul3A_3, %add3A_5 : vector<16xi32>
    %mul3A_7 = arith.constant 0 : i32
    %mul3A_8 = vector.broadcast %mul3A_7 : i32 to vector<16xi32>
    %mul3A_9 = arith.muli %iota3A, %mul3A_8 : vector<16xi32>
    %swap3A = arith.constant 0 : index
    %swap3A_10 = tpu.vector_load %arg18[%swap3A] {strides = array<i32>} : memref<16xi32, #tpu.memory_space<vmem>>, vector<16xi32>,
    %swap3A_11 = vector.shape_cast %swap3A_10 : vector<16xi32> to vector<16xi32>
    %swap3A_12 = vector.shape_cast %mul3A_9 : vector<16xi32> to vector<16xi32>
    tpu.vector_store %arg18[%swap3A], %swap3A_12 {strides = array<i32>} : memref<16xi32, #tpu.memory_space<vmem>>, vector<16xi32>,
    %mul3A_13 = arith.constant 526336 : i32
    %mul3A_14 = arith.muli %add3A, %mul3A_13 : i32
    %scan3A = arith.constant 0 : i32
    %scan3A_15 = arith.constant 0 : i32
    %scan3A_16 = arith.constant 128 : i32
    %scan3A_17 = arith.addi %scan3A_15, %scan3A_16 : i32
    %scan3A_18 = arith.constant 1 : i32
    scf.for %scan3A_52 = %scan3A_15 to %scan3A_17 step %scan3A_18  : i32 {
      %mul3A_53 = arith.constant 16 : i32
      %mul3A_54 = arith.muli %scan3A_52, %mul3A_53 : i32
      %add3A_55 = arith.constant 2139095041 : i32
      %add3A_56 = arith.addi %add3A_55, %mul3A_54 : i32
      %add3A_57 = vector.broadcast %add3A_56 : i32 to vector<16xi32>
      %add3A_58 = arith.addi %iota3A, %add3A_57 : vector<16xi32>
      %mul3A_59 = arith.constant 16 : i32
      %mul3A_60 = arith.muli %scan3A_52, %mul3A_59 : i32
      %swap3A_61 = arith.index_cast %mul3A_60 : i32 to index
      %swap3A_62 = tpu.vector_load %arg16[%swap3A_61] {strides = array<i32>} : memref<2048xi32, #tpu.memory_space<vmem>>, vector<16xi32>,
      %swap3A_63 = vector.shape_cast %swap3A_62 : vector<16xi32> to vector<16xi32>
      %swap3A_64 = vector.shape_cast %add3A_58 : vector<16xi32> to vector<16xi32>
      tpu.vector_store %arg16[%swap3A_61], %swap3A_64 {strides = array<i32>} : memref<2048xi32, #tpu.memory_space<vmem>>, vector<16xi32>,
      %sub3A = arith.constant 1 : i32
      %sub3A_65 = vector.broadcast %sub3A : i32 to vector<16xi32>
      %sub3A_66 = arith.subi %mul3A_9, %sub3A_65 : vector<16xi32>
      %mul3A_67 = arith.constant 16 : i32
      %mul3A_68 = arith.muli %scan3A_52, %mul3A_67 : i32
      %swap3A_69 = arith.index_cast %mul3A_68 : i32 to index
      %swap3A_70 = tpu.vector_load %arg17[%swap3A_69] {strides = array<i32>} : memref<2048xi32, #tpu.memory_space<vmem>>, vector<16xi32>,
      %swap3A_71 = vector.shape_cast %swap3A_70 : vector<16xi32> to vector<16xi32>
      %swap3A_72 = vector.shape_cast %sub3A_66 : vector<16xi32> to vector<16xi32>
      tpu.vector_store %arg17[%swap3A_69], %swap3A_72 {strides = array<i32>} : memref<2048xi32, #tpu.memory_space<vmem>>, vector<16xi32>,
    }
    %scan3A_19 = arith.constant 128 : i32
    %scan3A_20 = arith.constant 0 : i32
    %scan3A_21 = arith.constant 0 : i32
    %scan3A_22 = arith.constant 0 : i32
    %scan3A_23 = arith.constant 128 : i32
    %scan3A_24 = arith.addi %scan3A_22, %scan3A_23 : i32
    %scan3A_25 = arith.constant 1 : i32
    %scan3A_26:2 = scf.for %scan3A_52 = %scan3A_22 to %scan3A_24 step %scan3A_25 iter_args(%scan3A_53 = %scan3A_20, %scan3A_54 = %scan3A_21) -> (i32, i32)  : i32 {
      %mul3A_55 = arith.constant 524288 : i32
      %mul3A_56 = arith.muli %add3A, %mul3A_55 : i32
      %mul3A_57 = arith.constant 2 : i32
      %mul3A_58 = arith.muli %mul3A_57, %scan3A_52 : i32
      %mul3A_59 = arith.constant 2048 : i32
      %mul3A_60 = arith.muli %mul3A_58, %mul3A_59 : i32
      %add3A_61 = arith.addi %mul3A_56, %mul3A_60 : i32
      %add3A_62 = arith.constant 2048 : i32
      %add3A_63 = arith.addi %add3A_61, %add3A_62 : i32
      "tpu.region"() ({
        %run_scoped3A = tpu.sem_alloc : memref<!tpu.dma_semaphore, #tpu.memory_space<semaphore_mem>>
        %dma_start3A_84 = tpu.memref_slice %arg2[%add3A_61] : memref<16777216xi32, #tpu.memory_space<hbm>> -> memref<2048xi32, #tpu.memory_space<hbm>>
        %dma_start3A_85 = tpu.memref_slice %arg2[%add3A_61] : memref<16777216xi32, #tpu.memory_space<hbm>> -> memref<2048xi32, #tpu.memory_space<hbm>>
        tpu.enqueue_dma source(%dma_start3A_85 : memref<2048xi32, #tpu.memory_space<hbm>>) target(%arg11 : memref<2048xi32, #tpu.memory_space<vmem>>) target_semaphore(%run_scoped3A : memref<!tpu.dma_semaphore, #tpu.memory_space<semaphore_mem>>)
        %dma_wait3A_86 = tpu.memref_slice %arg2[%add3A_61] : memref<16777216xi32, #tpu.memory_space<hbm>> -> memref<2048xi32, #tpu.memory_space<hbm>>
        %dma_wait3A_87 = tpu.memref_slice %arg2[%add3A_61] : memref<16777216xi32, #tpu.memory_space<hbm>> -> memref<2048xi32, #tpu.memory_space<hbm>>
        tpu.wait_dma2 semaphore(%run_scoped3A : memref<!tpu.dma_semaphore, #tpu.memory_space<semaphore_mem>>) src(%dma_wait3A_87 : memref<2048xi32, #tpu.memory_space<hbm>>) dst(%arg11 : memref<2048xi32, #tpu.memory_space<vmem>>)
        tpu.yield
      }) : () -> ()
      "tpu.region"() ({
        %run_scoped3A = tpu.sem_alloc : memref<!tpu.dma_semaphore, #tpu.memory_space<semaphore_mem>>
        %dma_start3A_84 = tpu.memref_slice %arg3[%add3A_61] : memref<16777216xi32, #tpu.memory_space<hbm>> -> memref<2048xi32, #tpu.memory_space<hbm>>
        %dma_start3A_85 = tpu.memref_slice %arg3[%add3A_61] : memref<16777216xi32, #tpu.memory_space<hbm>> -> memref<2048xi32, #tpu.memory_space<hbm>>
        tpu.enqueue_dma source(%dma_start3A_85 : memref<2048xi32, #tpu.memory_space<hbm>>) target(%arg10 : memref<2048xi32, #tpu.memory_space<vmem>>) target_semaphore(%run_scoped3A : memref<!tpu.dma_semaphore, #tpu.memory_space<semaphore_mem>>)
        %dma_wait3A_86 = tpu.memref_slice %arg3[%add3A_61] : memref<16777216xi32, #tpu.memory_space<hbm>> -> memref<2048xi32, #tpu.memory_space<hbm>>
        %dma_wait3A_87 = tpu.memref_slice %arg3[%add3A_61] : memref<16777216xi32, #tpu.memory_space<hbm>> -> memref<2048xi32, #tpu.memory_space<hbm>>
        tpu.wait_dma2 semaphore(%run_scoped3A : memref<!tpu.dma_semaphore, #tpu.memory_space<semaphore_mem>>) src(%dma_wait3A_87 : memref<2048xi32, #tpu.memory_space<hbm>>) dst(%arg10 : memref<2048xi32, #tpu.memory_space<vmem>>)
        tpu.yield
      }) : () -> ()
      %dma_start3A_64 = arith.constant 0 : i32
      %dma_start3A_65 = tpu.memref_slice %arg4[%dma_start3A_64] : memref<2139095040xi32, #tpu.memory_space<hbm>> -> memref<2139095040xi32, #tpu.memory_space<hbm>>
      tpu.enqueue_indirect_dma source(%dma_start3A_65 : memref<2139095040xi32, #tpu.memory_space<hbm>>) target(%arg12 : memref<2048xi32, #tpu.memory_space<vmem>>) offsets(%arg11 : memref<2048xi32, #tpu.memory_space<vmem>>) semaphore(%arg20 : memref<!tpu.dma_semaphore, #tpu.memory_space<semaphore_mem>>)
      "tpu.region"() ({
        %run_scoped3A = tpu.sem_alloc : memref<!tpu.dma_semaphore, #tpu.memory_space<semaphore_mem>>
        %dma_start3A_84 = tpu.memref_slice %arg2[%add3A_63] : memref<16777216xi32, #tpu.memory_space<hbm>> -> memref<2048xi32, #tpu.memory_space<hbm>>
        %dma_start3A_85 = tpu.memref_slice %arg2[%add3A_63] : memref<16777216xi32, #tpu.memory_space<hbm>> -> memref<2048xi32, #tpu.memory_space<hbm>>
        tpu.enqueue_dma source(%dma_start3A_85 : memref<2048xi32, #tpu.memory_space<hbm>>) target(%arg14 : memref<2048xi32, #tpu.memory_space<vmem>>) target_semaphore(%run_scoped3A : memref<!tpu.dma_semaphore, #tpu.memory_space<semaphore_mem>>)
        %dma_wait3A_86 = tpu.memref_slice %arg2[%add3A_63] : memref<16777216xi32, #tpu.memory_space<hbm>> -> memref<2048xi32, #tpu.memory_space<hbm>>
        %dma_wait3A_87 = tpu.memref_slice %arg2[%add3A_63] : memref<16777216xi32, #tpu.memory_space<hbm>> -> memref<2048xi32, #tpu.memory_space<hbm>>
        tpu.wait_dma2 semaphore(%run_scoped3A : memref<!tpu.dma_semaphore, #tpu.memory_space<semaphore_mem>>) src(%dma_wait3A_87 : memref<2048xi32, #tpu.memory_space<hbm>>) dst(%arg14 : memref<2048xi32, #tpu.memory_space<vmem>>)
        tpu.yield
      }) : () -> ()
      "tpu.region"() ({
        %run_scoped3A = tpu.sem_alloc : memref<!tpu.dma_semaphore, #tpu.memory_space<semaphore_mem>>
        %dma_start3A_84 = tpu.memref_slice %arg3[%add3A_63] : memref<16777216xi32, #tpu.memory_space<hbm>> -> memref<2048xi32, #tpu.memory_space<hbm>>
        %dma_start3A_85 = tpu.memref_slice %arg3[%add3A_63] : memref<16777216xi32, #tpu.memory_space<hbm>> -> memref<2048xi32, #tpu.memory_space<hbm>>
        tpu.enqueue_dma source(%dma_start3A_85 : memref<2048xi32, #tpu.memory_space<hbm>>) target(%arg13 : memref<2048xi32, #tpu.memory_space<vmem>>) target_semaphore(%run_scoped3A : memref<!tpu.dma_semaphore, #tpu.memory_space<semaphore_mem>>)
        %dma_wait3A_86 = tpu.memref_slice %arg3[%add3A_63] : memref<16777216xi32, #tpu.memory_space<hbm>> -> memref<2048xi32, #tpu.memory_space<hbm>>
        %dma_wait3A_87 = tpu.memref_slice %arg3[%add3A_63] : memref<16777216xi32, #tpu.memory_space<hbm>> -> memref<2048xi32, #tpu.memory_space<hbm>>
        tpu.wait_dma2 semaphore(%run_scoped3A : memref<!tpu.dma_semaphore, #tpu.memory_space<semaphore_mem>>) src(%dma_wait3A_87 : memref<2048xi32, #tpu.memory_space<hbm>>) dst(%arg13 : memref<2048xi32, #tpu.memory_space<vmem>>)
        tpu.yield
      }) : () -> ()
      %dma_start3A_66 = arith.constant 0 : i32
      %dma_start3A_67 = tpu.memref_slice %arg4[%dma_start3A_66] : memref<2139095040xi32, #tpu.memory_space<hbm>> -> memref<2139095040xi32, #tpu.memory_space<hbm>>
      tpu.enqueue_indirect_dma source(%dma_start3A_67 : memref<2139095040xi32, #tpu.memory_space<hbm>>) target(%arg15 : memref<2048xi32, #tpu.memory_space<vmem>>) offsets(%arg14 : memref<2048xi32, #tpu.memory_space<vmem>>) semaphore(%arg20 : memref<!tpu.dma_semaphore, #tpu.memory_space<semaphore_mem>>)
      %dma_wait3A_68 = arith.constant 0 : i32
      %dma_wait3A_69 = tpu.memref_slice %arg4[%dma_wait3A_68] : memref<2139095040xi32, #tpu.memory_space<hbm>> -> memref<2139095040xi32, #tpu.memory_space<hbm>>
      tpu.wait_indirect_dma semaphore(%arg20 : memref<!tpu.dma_semaphore, #tpu.memory_space<semaphore_mem>>) src(%dma_wait3A_69 : memref<2139095040xi32, #tpu.memory_space<hbm>>) dst(%arg12 : memref<2048xi32, #tpu.memory_space<vmem>>)
      %scan3A_70 = arith.constant 0 : i32
      %scan3A_71 = arith.constant 128 : i32
      %scan3A_72 = arith.addi %scan3A_70, %scan3A_71 : i32
      %scan3A_73 = arith.constant 1 : i32
      %scan3A_74:2 = scf.for %scan3A_84 = %scan3A_70 to %scan3A_72 step %scan3A_73 iter_args(%scan3A_85 = %scan3A_53, %scan3A_86 = %scan3A_54) -> (i32, i32)  : i32 {
        %mul3A_87 = arith.constant 16 : i32
        %mul3A_88 = arith.muli %scan3A_84, %mul3A_87 : i32
        %get3A = arith.index_cast %mul3A_88 : i32 to index
        %get3A_89 = tpu.vector_load %arg10[%get3A] {strides = array<i32>} : memref<2048xi32, #tpu.memory_space<vmem>>, vector<16xi32>,
        %get3A_90 = vector.shape_cast %get3A_89 : vector<16xi32> to vector<16xi32>
        %and3A = arith.constant 1 : i32
        %and3A_91 = vector.broadcast %and3A : i32 to vector<16xi32>
        %and3A_92 = arith.andi %get3A_90, %and3A_91 : vector<16xi32>
        %mul3A_93 = arith.constant 16 : i32
        %mul3A_94 = arith.muli %scan3A_84, %mul3A_93 : i32
        %get3A_95 = arith.index_cast %mul3A_94 : i32 to index
        %get3A_96 = tpu.vector_load %arg12[%get3A_95] {strides = array<i32>} : memref<2048xi32, #tpu.memory_space<vmem>>, vector<16xi32>,
        %get3A_97 = vector.shape_cast %get3A_96 : vector<16xi32> to vector<16xi32>
        %get3A_98 = arith.constant 0 : index
        %get3A_99 = tpu.vector_load %arg18[%get3A_98] {strides = array<i32>} : memref<16xi32, #tpu.memory_space<vmem>>, vector<16xi32>,
        %get3A_100 = vector.shape_cast %get3A_99 : vector<16xi32> to vector<16xi32>
        %eq3A = arith.cmpi eq, %get3A_97, %get3A_90 : vector<16xi32>
        %select_n3A = arith.select %eq3A, %add3A_6, %mul3A_9 : vector<16xi1>, vector<16xi32>
        %add3A_101 = arith.addi %get3A_100, %select_n3A : vector<16xi32>
        %swap3A_102 = arith.constant 0 : index
        %swap3A_103 = tpu.vector_load %arg18[%swap3A_102] {strides = array<i32>} : memref<16xi32, #tpu.memory_space<vmem>>, vector<16xi32>,
        %swap3A_104 = vector.shape_cast %swap3A_103 : vector<16xi32> to vector<16xi32>
        %swap3A_105 = vector.shape_cast %add3A_101 : vector<16xi32> to vector<16xi32>
        tpu.vector_store %arg18[%swap3A_102], %swap3A_105 {strides = array<i32>} : memref<16xi32, #tpu.memory_space<vmem>>, vector<16xi32>,
        %and3A_106 = arith.constant 1 : i32
        %and3A_107 = vector.broadcast %and3A_106 : i32 to vector<16xi32>
        %and3A_108 = arith.andi %get3A_97, %and3A_107 : vector<16xi32>
        %ne3A = arith.cmpi ne, %and3A_108, %and3A_92 : vector<16xi32>
        %select_n3A_109 = arith.select %ne3A, %add3A_6, %mul3A_9 : vector<16xi1>, vector<16xi32>
        %mul3A_110 = arith.constant 16 : i32
        %mul3A_111 = arith.muli %scan3A_84, %mul3A_110 : i32
        %get3A_112 = arith.index_cast %mul3A_111 : i32 to index
        %get3A_113 = tpu.vector_load %arg11[%get3A_112] {strides = array<i32>} : memref<2048xi32, #tpu.memory_space<vmem>>, vector<16xi32>,
        %get3A_114 = vector.shape_cast %get3A_113 : vector<16xi32> to vector<16xi32>
        %slice3A = vector.extract_strided_slice %select_n3A_109 {offsets = [0], sizes = [1], strides = [1]} : vector<16xi32> to vector<1xi32>
        %squeeze3A = vector.extract %slice3A[0] : i32 from vector<1xi32>
        %slice3A_115 = vector.extract_strided_slice %select_n3A_109 {offsets = [1], sizes = [1], strides = [1]} : vector<16xi32> to vector<1xi32>
        %squeeze3A_116 = vector.extract %slice3A_115[0] : i32 from vector<1xi32>
        %add3A_117 = arith.addi %squeeze3A, %squeeze3A_116 : i32
        %slice3A_118 = vector.extract_strided_slice %select_n3A_109 {offsets = [2], sizes = [1], strides = [1]} : vector<16xi32> to vector<1xi32>
        %squeeze3A_119 = vector.extract %slice3A_118[0] : i32 from vector<1xi32>
        %add3A_120 = arith.addi %add3A_117, %squeeze3A_119 : i32
        %slice3A_121 = vector.extract_strided_slice %select_n3A_109 {offsets = [3], sizes = [1], strides = [1]} : vector<16xi32> to vector<1xi32>
        %squeeze3A_122 = vector.extract %slice3A_121[0] : i32 from vector<1xi32>
        %add3A_123 = arith.addi %add3A_120, %squeeze3A_122 : i32
        %slice3A_124 = vector.extract_strided_slice %select_n3A_109 {offsets = [4], sizes = [1], strides = [1]} : vector<16xi32> to vector<1xi32>
        %squeeze3A_125 = vector.extract %slice3A_124[0] : i32 from vector<1xi32>
        %add3A_126 = arith.addi %add3A_123, %squeeze3A_125 : i32
        %slice3A_127 = vector.extract_strided_slice %select_n3A_109 {offsets = [5], sizes = [1], strides = [1]} : vector<16xi32> to vector<1xi32>
        %squeeze3A_128 = vector.extract %slice3A_127[0] : i32 from vector<1xi32>
        %add3A_129 = arith.addi %add3A_126, %squeeze3A_128 : i32
        %slice3A_130 = vector.extract_strided_slice %select_n3A_109 {offsets = [6], sizes = [1], strides = [1]} : vector<16xi32> to vector<1xi32>
        %squeeze3A_131 = vector.extract %slice3A_130[0] : i32 from vector<1xi32>
        %add3A_132 = arith.addi %add3A_129, %squeeze3A_131 : i32
        %slice3A_133 = vector.extract_strided_slice %select_n3A_109 {offsets = [7], sizes = [1], strides = [1]} : vector<16xi32> to vector<1xi32>
        %squeeze3A_134 = vector.extract %slice3A_133[0] : i32 from vector<1xi32>
        %add3A_135 = arith.addi %add3A_132, %squeeze3A_134 : i32
        %slice3A_136 = vector.extract_strided_slice %select_n3A_109 {offsets = [8], sizes = [1], strides = [1]} : vector<16xi32> to vector<1xi32>
        %squeeze3A_137 = vector.extract %slice3A_136[0] : i32 from vector<1xi32>
        %add3A_138 = arith.addi %add3A_135, %squeeze3A_137 : i32
        %slice3A_139 = vector.extract_strided_slice %select_n3A_109 {offsets = [9], sizes = [1], strides = [1]} : vector<16xi32> to vector<1xi32>
        %squeeze3A_140 = vector.extract %slice3A_139[0] : i32 from vector<1xi32>
        %add3A_141 = arith.addi %add3A_138, %squeeze3A_140 : i32
        %slice3A_142 = vector.extract_strided_slice %select_n3A_109 {offsets = [10], sizes = [1], strides = [1]} : vector<16xi32> to vector<1xi32>
        %squeeze3A_143 = vector.extract %slice3A_142[0] : i32 from vector<1xi32>
        %add3A_144 = arith.addi %add3A_141, %squeeze3A_143 : i32
        %slice3A_145 = vector.extract_strided_slice %select_n3A_109 {offsets = [11], sizes = [1], strides = [1]} : vector<16xi32> to vector<1xi32>
        %squeeze3A_146 = vector.extract %slice3A_145[0] : i32 from vector<1xi32>
        %add3A_147 = arith.addi %add3A_144, %squeeze3A_146 : i32
        %slice3A_148 = vector.extract_strided_slice %select_n3A_109 {offsets = [12], sizes = [1], strides = [1]} : vector<16xi32> to vector<1xi32>
        %squeeze3A_149 = vector.extract %slice3A_148[0] : i32 from vector<1xi32>
        %add3A_150 = arith.addi %add3A_147, %squeeze3A_149 : i32
        %slice3A_151 = vector.extract_strided_slice %select_n3A_109 {offsets = [13], sizes = [1], strides = [1]} : vector<16xi32> to vector<1xi32>
        %squeeze3A_152 = vector.extract %slice3A_151[0] : i32 from vector<1xi32>
        %add3A_153 = arith.addi %add3A_150, %squeeze3A_152 : i32
        %slice3A_154 = vector.extract_strided_slice %select_n3A_109 {offsets = [14], sizes = [1], strides = [1]} : vector<16xi32> to vector<1xi32>
        %squeeze3A_155 = vector.extract %slice3A_154[0] : i32 from vector<1xi32>
        %add3A_156 = arith.addi %add3A_153, %squeeze3A_155 : i32
        %slice3A_157 = vector.extract_strided_slice %select_n3A_109 {offsets = [15], sizes = [1], strides = [1]} : vector<16xi32> to vector<1xi32>
        %squeeze3A_158 = vector.extract %slice3A_157[0] : i32 from vector<1xi32>
        %add3A_159 = arith.addi %add3A_156, %squeeze3A_158 : i32
        %gt3A = arith.constant 0 : i32
        %gt3A_160 = arith.cmpi sgt, %add3A_159, %gt3A : i32
        %convert_element_type3A = arith.extui %gt3A_160 : i1 to i32
        %cond3A = arith.constant 0 : i32
        %cond3A_161 = arith.cmpi ne, %convert_element_type3A, %cond3A : i32
        scf.if %cond3A_161 {
          %slice3A_176 = vector.extract_strided_slice %select_n3A_109 {offsets = [0], sizes = [1], strides = [1]} : vector<16xi32> to vector<1xi32>
          %squeeze3A_177 = vector.extract %slice3A_176[0] : i32 from vector<1xi32>
          %gt3A_178 = arith.constant 0 : i32
          %gt3A_179 = arith.cmpi sgt, %squeeze3A_177, %gt3A_178 : i32
          %convert_element_type3A_180 = arith.extui %gt3A_179 : i1 to i32
          %cond3A_181 = arith.constant 0 : i32
          %cond3A_182 = arith.cmpi ne, %convert_element_type3A_180, %cond3A_181 : i32
          scf.if %cond3A_182 {
            %add3A_288 = arith.constant 0 : i32
            %add3A_289 = arith.addi %scan3A_85, %add3A_288 : i32
            %slice3A_290 = vector.extract_strided_slice %get3A_114 {offsets = [0], sizes = [1], strides = [1]} : vector<16xi32> to vector<1xi32>
            %squeeze3A_291 = vector.extract %slice3A_290[0] : i32 from vector<1xi32>
            %add3A_292 = vector.broadcast %squeeze3A_291 : i32 to vector<16xi32>
            %add3A_293 = arith.addi %mul3A_9, %add3A_292 : vector<16xi32>
            %swap3A_294 = arith.index_cast %add3A_289 : i32 to index
            %swap3A_295 = tpu.vector_load %arg16[%swap3A_294] {strides = array<i32>} : memref<2048xi32, #tpu.memory_space<vmem>>, vector<16xi32>,
            %swap3A_296 = vector.shape_cast %swap3A_295 : vector<16xi32> to vector<16xi32>
            %swap3A_297 = vector.shape_cast %add3A_293 : vector<16xi32> to vector<16xi32>
            tpu.vector_store %arg16[%swap3A_294], %swap3A_297 {strides = array<i32>} : memref<2048xi32, #tpu.memory_space<vmem>>, vector<16xi32>,
            %slice3A_298 = vector.extract_strided_slice %get3A_90 {offsets = [0], sizes = [1], strides = [1]} : vector<16xi32> to vector<1xi32>
            %squeeze3A_299 = vector.extract %slice3A_298[0] : i32 from vector<1xi32>
            %add3A_300 = vector.broadcast %squeeze3A_299 : i32 to vector<16xi32>
            %add3A_301 = arith.addi %mul3A_9, %add3A_300 : vector<16xi32>
            %swap3A_302 = arith.index_cast %add3A_289 : i32 to index
            %swap3A_303 = tpu.vector_load %arg17[%swap3A_302] {strides = array<i32>} : memref<2048xi32, #tpu.memory_space<vmem>>, vector<16xi32>,
            %swap3A_304 = vector.shape_cast %swap3A_303 : vector<16xi32> to vector<16xi32>
            %swap3A_305 = vector.shape_cast %add3A_301 : vector<16xi32> to vector<16xi32>
            tpu.vector_store %arg17[%swap3A_302], %swap3A_305 {strides = array<i32>} : memref<2048xi32, #tpu.memory_space<vmem>>, vector<16xi32>,
          } else {
          }
          %slice3A_183 = vector.extract_strided_slice %select_n3A_109 {offsets = [1], sizes = [1], strides = [1]} : vector<16xi32> to vector<1xi32>
          %squeeze3A_184 = vector.extract %slice3A_183[0] : i32 from vector<1xi32>
          %gt3A_185 = arith.constant 0 : i32
          %gt3A_186 = arith.cmpi sgt, %squeeze3A_184, %gt3A_185 : i32
          %convert_element_type3A_187 = arith.extui %gt3A_186 : i1 to i32
          %cond3A_188 = arith.constant 0 : i32
          %cond3A_189 = arith.cmpi ne, %convert_element_type3A_187, %cond3A_188 : i32
          scf.if %cond3A_189 {
            %add3A_288 = arith.addi %scan3A_85, %squeeze3A : i32
            %slice3A_289 = vector.extract_strided_slice %get3A_114 {offsets = [1], sizes = [1], strides = [1]} : vector<16xi32> to vector<1xi32>
            %squeeze3A_290 = vector.extract %slice3A_289[0] : i32 from vector<1xi32>
            %add3A_291 = vector.broadcast %squeeze3A_290 : i32 to vector<16xi32>
            %add3A_292 = arith.addi %mul3A_9, %add3A_291 : vector<16xi32>
            %swap3A_293 = arith.index_cast %add3A_288 : i32 to index
            %swap3A_294 = tpu.vector_load %arg16[%swap3A_293] {strides = array<i32>} : memref<2048xi32, #tpu.memory_space<vmem>>, vector<16xi32>,
            %swap3A_295 = vector.shape_cast %swap3A_294 : vector<16xi32> to vector<16xi32>
            %swap3A_296 = vector.shape_cast %add3A_292 : vector<16xi32> to vector<16xi32>
            tpu.vector_store %arg16[%swap3A_293], %swap3A_296 {strides = array<i32>} : memref<2048xi32, #tpu.memory_space<vmem>>, vector<16xi32>,
            %slice3A_297 = vector.extract_strided_slice %get3A_90 {offsets = [1], sizes = [1], strides = [1]} : vector<16xi32> to vector<1xi32>
            %squeeze3A_298 = vector.extract %slice3A_297[0] : i32 from vector<1xi32>
            %add3A_299 = vector.broadcast %squeeze3A_298 : i32 to vector<16xi32>
            %add3A_300 = arith.addi %mul3A_9, %add3A_299 : vector<16xi32>
            %swap3A_301 = arith.index_cast %add3A_288 : i32 to index
            %swap3A_302 = tpu.vector_load %arg17[%swap3A_301] {strides = array<i32>} : memref<2048xi32, #tpu.memory_space<vmem>>, vector<16xi32>,
            %swap3A_303 = vector.shape_cast %swap3A_302 : vector<16xi32> to vector<16xi32>
            %swap3A_304 = vector.shape_cast %add3A_300 : vector<16xi32> to vector<16xi32>
            tpu.vector_store %arg17[%swap3A_301], %swap3A_304 {strides = array<i32>} : memref<2048xi32, #tpu.memory_space<vmem>>, vector<16xi32>,
          } else {
          }
          %slice3A_190 = vector.extract_strided_slice %select_n3A_109 {offsets = [2], sizes = [1], strides = [1]} : vector<16xi32> to vector<1xi32>
          %squeeze3A_191 = vector.extract %slice3A_190[0] : i32 from vector<1xi32>
          %gt3A_192 = arith.constant 0 : i32
          %gt3A_193 = arith.cmpi sgt, %squeeze3A_191, %gt3A_192 : i32
          %convert_element_type3A_194 = arith.extui %gt3A_193 : i1 to i32
          %cond3A_195 = arith.constant 0 : i32
          %cond3A_196 = arith.cmpi ne, %convert_element_type3A_194, %cond3A_195 : i32
          scf.if %cond3A_196 {
            %add3A_288 = arith.addi %scan3A_85, %add3A_117 : i32
            %slice3A_289 = vector.extract_strided_slice %get3A_114 {offsets = [2], sizes = [1], strides = [1]} : vector<16xi32> to vector<1xi32>
            %squeeze3A_290 = vector.extract %slice3A_289[0] : i32 from vector<1xi32>
            %add3A_291 = vector.broadcast %squeeze3A_290 : i32 to vector<16xi32>
            %add3A_292 = arith.addi %mul3A_9, %add3A_291 : vector<16xi32>
            %swap3A_293 = arith.index_cast %add3A_288 : i32 to index
            %swap3A_294 = tpu.vector_load %arg16[%swap3A_293] {strides = array<i32>} : memref<2048xi32, #tpu.memory_space<vmem>>, vector<16xi32>,
            %swap3A_295 = vector.shape_cast %swap3A_294 : vector<16xi32> to vector<16xi32>
            %swap3A_296 = vector.shape_cast %add3A_292 : vector<16xi32> to vector<16xi32>
            tpu.vector_store %arg16[%swap3A_293], %swap3A_296 {strides = array<i32>} : memref<2048xi32, #tpu.memory_space<vmem>>, vector<16xi32>,
            %slice3A_297 = vector.extract_strided_slice %get3A_90 {offsets = [2], sizes = [1], strides = [1]} : vector<16xi32> to vector<1xi32>
            %squeeze3A_298 = vector.extract %slice3A_297[0] : i32 from vector<1xi32>
            %add3A_299 = vector.broadcast %squeeze3A_298 : i32 to vector<16xi32>
            %add3A_300 = arith.addi %mul3A_9, %add3A_299 : vector<16xi32>
            %swap3A_301 = arith.index_cast %add3A_288 : i32 to index
            %swap3A_302 = tpu.vector_load %arg17[%swap3A_301] {strides = array<i32>} : memref<2048xi32, #tpu.memory_space<vmem>>, vector<16xi32>,
            %swap3A_303 = vector.shape_cast %swap3A_302 : vector<16xi32> to vector<16xi32>
            %swap3A_304 = vector.shape_cast %add3A_300 : vector<16xi32> to vector<16xi32>
            tpu.vector_store %arg17[%swap3A_301], %swap3A_304 {strides = array<i32>} : memref<2048xi32, #tpu.memory_space<vmem>>, vector<16xi32>,
          } else {
          }
          %slice3A_197 = vector.extract_strided_slice %select_n3A_109 {offsets = [3], sizes = [1], strides = [1]} : vector<16xi32> to vector<1xi32>
          %squeeze3A_198 = vector.extract %slice3A_197[0] : i32 from vector<1xi32>
          %gt3A_199 = arith.constant 0 : i32
          %gt3A_200 = arith.cmpi sgt, %squeeze3A_198, %gt3A_199 : i32
          %convert_element_type3A_201 = arith.extui %gt3A_200 : i1 to i32
          %cond3A_202 = arith.constant 0 : i32
          %cond3A_203 = arith.cmpi ne, %convert_element_type3A_201, %cond3A_202 : i32
          scf.if %cond3A_203 {
            %add3A_288 = arith.addi %scan3A_85, %add3A_120 : i32
            %slice3A_289 = vector.extract_strided_slice %get3A_114 {offsets = [3], sizes = [1], strides = [1]} : vector<16xi32> to vector<1xi32>
            %squeeze3A_290 = vector.extract %slice3A_289[0] : i32 from vector<1xi32>
            %add3A_291 = vector.broadcast %squeeze3A_290 : i32 to vector<16xi32>
            %add3A_292 = arith.addi %mul3A_9, %add3A_291 : vector<16xi32>
            %swap3A_293 = arith.index_cast %add3A_288 : i32 to index
            %swap3A_294 = tpu.vector_load %arg16[%swap3A_293] {strides = array<i32>} : memref<2048xi32, #tpu.memory_space<vmem>>, vector<16xi32>,
            %swap3A_295 = vector.shape_cast %swap3A_294 : vector<16xi32> to vector<16xi32>
            %swap3A_296 = vector.shape_cast %add3A_292 : vector<16xi32> to vector<16xi32>
            tpu.vector_store %arg16[%swap3A_293], %swap3A_296 {strides = array<i32>} : memref<2048xi32, #tpu.memory_space<vmem>>, vector<16xi32>,
            %slice3A_297 = vector.extract_strided_slice %get3A_90 {offsets = [3], sizes = [1], strides = [1]} : vector<16xi32> to vector<1xi32>
            %squeeze3A_298 = vector.extract %slice3A_297[0] : i32 from vector<1xi32>
            %add3A_299 = vector.broadcast %squeeze3A_298 : i32 to vector<16xi32>
            %add3A_300 = arith.addi %mul3A_9, %add3A_299 : vector<16xi32>
            %swap3A_301 = arith.index_cast %add3A_288 : i32 to index
            %swap3A_302 = tpu.vector_load %arg17[%swap3A_301] {strides = array<i32>} : memref<2048xi32, #tpu.memory_space<vmem>>, vector<16xi32>,
            %swap3A_303 = vector.shape_cast %swap3A_302 : vector<16xi32> to vector<16xi32>
            %swap3A_304 = vector.shape_cast %add3A_300 : vector<16xi32> to vector<16xi32>
            tpu.vector_store %arg17[%swap3A_301], %swap3A_304 {strides = array<i32>} : memref<2048xi32, #tpu.memory_space<vmem>>, vector<16xi32>,
          } else {
          }
          %slice3A_204 = vector.extract_strided_slice %select_n3A_109 {offsets = [4], sizes = [1], strides = [1]} : vector<16xi32> to vector<1xi32>
          %squeeze3A_205 = vector.extract %slice3A_204[0] : i32 from vector<1xi32>
          %gt3A_206 = arith.constant 0 : i32
          %gt3A_207 = arith.cmpi sgt, %squeeze3A_205, %gt3A_206 : i32
          %convert_element_type3A_208 = arith.extui %gt3A_207 : i1 to i32
          %cond3A_209 = arith.constant 0 : i32
          %cond3A_210 = arith.cmpi ne, %convert_element_type3A_208, %cond3A_209 : i32
          scf.if %cond3A_210 {
            %add3A_288 = arith.addi %scan3A_85, %add3A_123 : i32
            %slice3A_289 = vector.extract_strided_slice %get3A_114 {offsets = [4], sizes = [1], strides = [1]} : vector<16xi32> to vector<1xi32>
            %squeeze3A_290 = vector.extract %slice3A_289[0] : i32 from vector<1xi32>
            %add3A_291 = vector.broadcast %squeeze3A_290 : i32 to vector<16xi32>
            %add3A_292 = arith.addi %mul3A_9, %add3A_291 : vector<16xi32>
            %swap3A_293 = arith.index_cast %add3A_288 : i32 to index
            %swap3A_294 = tpu.vector_load %arg16[%swap3A_293] {strides = array<i32>} : memref<2048xi32, #tpu.memory_space<vmem>>, vector<16xi32>,
            %swap3A_295 = vector.shape_cast %swap3A_294 : vector<16xi32> to vector<16xi32>
            %swap3A_296 = vector.shape_cast %add3A_292 : vector<16xi32> to vector<16xi32>
            tpu.vector_store %arg16[%swap3A_293], %swap3A_296 {strides = array<i32>} : memref<2048xi32, #tpu.memory_space<vmem>>, vector<16xi32>,
            %slice3A_297 = vector.extract_strided_slice %get3A_90 {offsets = [4], sizes = [1], strides = [1]} : vector<16xi32> to vector<1xi32>
            %squeeze3A_298 = vector.extract %slice3A_297[0] : i32 from vector<1xi32>
            %add3A_299 = vector.broadcast %squeeze3A_298 : i32 to vector<16xi32>
            %add3A_300 = arith.addi %mul3A_9, %add3A_299 : vector<16xi32>
            %swap3A_301 = arith.index_cast %add3A_288 : i32 to index
            %swap3A_302 = tpu.vector_load %arg17[%swap3A_301] {strides = array<i32>} : memref<2048xi32, #tpu.memory_space<vmem>>, vector<16xi32>,
            %swap3A_303 = vector.shape_cast %swap3A_302 : vector<16xi32> to vector<16xi32>
            %swap3A_304 = vector.shape_cast %add3A_300 : vector<16xi32> to vector<16xi32>
            tpu.vector_store %arg17[%swap3A_301], %swap3A_304 {strides = array<i32>} : memref<2048xi32, #tpu.memory_space<vmem>>, vector<16xi32>,
          } else {
          }
          %slice3A_211 = vector.extract_strided_slice %select_n3A_109 {offsets = [5], sizes = [1], strides = [1]} : vector<16xi32> to vector<1xi32>
          %squeeze3A_212 = vector.extract %slice3A_211[0] : i32 from vector<1xi32>
          %gt3A_213 = arith.constant 0 : i32
          %gt3A_214 = arith.cmpi sgt, %squeeze3A_212, %gt3A_213 : i32
          %convert_element_type3A_215 = arith.extui %gt3A_214 : i1 to i32
          %cond3A_216 = arith.constant 0 : i32
          %cond3A_217 = arith.cmpi ne, %convert_element_type3A_215, %cond3A_216 : i32
          scf.if %cond3A_217 {
            %add3A_288 = arith.addi %scan3A_85, %add3A_126 : i32
            %slice3A_289 = vector.extract_strided_slice %get3A_114 {offsets = [5], sizes = [1], strides = [1]} : vector<16xi32> to vector<1xi32>
            %squeeze3A_290 = vector.extract %slice3A_289[0] : i32 from vector<1xi32>
            %add3A_291 = vector.broadcast %squeeze3A_290 : i32 to vector<16xi32>
            %add3A_292 = arith.addi %mul3A_9, %add3A_291 : vector<16xi32>
            %swap3A_293 = arith.index_cast %add3A_288 : i32 to index
            %swap3A_294 = tpu.vector_load %arg16[%swap3A_293] {strides = array<i32>} : memref<2048xi32, #tpu.memory_space<vmem>>, vector<16xi32>,
            %swap3A_295 = vector.shape_cast %swap3A_294 : vector<16xi32> to vector<16xi32>
            %swap3A_296 = vector.shape_cast %add3A_292 : vector<16xi32> to vector<16xi32>
            tpu.vector_store %arg16[%swap3A_293], %swap3A_296 {strides = array<i32>} : memref<2048xi32, #tpu.memory_space<vmem>>, vector<16xi32>,
            %slice3A_297 = vector.extract_strided_slice %get3A_90 {offsets = [5], sizes = [1], strides = [1]} : vector<16xi32> to vector<1xi32>
            %squeeze3A_298 = vector.extract %slice3A_297[0] : i32 from vector<1xi32>
            %add3A_299 = vector.broadcast %squeeze3A_298 : i32 to vector<16xi32>
            %add3A_300 = arith.addi %mul3A_9, %add3A_299 : vector<16xi32>
            %swap3A_301 = arith.index_cast %add3A_288 : i32 to index
            %swap3A_302 = tpu.vector_load %arg17[%swap3A_301] {strides = array<i32>} : memref<2048xi32, #tpu.memory_space<vmem>>, vector<16xi32>,
            %swap3A_303 = vector.shape_cast %swap3A_302 : vector<16xi32> to vector<16xi32>
            %swap3A_304 = vector.shape_cast %add3A_300 : vector<16xi32> to vector<16xi32>
            tpu.vector_store %arg17[%swap3A_301], %swap3A_304 {strides = array<i32>} : memref<2048xi32, #tpu.memory_space<vmem>>, vector<16xi32>,
          } else {
          }
          %slice3A_218 = vector.extract_strided_slice %select_n3A_109 {offsets = [6], sizes = [1], strides = [1]} : vector<16xi32> to vector<1xi32>
          %squeeze3A_219 = vector.extract %slice3A_218[0] : i32 from vector<1xi32>
          %gt3A_220 = arith.constant 0 : i32
          %gt3A_221 = arith.cmpi sgt, %squeeze3A_219, %gt3A_220 : i32
          %convert_element_type3A_222 = arith.extui %gt3A_221 : i1 to i32
          %cond3A_223 = arith.constant 0 : i32
          %cond3A_224 = arith.cmpi ne, %convert_element_type3A_222, %cond3A_223 : i32
          scf.if %cond3A_224 {
            %add3A_288 = arith.addi %scan3A_85, %add3A_129 : i32
            %slice3A_289 = vector.extract_strided_slice %get3A_114 {offsets = [6], sizes = [1], strides = [1]} : vector<16xi32> to vector<1xi32>
            %squeeze3A_290 = vector.extract %slice3A_289[0] : i32 from vector<1xi32>
            %add3A_291 = vector.broadcast %squeeze3A_290 : i32 to vector<16xi32>
            %add3A_292 = arith.addi %mul3A_9, %add3A_291 : vector<16xi32>
            %swap3A_293 = arith.index_cast %add3A_288 : i32 to index
            %swap3A_294 = tpu.vector_load %arg16[%swap3A_293] {strides = array<i32>} : memref<2048xi32, #tpu.memory_space<vmem>>, vector<16xi32>,
            %swap3A_295 = vector.shape_cast %swap3A_294 : vector<16xi32> to vector<16xi32>
            %swap3A_296 = vector.shape_cast %add3A_292 : vector<16xi32> to vector<16xi32>
            tpu.vector_store %arg16[%swap3A_293], %swap3A_296 {strides = array<i32>} : memref<2048xi32, #tpu.memory_space<vmem>>, vector<16xi32>,
            %slice3A_297 = vector.extract_strided_slice %get3A_90 {offsets = [6], sizes = [1], strides = [1]} : vector<16xi32> to vector<1xi32>
            %squeeze3A_298 = vector.extract %slice3A_297[0] : i32 from vector<1xi32>
            %add3A_299 = vector.broadcast %squeeze3A_298 : i32 to vector<16xi32>
            %add3A_300 = arith.addi %mul3A_9, %add3A_299 : vector<16xi32>
            %swap3A_301 = arith.index_cast %add3A_288 : i32 to index
            %swap3A_302 = tpu.vector_load %arg17[%swap3A_301] {strides = array<i32>} : memref<2048xi32, #tpu.memory_space<vmem>>, vector<16xi32>,
            %swap3A_303 = vector.shape_cast %swap3A_302 : vector<16xi32> to vector<16xi32>
            %swap3A_304 = vector.shape_cast %add3A_300 : vector<16xi32> to vector<16xi32>
            tpu.vector_store %arg17[%swap3A_301], %swap3A_304 {strides = array<i32>} : memref<2048xi32, #tpu.memory_space<vmem>>, vector<16xi32>,
          } else {
          }
          %slice3A_225 = vector.extract_strided_slice %select_n3A_109 {offsets = [7], sizes = [1], strides = [1]} : vector<16xi32> to vector<1xi32>
          %squeeze3A_226 = vector.extract %slice3A_225[0] : i32 from vector<1xi32>
          %gt3A_227 = arith.constant 0 : i32
          %gt3A_228 = arith.cmpi sgt, %squeeze3A_226, %gt3A_227 : i32
          %convert_element_type3A_229 = arith.extui %gt3A_228 : i1 to i32
          %cond3A_230 = arith.constant 0 : i32
          %cond3A_231 = arith.cmpi ne, %convert_element_type3A_229, %cond3A_230 : i32
          scf.if %cond3A_231 {
            %add3A_288 = arith.addi %scan3A_85, %add3A_132 : i32
            %slice3A_289 = vector.extract_strided_slice %get3A_114 {offsets = [7], sizes = [1], strides = [1]} : vector<16xi32> to vector<1xi32>
            %squeeze3A_290 = vector.extract %slice3A_289[0] : i32 from vector<1xi32>
            %add3A_291 = vector.broadcast %squeeze3A_290 : i32 to vector<16xi32>
            %add3A_292 = arith.addi %mul3A_9, %add3A_291 : vector<16xi32>
            %swap3A_293 = arith.index_cast %add3A_288 : i32 to index
            %swap3A_294 = tpu.vector_load %arg16[%swap3A_293] {strides = array<i32>} : memref<2048xi32, #tpu.memory_space<vmem>>, vector<16xi32>,
            %swap3A_295 = vector.shape_cast %swap3A_294 : vector<16xi32> to vector<16xi32>
            %swap3A_296 = vector.shape_cast %add3A_292 : vector<16xi32> to vector<16xi32>
            tpu.vector_store %arg16[%swap3A_293], %swap3A_296 {strides = array<i32>} : memref<2048xi32, #tpu.memory_space<vmem>>, vector<16xi32>,
            %slice3A_297 = vector.extract_strided_slice %get3A_90 {offsets = [7], sizes = [1], strides = [1]} : vector<16xi32> to vector<1xi32>
            %squeeze3A_298 = vector.extract %slice3A_297[0] : i32 from vector<1xi32>
            %add3A_299 = vector.broadcast %squeeze3A_298 : i32 to vector<16xi32>
            %add3A_300 = arith.addi %mul3A_9, %add3A_299 : vector<16xi32>
            %swap3A_301 = arith.index_cast %add3A_288 : i32 to index
            %swap3A_302 = tpu.vector_load %arg17[%swap3A_301] {strides = array<i32>} : memref<2048xi32, #tpu.memory_space<vmem>>, vector<16xi32>,
            %swap3A_303 = vector.shape_cast %swap3A_302 : vector<16xi32> to vector<16xi32>
            %swap3A_304 = vector.shape_cast %add3A_300 : vector<16xi32> to vector<16xi32>
            tpu.vector_store %arg17[%swap3A_301], %swap3A_304 {strides = array<i32>} : memref<2048xi32, #tpu.memory_space<vmem>>, vector<16xi32>,
          } else {
          }
          %slice3A_232 = vector.extract_strided_slice %select_n3A_109 {offsets = [8], sizes = [1], strides = [1]} : vector<16xi32> to vector<1xi32>
          %squeeze3A_233 = vector.extract %slice3A_232[0] : i32 from vector<1xi32>
          %gt3A_234 = arith.constant 0 : i32
          %gt3A_235 = arith.cmpi sgt, %squeeze3A_233, %gt3A_234 : i32
          %convert_element_type3A_236 = arith.extui %gt3A_235 : i1 to i32
          %cond3A_237 = arith.constant 0 : i32
          %cond3A_238 = arith.cmpi ne, %convert_element_type3A_236, %cond3A_237 : i32
          scf.if %cond3A_238 {
            %add3A_288 = arith.addi %scan3A_85, %add3A_135 : i32
            %slice3A_289 = vector.extract_strided_slice %get3A_114 {offsets = [8], sizes = [1], strides = [1]} : vector<16xi32> to vector<1xi32>
            %squeeze3A_290 = vector.extract %slice3A_289[0] : i32 from vector<1xi32>
            %add3A_291 = vector.broadcast %squeeze3A_290 : i32 to vector<16xi32>
            %add3A_292 = arith.addi %mul3A_9, %add3A_291 : vector<16xi32>
            %swap3A_293 = arith.index_cast %add3A_288 : i32 to index
            %swap3A_294 = tpu.vector_load %arg16[%swap3A_293] {strides = array<i32>} : memref<2048xi32, #tpu.memory_space<vmem>>, vector<16xi32>,
            %swap3A_295 = vector.shape_cast %swap3A_294 : vector<16xi32> to vector<16xi32>
            %swap3A_296 = vector.shape_cast %add3A_292 : vector<16xi32> to vector<16xi32>
            tpu.vector_store %arg16[%swap3A_293], %swap3A_296 {strides = array<i32>} : memref<2048xi32, #tpu.memory_space<vmem>>, vector<16xi32>,
            %slice3A_297 = vector.extract_strided_slice %get3A_90 {offsets = [8], sizes = [1], strides = [1]} : vector<16xi32> to vector<1xi32>
            %squeeze3A_298 = vector.extract %slice3A_297[0] : i32 from vector<1xi32>
            %add3A_299 = vector.broadcast %squeeze3A_298 : i32 to vector<16xi32>
            %add3A_300 = arith.addi %mul3A_9, %add3A_299 : vector<16xi32>
            %swap3A_301 = arith.index_cast %add3A_288 : i32 to index
            %swap3A_302 = tpu.vector_load %arg17[%swap3A_301] {strides = array<i32>} : memref<2048xi32, #tpu.memory_space<vmem>>, vector<16xi32>,
            %swap3A_303 = vector.shape_cast %swap3A_302 : vector<16xi32> to vector<16xi32>
            %swap3A_304 = vector.shape_cast %add3A_300 : vector<16xi32> to vector<16xi32>
            tpu.vector_store %arg17[%swap3A_301], %swap3A_304 {strides = array<i32>} : memref<2048xi32, #tpu.memory_space<vmem>>, vector<16xi32>,
          } else {
          }
          %slice3A_239 = vector.extract_strided_slice %select_n3A_109 {offsets = [9], sizes = [1], strides = [1]} : vector<16xi32> to vector<1xi32>
          %squeeze3A_240 = vector.extract %slice3A_239[0] : i32 from vector<1xi32>
          %gt3A_241 = arith.constant 0 : i32
          %gt3A_242 = arith.cmpi sgt, %squeeze3A_240, %gt3A_241 : i32
          %convert_element_type3A_243 = arith.extui %gt3A_242 : i1 to i32
          %cond3A_244 = arith.constant 0 : i32
          %cond3A_245 = arith.cmpi ne, %convert_element_type3A_243, %cond3A_244 : i32
          scf.if %cond3A_245 {
            %add3A_288 = arith.addi %scan3A_85, %add3A_138 : i32
            %slice3A_289 = vector.extract_strided_slice %get3A_114 {offsets = [9], sizes = [1], strides = [1]} : vector<16xi32> to vector<1xi32>
            %squeeze3A_290 = vector.extract %slice3A_289[0] : i32 from vector<1xi32>
            %add3A_291 = vector.broadcast %squeeze3A_290 : i32 to vector<16xi32>
            %add3A_292 = arith.addi %mul3A_9, %add3A_291 : vector<16xi32>
            %swap3A_293 = arith.index_cast %add3A_288 : i32 to index
            %swap3A_294 = tpu.vector_load %arg16[%swap3A_293] {strides = array<i32>} : memref<2048xi32, #tpu.memory_space<vmem>>, vector<16xi32>,
            %swap3A_295 = vector.shape_cast %swap3A_294 : vector<16xi32> to vector<16xi32>
            %swap3A_296 = vector.shape_cast %add3A_292 : vector<16xi32> to vector<16xi32>
            tpu.vector_store %arg16[%swap3A_293], %swap3A_296 {strides = array<i32>} : memref<2048xi32, #tpu.memory_space<vmem>>, vector<16xi32>,
            %slice3A_297 = vector.extract_strided_slice %get3A_90 {offsets = [9], sizes = [1], strides = [1]} : vector<16xi32> to vector<1xi32>
            %squeeze3A_298 = vector.extract %slice3A_297[0] : i32 from vector<1xi32>
            %add3A_299 = vector.broadcast %squeeze3A_298 : i32 to vector<16xi32>
            %add3A_300 = arith.addi %mul3A_9, %add3A_299 : vector<16xi32>
            %swap3A_301 = arith.index_cast %add3A_288 : i32 to index
            %swap3A_302 = tpu.vector_load %arg17[%swap3A_301] {strides = array<i32>} : memref<2048xi32, #tpu.memory_space<vmem>>, vector<16xi32>,
            %swap3A_303 = vector.shape_cast %swap3A_302 : vector<16xi32> to vector<16xi32>
            %swap3A_304 = vector.shape_cast %add3A_300 : vector<16xi32> to vector<16xi32>
            tpu.vector_store %arg17[%swap3A_301], %swap3A_304 {strides = array<i32>} : memref<2048xi32, #tpu.memory_space<vmem>>, vector<16xi32>,
          } else {
          }
          %slice3A_246 = vector.extract_strided_slice %select_n3A_109 {offsets = [10], sizes = [1], strides = [1]} : vector<16xi32> to vector<1xi32>
          %squeeze3A_247 = vector.extract %slice3A_246[0] : i32 from vector<1xi32>
          %gt3A_248 = arith.constant 0 : i32
          %gt3A_249 = arith.cmpi sgt, %squeeze3A_247, %gt3A_248 : i32
          %convert_element_type3A_250 = arith.extui %gt3A_249 : i1 to i32
          %cond3A_251 = arith.constant 0 : i32
          %cond3A_252 = arith.cmpi ne, %convert_element_type3A_250, %cond3A_251 : i32
          scf.if %cond3A_252 {
            %add3A_288 = arith.addi %scan3A_85, %add3A_141 : i32
            %slice3A_289 = vector.extract_strided_slice %get3A_114 {offsets = [10], sizes = [1], strides = [1]} : vector<16xi32> to vector<1xi32>
            %squeeze3A_290 = vector.extract %slice3A_289[0] : i32 from vector<1xi32>
            %add3A_291 = vector.broadcast %squeeze3A_290 : i32 to vector<16xi32>
            %add3A_292 = arith.addi %mul3A_9, %add3A_291 : vector<16xi32>
            %swap3A_293 = arith.index_cast %add3A_288 : i32 to index
            %swap3A_294 = tpu.vector_load %arg16[%swap3A_293] {strides = array<i32>} : memref<2048xi32, #tpu.memory_space<vmem>>, vector<16xi32>,
            %swap3A_295 = vector.shape_cast %swap3A_294 : vector<16xi32> to vector<16xi32>
            %swap3A_296 = vector.shape_cast %add3A_292 : vector<16xi32> to vector<16xi32>
            tpu.vector_store %arg16[%swap3A_293], %swap3A_296 {strides = array<i32>} : memref<2048xi32, #tpu.memory_space<vmem>>, vector<16xi32>,
            %slice3A_297 = vector.extract_strided_slice %get3A_90 {offsets = [10], sizes = [1], strides = [1]} : vector<16xi32> to vector<1xi32>
            %squeeze3A_298 = vector.extract %slice3A_297[0] : i32 from vector<1xi32>
            %add3A_299 = vector.broadcast %squeeze3A_298 : i32 to vector<16xi32>
            %add3A_300 = arith.addi %mul3A_9, %add3A_299 : vector<16xi32>
            %swap3A_301 = arith.index_cast %add3A_288 : i32 to index
            %swap3A_302 = tpu.vector_load %arg17[%swap3A_301] {strides = array<i32>} : memref<2048xi32, #tpu.memory_space<vmem>>, vector<16xi32>,
            %swap3A_303 = vector.shape_cast %swap3A_302 : vector<16xi32> to vector<16xi32>
            %swap3A_304 = vector.shape_cast %add3A_300 : vector<16xi32> to vector<16xi32>
            tpu.vector_store %arg17[%swap3A_301], %swap3A_304 {strides = array<i32>} : memref<2048xi32, #tpu.memory_space<vmem>>, vector<16xi32>,
          } else {
          }
          %slice3A_253 = vector.extract_strided_slice %select_n3A_109 {offsets = [11], sizes = [1], strides = [1]} : vector<16xi32> to vector<1xi32>
          %squeeze3A_254 = vector.extract %slice3A_253[0] : i32 from vector<1xi32>
          %gt3A_255 = arith.constant 0 : i32
          %gt3A_256 = arith.cmpi sgt, %squeeze3A_254, %gt3A_255 : i32
          %convert_element_type3A_257 = arith.extui %gt3A_256 : i1 to i32
          %cond3A_258 = arith.constant 0 : i32
          %cond3A_259 = arith.cmpi ne, %convert_element_type3A_257, %cond3A_258 : i32
          scf.if %cond3A_259 {
            %add3A_288 = arith.addi %scan3A_85, %add3A_144 : i32
            %slice3A_289 = vector.extract_strided_slice %get3A_114 {offsets = [11], sizes = [1], strides = [1]} : vector<16xi32> to vector<1xi32>
            %squeeze3A_290 = vector.extract %slice3A_289[0] : i32 from vector<1xi32>
            %add3A_291 = vector.broadcast %squeeze3A_290 : i32 to vector<16xi32>
            %add3A_292 = arith.addi %mul3A_9, %add3A_291 : vector<16xi32>
            %swap3A_293 = arith.index_cast %add3A_288 : i32 to index
            %swap3A_294 = tpu.vector_load %arg16[%swap3A_293] {strides = array<i32>} : memref<2048xi32, #tpu.memory_space<vmem>>, vector<16xi32>,
            %swap3A_295 = vector.shape_cast %swap3A_294 : vector<16xi32> to vector<16xi32>
            %swap3A_296 = vector.shape_cast %add3A_292 : vector<16xi32> to vector<16xi32>
            tpu.vector_store %arg16[%swap3A_293], %swap3A_296 {strides = array<i32>} : memref<2048xi32, #tpu.memory_space<vmem>>, vector<16xi32>,
            %slice3A_297 = vector.extract_strided_slice %get3A_90 {offsets = [11], sizes = [1], strides = [1]} : vector<16xi32> to vector<1xi32>
            %squeeze3A_298 = vector.extract %slice3A_297[0] : i32 from vector<1xi32>
            %add3A_299 = vector.broadcast %squeeze3A_298 : i32 to vector<16xi32>
            %add3A_300 = arith.addi %mul3A_9, %add3A_299 : vector<16xi32>
            %swap3A_301 = arith.index_cast %add3A_288 : i32 to index
            %swap3A_302 = tpu.vector_load %arg17[%swap3A_301] {strides = array<i32>} : memref<2048xi32, #tpu.memory_space<vmem>>, vector<16xi32>,
            %swap3A_303 = vector.shape_cast %swap3A_302 : vector<16xi32> to vector<16xi32>
            %swap3A_304 = vector.shape_cast %add3A_300 : vector<16xi32> to vector<16xi32>
            tpu.vector_store %arg17[%swap3A_301], %swap3A_304 {strides = array<i32>} : memref<2048xi32, #tpu.memory_space<vmem>>, vector<16xi32>,
          } else {
          }
          %slice3A_260 = vector.extract_strided_slice %select_n3A_109 {offsets = [12], sizes = [1], strides = [1]} : vector<16xi32> to vector<1xi32>
          %squeeze3A_261 = vector.extract %slice3A_260[0] : i32 from vector<1xi32>
          %gt3A_262 = arith.constant 0 : i32
          %gt3A_263 = arith.cmpi sgt, %squeeze3A_261, %gt3A_262 : i32
          %convert_element_type3A_264 = arith.extui %gt3A_263 : i1 to i32
          %cond3A_265 = arith.constant 0 : i32
          %cond3A_266 = arith.cmpi ne, %convert_element_type3A_264, %cond3A_265 : i32
          scf.if %cond3A_266 {
            %add3A_288 = arith.addi %scan3A_85, %add3A_147 : i32
            %slice3A_289 = vector.extract_strided_slice %get3A_114 {offsets = [12], sizes = [1], strides = [1]} : vector<16xi32> to vector<1xi32>
            %squeeze3A_290 = vector.extract %slice3A_289[0] : i32 from vector<1xi32>
            %add3A_291 = vector.broadcast %squeeze3A_290 : i32 to vector<16xi32>
            %add3A_292 = arith.addi %mul3A_9, %add3A_291 : vector<16xi32>
            %swap3A_293 = arith.index_cast %add3A_288 : i32 to index
            %swap3A_294 = tpu.vector_load %arg16[%swap3A_293] {strides = array<i32>} : memref<2048xi32, #tpu.memory_space<vmem>>, vector<16xi32>,
            %swap3A_295 = vector.shape_cast %swap3A_294 : vector<16xi32> to vector<16xi32>
            %swap3A_296 = vector.shape_cast %add3A_292 : vector<16xi32> to vector<16xi32>
            tpu.vector_store %arg16[%swap3A_293], %swap3A_296 {strides = array<i32>} : memref<2048xi32, #tpu.memory_space<vmem>>, vector<16xi32>,
            %slice3A_297 = vector.extract_strided_slice %get3A_90 {offsets = [12], sizes = [1], strides = [1]} : vector<16xi32> to vector<1xi32>
            %squeeze3A_298 = vector.extract %slice3A_297[0] : i32 from vector<1xi32>
            %add3A_299 = vector.broadcast %squeeze3A_298 : i32 to vector<16xi32>
            %add3A_300 = arith.addi %mul3A_9, %add3A_299 : vector<16xi32>
            %swap3A_301 = arith.index_cast %add3A_288 : i32 to index
            %swap3A_302 = tpu.vector_load %arg17[%swap3A_301] {strides = array<i32>} : memref<2048xi32, #tpu.memory_space<vmem>>, vector<16xi32>,
            %swap3A_303 = vector.shape_cast %swap3A_302 : vector<16xi32> to vector<16xi32>
            %swap3A_304 = vector.shape_cast %add3A_300 : vector<16xi32> to vector<16xi32>
            tpu.vector_store %arg17[%swap3A_301], %swap3A_304 {strides = array<i32>} : memref<2048xi32, #tpu.memory_space<vmem>>, vector<16xi32>,
          } else {
          }
          %slice3A_267 = vector.extract_strided_slice %select_n3A_109 {offsets = [13], sizes = [1], strides = [1]} : vector<16xi32> to vector<1xi32>
          %squeeze3A_268 = vector.extract %slice3A_267[0] : i32 from vector<1xi32>
          %gt3A_269 = arith.constant 0 : i32
          %gt3A_270 = arith.cmpi sgt, %squeeze3A_268, %gt3A_269 : i32
          %convert_element_type3A_271 = arith.extui %gt3A_270 : i1 to i32
          %cond3A_272 = arith.constant 0 : i32
          %cond3A_273 = arith.cmpi ne, %convert_element_type3A_271, %cond3A_272 : i32
          scf.if %cond3A_273 {
            %add3A_288 = arith.addi %scan3A_85, %add3A_150 : i32
            %slice3A_289 = vector.extract_strided_slice %get3A_114 {offsets = [13], sizes = [1], strides = [1]} : vector<16xi32> to vector<1xi32>
            %squeeze3A_290 = vector.extract %slice3A_289[0] : i32 from vector<1xi32>
            %add3A_291 = vector.broadcast %squeeze3A_290 : i32 to vector<16xi32>
            %add3A_292 = arith.addi %mul3A_9, %add3A_291 : vector<16xi32>
            %swap3A_293 = arith.index_cast %add3A_288 : i32 to index
            %swap3A_294 = tpu.vector_load %arg16[%swap3A_293] {strides = array<i32>} : memref<2048xi32, #tpu.memory_space<vmem>>, vector<16xi32>,
            %swap3A_295 = vector.shape_cast %swap3A_294 : vector<16xi32> to vector<16xi32>
            %swap3A_296 = vector.shape_cast %add3A_292 : vector<16xi32> to vector<16xi32>
            tpu.vector_store %arg16[%swap3A_293], %swap3A_296 {strides = array<i32>} : memref<2048xi32, #tpu.memory_space<vmem>>, vector<16xi32>,
            %slice3A_297 = vector.extract_strided_slice %get3A_90 {offsets = [13], sizes = [1], strides = [1]} : vector<16xi32> to vector<1xi32>
            %squeeze3A_298 = vector.extract %slice3A_297[0] : i32 from vector<1xi32>
            %add3A_299 = vector.broadcast %squeeze3A_298 : i32 to vector<16xi32>
            %add3A_300 = arith.addi %mul3A_9, %add3A_299 : vector<16xi32>
            %swap3A_301 = arith.index_cast %add3A_288 : i32 to index
            %swap3A_302 = tpu.vector_load %arg17[%swap3A_301] {strides = array<i32>} : memref<2048xi32, #tpu.memory_space<vmem>>, vector<16xi32>,
            %swap3A_303 = vector.shape_cast %swap3A_302 : vector<16xi32> to vector<16xi32>
            %swap3A_304 = vector.shape_cast %add3A_300 : vector<16xi32> to vector<16xi32>
            tpu.vector_store %arg17[%swap3A_301], %swap3A_304 {strides = array<i32>} : memref<2048xi32, #tpu.memory_space<vmem>>, vector<16xi32>,
          } else {
          }
          %slice3A_274 = vector.extract_strided_slice %select_n3A_109 {offsets = [14], sizes = [1], strides = [1]} : vector<16xi32> to vector<1xi32>
          %squeeze3A_275 = vector.extract %slice3A_274[0] : i32 from vector<1xi32>
          %gt3A_276 = arith.constant 0 : i32
          %gt3A_277 = arith.cmpi sgt, %squeeze3A_275, %gt3A_276 : i32
          %convert_element_type3A_278 = arith.extui %gt3A_277 : i1 to i32
          %cond3A_279 = arith.constant 0 : i32
          %cond3A_280 = arith.cmpi ne, %convert_element_type3A_278, %cond3A_279 : i32
          scf.if %cond3A_280 {
            %add3A_288 = arith.addi %scan3A_85, %add3A_153 : i32
            %slice3A_289 = vector.extract_strided_slice %get3A_114 {offsets = [14], sizes = [1], strides = [1]} : vector<16xi32> to vector<1xi32>
            %squeeze3A_290 = vector.extract %slice3A_289[0] : i32 from vector<1xi32>
            %add3A_291 = vector.broadcast %squeeze3A_290 : i32 to vector<16xi32>
            %add3A_292 = arith.addi %mul3A_9, %add3A_291 : vector<16xi32>
            %swap3A_293 = arith.index_cast %add3A_288 : i32 to index
            %swap3A_294 = tpu.vector_load %arg16[%swap3A_293] {strides = array<i32>} : memref<2048xi32, #tpu.memory_space<vmem>>, vector<16xi32>,
            %swap3A_295 = vector.shape_cast %swap3A_294 : vector<16xi32> to vector<16xi32>
            %swap3A_296 = vector.shape_cast %add3A_292 : vector<16xi32> to vector<16xi32>
            tpu.vector_store %arg16[%swap3A_293], %swap3A_296 {strides = array<i32>} : memref<2048xi32, #tpu.memory_space<vmem>>, vector<16xi32>,
            %slice3A_297 = vector.extract_strided_slice %get3A_90 {offsets = [14], sizes = [1], strides = [1]} : vector<16xi32> to vector<1xi32>
            %squeeze3A_298 = vector.extract %slice3A_297[0] : i32 from vector<1xi32>
            %add3A_299 = vector.broadcast %squeeze3A_298 : i32 to vector<16xi32>
            %add3A_300 = arith.addi %mul3A_9, %add3A_299 : vector<16xi32>
            %swap3A_301 = arith.index_cast %add3A_288 : i32 to index
            %swap3A_302 = tpu.vector_load %arg17[%swap3A_301] {strides = array<i32>} : memref<2048xi32, #tpu.memory_space<vmem>>, vector<16xi32>,
            %swap3A_303 = vector.shape_cast %swap3A_302 : vector<16xi32> to vector<16xi32>
            %swap3A_304 = vector.shape_cast %add3A_300 : vector<16xi32> to vector<16xi32>
            tpu.vector_store %arg17[%swap3A_301], %swap3A_304 {strides = array<i32>} : memref<2048xi32, #tpu.memory_space<vmem>>, vector<16xi32>,
          } else {
          }
          %slice3A_281 = vector.extract_strided_slice %select_n3A_109 {offsets = [15], sizes = [1], strides = [1]} : vector<16xi32> to vector<1xi32>
          %squeeze3A_282 = vector.extract %slice3A_281[0] : i32 from vector<1xi32>
          %gt3A_283 = arith.constant 0 : i32
          %gt3A_284 = arith.cmpi sgt, %squeeze3A_282, %gt3A_283 : i32
          %convert_element_type3A_285 = arith.extui %gt3A_284 : i1 to i32
          %cond3A_286 = arith.constant 0 : i32
          %cond3A_287 = arith.cmpi ne, %convert_element_type3A_285, %cond3A_286 : i32
          scf.if %cond3A_287 {
            %add3A_288 = arith.addi %scan3A_85, %add3A_156 : i32
            %slice3A_289 = vector.extract_strided_slice %get3A_114 {offsets = [15], sizes = [1], strides = [1]} : vector<16xi32> to vector<1xi32>
            %squeeze3A_290 = vector.extract %slice3A_289[0] : i32 from vector<1xi32>
            %add3A_291 = vector.broadcast %squeeze3A_290 : i32 to vector<16xi32>
            %add3A_292 = arith.addi %mul3A_9, %add3A_291 : vector<16xi32>
            %swap3A_293 = arith.index_cast %add3A_288 : i32 to index
            %swap3A_294 = tpu.vector_load %arg16[%swap3A_293] {strides = array<i32>} : memref<2048xi32, #tpu.memory_space<vmem>>, vector<16xi32>,
            %swap3A_295 = vector.shape_cast %swap3A_294 : vector<16xi32> to vector<16xi32>
            %swap3A_296 = vector.shape_cast %add3A_292 : vector<16xi32> to vector<16xi32>
            tpu.vector_store %arg16[%swap3A_293], %swap3A_296 {strides = array<i32>} : memref<2048xi32, #tpu.memory_space<vmem>>, vector<16xi32>,
            %slice3A_297 = vector.extract_strided_slice %get3A_90 {offsets = [15], sizes = [1], strides = [1]} : vector<16xi32> to vector<1xi32>
            %squeeze3A_298 = vector.extract %slice3A_297[0] : i32 from vector<1xi32>
            %add3A_299 = vector.broadcast %squeeze3A_298 : i32 to vector<16xi32>
            %add3A_300 = arith.addi %mul3A_9, %add3A_299 : vector<16xi32>
            %swap3A_301 = arith.index_cast %add3A_288 : i32 to index
            %swap3A_302 = tpu.vector_load %arg17[%swap3A_301] {strides = array<i32>} : memref<2048xi32, #tpu.memory_space<vmem>>, vector<16xi32>,
            %swap3A_303 = vector.shape_cast %swap3A_302 : vector<16xi32> to vector<16xi32>
            %swap3A_304 = vector.shape_cast %add3A_300 : vector<16xi32> to vector<16xi32>
            tpu.vector_store %arg17[%swap3A_301], %swap3A_304 {strides = array<i32>} : memref<2048xi32, #tpu.memory_space<vmem>>, vector<16xi32>,
          } else {
          }
        } else {
        }
        %add3A_162 = arith.addi %scan3A_85, %add3A_159 : i32
        %gt3A_163 = arith.constant 2016 : i32
        %gt3A_164 = arith.cmpi sgt, %add3A_162, %gt3A_163 : i32
        %convert_element_type3A_165 = arith.extui %gt3A_164 : i1 to i32
        %cond3A_166 = arith.constant 0 : i32
        %cond3A_167 = arith.cmpi ne, %convert_element_type3A_165, %cond3A_166 : i32
        scf.if %cond3A_167 {
          %scan3A_176 = arith.constant 0 : i32
          %scan3A_177 = arith.constant 0 : i32
          %scan3A_178 = arith.constant 128 : i32
          %scan3A_179 = arith.addi %scan3A_177, %scan3A_178 : i32
          %scan3A_180 = arith.constant 1 : i32
          scf.for %scan3A_192 = %scan3A_177 to %scan3A_179 step %scan3A_180  : i32 {
            %mul3A_193 = arith.constant 16 : i32
            %mul3A_194 = arith.muli %scan3A_192, %mul3A_193 : i32
            %add3A_195 = vector.broadcast %mul3A_194 : i32 to vector<16xi32>
            %add3A_196 = arith.addi %iota3A, %add3A_195 : vector<16xi32>
            %lt3A = vector.broadcast %add3A_162 : i32 to vector<16xi32>
            %lt3A_197 = arith.cmpi slt, %add3A_196, %lt3A : vector<16xi32>
            %mul3A_198 = arith.constant 16 : i32
            %mul3A_199 = arith.muli %scan3A_192, %mul3A_198 : i32
            %get3A_200 = arith.index_cast %mul3A_199 : i32 to index
            %get3A_201 = tpu.vector_load %arg16[%get3A_200] {strides = array<i32>} : memref<2048xi32, #tpu.memory_space<vmem>>, vector<16xi32>,
            %get3A_202 = vector.shape_cast %get3A_201 : vector<16xi32> to vector<16xi32>
            %mul3A_203 = arith.constant 16 : i32
            %mul3A_204 = arith.muli %scan3A_192, %mul3A_203 : i32
            %get3A_205 = arith.index_cast %mul3A_204 : i32 to index
            %get3A_206 = tpu.vector_load %arg17[%get3A_205] {strides = array<i32>} : memref<2048xi32, #tpu.memory_space<vmem>>, vector<16xi32>,
            %get3A_207 = vector.shape_cast %get3A_206 : vector<16xi32> to vector<16xi32>
            %mul3A_208 = arith.constant 7 : i32
            %mul3A_209 = arith.muli %scan3A_86, %mul3A_208 : i32
            %add3A_210 = vector.broadcast %mul3A_209 : i32 to vector<16xi32>
            %add3A_211 = arith.addi %add3A_196, %add3A_210 : vector<16xi32>
            %and3A_212 = arith.constant 262143 : i32
            %and3A_213 = vector.broadcast %and3A_212 : i32 to vector<16xi32>
            %and3A_214 = arith.andi %add3A_211, %and3A_213 : vector<16xi32>
            %add3A_215 = arith.constant 2139095041 : i32
            %add3A_216 = vector.broadcast %add3A_215 : i32 to vector<16xi32>
            %add3A_217 = arith.addi %add3A_216, %and3A_214 : vector<16xi32>
            %select_n3A_218 = arith.select %lt3A_197, %get3A_202, %add3A_217 : vector<16xi1>, vector<16xi32>
            %mul3A_219 = arith.constant 16 : i32
            %mul3A_220 = arith.muli %scan3A_192, %mul3A_219 : i32
            %swap3A_221 = arith.index_cast %mul3A_220 : i32 to index
            %swap3A_222 = tpu.vector_load %arg16[%swap3A_221] {strides = array<i32>} : memref<2048xi32, #tpu.memory_space<vmem>>, vector<16xi32>,
            %swap3A_223 = vector.shape_cast %swap3A_222 : vector<16xi32> to vector<16xi32>
            %swap3A_224 = vector.shape_cast %select_n3A_218 : vector<16xi32> to vector<16xi32>
            tpu.vector_store %arg16[%swap3A_221], %swap3A_224 {strides = array<i32>} : memref<2048xi32, #tpu.memory_space<vmem>>, vector<16xi32>,
            %sub3A = arith.constant 1 : i32
            %sub3A_225 = vector.broadcast %sub3A : i32 to vector<16xi32>
            %sub3A_226 = arith.subi %mul3A_9, %sub3A_225 : vector<16xi32>
            %select_n3A_227 = arith.select %lt3A_197, %get3A_207, %sub3A_226 : vector<16xi1>, vector<16xi32>
            %mul3A_228 = arith.constant 16 : i32
            %mul3A_229 = arith.muli %scan3A_192, %mul3A_228 : i32
            %swap3A_230 = arith.index_cast %mul3A_229 : i32 to index
            %swap3A_231 = tpu.vector_load %arg17[%swap3A_230] {strides = array<i32>} : memref<2048xi32, #tpu.memory_space<vmem>>, vector<16xi32>,
            %swap3A_232 = vector.shape_cast %swap3A_231 : vector<16xi32> to vector<16xi32>
            %swap3A_233 = vector.shape_cast %select_n3A_227 : vector<16xi32> to vector<16xi32>
            tpu.vector_store %arg17[%swap3A_230], %swap3A_233 {strides = array<i32>} : memref<2048xi32, #tpu.memory_space<vmem>>, vector<16xi32>,
          }
          %scan3A_181 = arith.constant 128 : i32
          %dma_start3A_182 = arith.constant 0 : i32
          %dma_start3A_183 = tpu.memref_slice %arg5[%dma_start3A_182] : memref<2139359232xi32, #tpu.memory_space<hbm>> -> memref<2139359232xi32, #tpu.memory_space<hbm>>
          tpu.enqueue_indirect_dma source(%arg17 : memref<2048xi32, #tpu.memory_space<vmem>>) target(%dma_start3A_183 : memref<2139359232xi32, #tpu.memory_space<hbm>>) offsets(%arg16 : memref<2048xi32, #tpu.memory_space<vmem>>) semaphore(%arg20 : memref<!tpu.dma_semaphore, #tpu.memory_space<semaphore_mem>>)
          %dma_wait3A_184 = arith.constant 0 : i32
          %dma_wait3A_185 = tpu.memref_slice %arg5[%dma_wait3A_184] : memref<2139359232xi32, #tpu.memory_space<hbm>> -> memref<2139359232xi32, #tpu.memory_space<hbm>>
          tpu.wait_indirect_dma semaphore(%arg20 : memref<!tpu.dma_semaphore, #tpu.memory_space<semaphore_mem>>) src(%arg17 : memref<2048xi32, #tpu.memory_space<vmem>>) dst(%dma_wait3A_185 : memref<2139359232xi32, #tpu.memory_space<hbm>>)
          %mul3A_186 = arith.constant 2048 : i32
          %mul3A_187 = arith.muli %scan3A_86, %mul3A_186 : i32
          %add3A_188 = arith.addi %mul3A_14, %mul3A_187 : i32
          "tpu.region"() ({
            %run_scoped3A = tpu.sem_alloc : memref<!tpu.dma_semaphore, #tpu.memory_space<semaphore_mem>>
            %dma_start3A_192 = tpu.memref_slice %arg8[%add3A_188] : memref<16842752xi32, #tpu.memory_space<hbm>> -> memref<2048xi32, #tpu.memory_space<hbm>>
            %dma_start3A_193 = tpu.memref_slice %arg8[%add3A_188] : memref<16842752xi32, #tpu.memory_space<hbm>> -> memref<2048xi32, #tpu.memory_space<hbm>>
            tpu.enqueue_dma source(%arg16 : memref<2048xi32, #tpu.memory_space<vmem>>) target(%dma_start3A_193 : memref<2048xi32, #tpu.memory_space<hbm>>) target_semaphore(%run_scoped3A : memref<!tpu.dma_semaphore, #tpu.memory_space<semaphore_mem>>)
            %dma_wait3A_194 = tpu.memref_slice %arg8[%add3A_188] : memref<16842752xi32, #tpu.memory_space<hbm>> -> memref<2048xi32, #tpu.memory_space<hbm>>
            %dma_wait3A_195 = tpu.memref_slice %arg8[%add3A_188] : memref<16842752xi32, #tpu.memory_space<hbm>> -> memref<2048xi32, #tpu.memory_space<hbm>>
            tpu.wait_dma2 semaphore(%run_scoped3A : memref<!tpu.dma_semaphore, #tpu.memory_space<semaphore_mem>>) src(%arg16 : memref<2048xi32, #tpu.memory_space<vmem>>) dst(%dma_wait3A_195 : memref<2048xi32, #tpu.memory_space<hbm>>)
            tpu.yield
          }) : () -> ()
          %mul3A_189 = arith.constant 2048 : i32
          %mul3A_190 = arith.muli %scan3A_86, %mul3A_189 : i32
          %add3A_191 = arith.addi %mul3A_14, %mul3A_190 : i32
          "tpu.region"() ({
            %run_scoped3A = tpu.sem_alloc : memref<!tpu.dma_semaphore, #tpu.memory_space<semaphore_mem>>
            %dma_start3A_192 = tpu.memref_slice %arg9[%add3A_191] : memref<16842752xi32, #tpu.memory_space<hbm>> -> memref<2048xi32, #tpu.memory_space<hbm>>
            %dma_start3A_193 = tpu.memref_slice %arg9[%add3A_191] : memref<16842752xi32, #tpu.memory_space<hbm>> -> memref<2048xi32, #tpu.memory_space<hbm>>
            tpu.enqueue_dma source(%arg17 : memref<2048xi32, #tpu.memory_space<vmem>>) target(%dma_start3A_193 : memref<2048xi32, #tpu.memory_space<hbm>>) target_semaphore(%run_scoped3A : memref<!tpu.dma_semaphore, #tpu.memory_space<semaphore_mem>>)
            %dma_wait3A_194 = tpu.memref_slice %arg9[%add3A_191] : memref<16842752xi32, #tpu.memory_space<hbm>> -> memref<2048xi32, #tpu.memory_space<hbm>>
            %dma_wait3A_195 = tpu.memref_slice %arg9[%add3A_191] : memref<16842752xi32, #tpu.memory_space<hbm>> -> memref<2048xi32, #tpu.memory_space<hbm>>
            tpu.wait_dma2 semaphore(%run_scoped3A : memref<!tpu.dma_semaphore, #tpu.memory_space<semaphore_mem>>) src(%arg17 : memref<2048xi32, #tpu.memory_space<vmem>>) dst(%dma_wait3A_195 : memref<2048xi32, #tpu.memory_space<hbm>>)
            tpu.yield
          }) : () -> ()
        } else {
        }
        %gt3A_168 = arith.constant 2016 : i32
        %gt3A_169 = arith.cmpi sgt, %add3A_162, %gt3A_168 : i32
        %add3A_170 = arith.constant 1 : i32
        %add3A_171 = arith.addi %scan3A_86, %add3A_170 : i32
        %select_n3A_172 = arith.select %gt3A_169, %add3A_171, %scan3A_86 : i32
        %gt3A_173 = arith.constant 2016 : i32
        %gt3A_174 = arith.cmpi sgt, %add3A_162, %gt3A_173 : i32
        %jit3A = arith.constant 0 : i32
        %select_n3A_175 = arith.select %gt3A_174, %jit3A, %add3A_162 : i32
        scf.yield %select_n3A_175, %select_n3A_172 : i32, i32
      }
      %scan3A_75 = arith.constant 128 : i32
      %dma_wait3A_76 = arith.constant 0 : i32
      %dma_wait3A_77 = tpu.memref_slice %arg4[%dma_wait3A_76] : memref<2139095040xi32, #tpu.memory_space<hbm>> -> memref<2139095040xi32, #tpu.memory_space<hbm>>
      tpu.wait_indirect_dma semaphore(%arg20 : memref<!tpu.dma_semaphore, #tpu.memory_space<semaphore_mem>>) src(%dma_wait3A_77 : memref<2139095040xi32, #tpu.memory_space<hbm>>) dst(%arg15 : memref<2048xi32, #tpu.memory_space<vmem>>)
      %scan3A_78 = arith.constant 0 : i32
      %scan3A_79 = arith.constant 128 : i32
      %scan3A_80 = arith.addi %scan3A_78, %scan3A_79 : i32
      %scan3A_81 = arith.constant 1 : i32
      %scan3A_82:2 = scf.for %scan3A_84 = %scan3A_78 to %scan3A_80 step %scan3A_81 iter_args(%scan3A_85 = %scan3A_74#0, %scan3A_86 = %scan3A_74#1) -> (i32, i32)  : i32 {
        %mul3A_87 = arith.constant 16 : i32
        %mul3A_88 = arith.muli %scan3A_84, %mul3A_87 : i32
        %get3A = arith.index_cast %mul3A_88 : i32 to index
        %get3A_89 = tpu.vector_load %arg13[%get3A] {strides = array<i32>} : memref<2048xi32, #tpu.memory_space<vmem>>, vector<16xi32>,
        %get3A_90 = vector.shape_cast %get3A_89 : vector<16xi32> to vector<16xi32>
        %and3A = arith.constant 1 : i32
        %and3A_91 = vector.broadcast %and3A : i32 to vector<16xi32>
        %and3A_92 = arith.andi %get3A_90, %and3A_91 : vector<16xi32>
        %mul3A_93 = arith.constant 16 : i32
        %mul3A_94 = arith.muli %scan3A_84, %mul3A_93 : i32
        %get3A_95 = arith.index_cast %mul3A_94 : i32 to index
        %get3A_96 = tpu.vector_load %arg15[%get3A_95] {strides = array<i32>} : memref<2048xi32, #tpu.memory_space<vmem>>, vector<16xi32>,
        %get3A_97 = vector.shape_cast %get3A_96 : vector<16xi32> to vector<16xi32>
        %get3A_98 = arith.constant 0 : index
        %get3A_99 = tpu.vector_load %arg18[%get3A_98] {strides = array<i32>} : memref<16xi32, #tpu.memory_space<vmem>>, vector<16xi32>,
        %get3A_100 = vector.shape_cast %get3A_99 : vector<16xi32> to vector<16xi32>
        %eq3A = arith.cmpi eq, %get3A_97, %get3A_90 : vector<16xi32>
        %select_n3A = arith.select %eq3A, %add3A_6, %mul3A_9 : vector<16xi1>, vector<16xi32>
        %add3A_101 = arith.addi %get3A_100, %select_n3A : vector<16xi32>
        %swap3A_102 = arith.constant 0 : index
        %swap3A_103 = tpu.vector_load %arg18[%swap3A_102] {strides = array<i32>} : memref<16xi32, #tpu.memory_space<vmem>>, vector<16xi32>,
        %swap3A_104 = vector.shape_cast %swap3A_103 : vector<16xi32> to vector<16xi32>
        %swap3A_105 = vector.shape_cast %add3A_101 : vector<16xi32> to vector<16xi32>
        tpu.vector_store %arg18[%swap3A_102], %swap3A_105 {strides = array<i32>} : memref<16xi32, #tpu.memory_space<vmem>>, vector<16xi32>,
        %and3A_106 = arith.constant 1 : i32
        %and3A_107 = vector.broadcast %and3A_106 : i32 to vector<16xi32>
        %and3A_108 = arith.andi %get3A_97, %and3A_107 : vector<16xi32>
        %ne3A = arith.cmpi ne, %and3A_108, %and3A_92 : vector<16xi32>
        %select_n3A_109 = arith.select %ne3A, %add3A_6, %mul3A_9 : vector<16xi1>, vector<16xi32>
        %mul3A_110 = arith.constant 16 : i32
        %mul3A_111 = arith.muli %scan3A_84, %mul3A_110 : i32
        %get3A_112 = arith.index_cast %mul3A_111 : i32 to index
        %get3A_113 = tpu.vector_load %arg14[%get3A_112] {strides = array<i32>} : memref<2048xi32, #tpu.memory_space<vmem>>, vector<16xi32>,
        %get3A_114 = vector.shape_cast %get3A_113 : vector<16xi32> to vector<16xi32>
        %slice3A = vector.extract_strided_slice %select_n3A_109 {offsets = [0], sizes = [1], strides = [1]} : vector<16xi32> to vector<1xi32>
        %squeeze3A = vector.extract %slice3A[0] : i32 from vector<1xi32>
        %slice3A_115 = vector.extract_strided_slice %select_n3A_109 {offsets = [1], sizes = [1], strides = [1]} : vector<16xi32> to vector<1xi32>
        %squeeze3A_116 = vector.extract %slice3A_115[0] : i32 from vector<1xi32>
        %add3A_117 = arith.addi %squeeze3A, %squeeze3A_116 : i32
        %slice3A_118 = vector.extract_strided_slice %select_n3A_109 {offsets = [2], sizes = [1], strides = [1]} : vector<16xi32> to vector<1xi32>
        %squeeze3A_119 = vector.extract %slice3A_118[0] : i32 from vector<1xi32>
        %add3A_120 = arith.addi %add3A_117, %squeeze3A_119 : i32
        %slice3A_121 = vector.extract_strided_slice %select_n3A_109 {offsets = [3], sizes = [1], strides = [1]} : vector<16xi32> to vector<1xi32>
        %squeeze3A_122 = vector.extract %slice3A_121[0] : i32 from vector<1xi32>
        %add3A_123 = arith.addi %add3A_120, %squeeze3A_122 : i32
        %slice3A_124 = vector.extract_strided_slice %select_n3A_109 {offsets = [4], sizes = [1], strides = [1]} : vector<16xi32> to vector<1xi32>
        %squeeze3A_125 = vector.extract %slice3A_124[0] : i32 from vector<1xi32>
        %add3A_126 = arith.addi %add3A_123, %squeeze3A_125 : i32
        %slice3A_127 = vector.extract_strided_slice %select_n3A_109 {offsets = [5], sizes = [1], strides = [1]} : vector<16xi32> to vector<1xi32>
        %squeeze3A_128 = vector.extract %slice3A_127[0] : i32 from vector<1xi32>
        %add3A_129 = arith.addi %add3A_126, %squeeze3A_128 : i32
        %slice3A_130 = vector.extract_strided_slice %select_n3A_109 {offsets = [6], sizes = [1], strides = [1]} : vector<16xi32> to vector<1xi32>
        %squeeze3A_131 = vector.extract %slice3A_130[0] : i32 from vector<1xi32>
        %add3A_132 = arith.addi %add3A_129, %squeeze3A_131 : i32
        %slice3A_133 = vector.extract_strided_slice %select_n3A_109 {offsets = [7], sizes = [1], strides = [1]} : vector<16xi32> to vector<1xi32>
        %squeeze3A_134 = vector.extract %slice3A_133[0] : i32 from vector<1xi32>
        %add3A_135 = arith.addi %add3A_132, %squeeze3A_134 : i32
        %slice3A_136 = vector.extract_strided_slice %select_n3A_109 {offsets = [8], sizes = [1], strides = [1]} : vector<16xi32> to vector<1xi32>
        %squeeze3A_137 = vector.extract %slice3A_136[0] : i32 from vector<1xi32>
        %add3A_138 = arith.addi %add3A_135, %squeeze3A_137 : i32
        %slice3A_139 = vector.extract_strided_slice %select_n3A_109 {offsets = [9], sizes = [1], strides = [1]} : vector<16xi32> to vector<1xi32>
        %squeeze3A_140 = vector.extract %slice3A_139[0] : i32 from vector<1xi32>
        %add3A_141 = arith.addi %add3A_138, %squeeze3A_140 : i32
        %slice3A_142 = vector.extract_strided_slice %select_n3A_109 {offsets = [10], sizes = [1], strides = [1]} : vector<16xi32> to vector<1xi32>
        %squeeze3A_143 = vector.extract %slice3A_142[0] : i32 from vector<1xi32>
        %add3A_144 = arith.addi %add3A_141, %squeeze3A_143 : i32
        %slice3A_145 = vector.extract_strided_slice %select_n3A_109 {offsets = [11], sizes = [1], strides = [1]} : vector<16xi32> to vector<1xi32>
        %squeeze3A_146 = vector.extract %slice3A_145[0] : i32 from vector<1xi32>
        %add3A_147 = arith.addi %add3A_144, %squeeze3A_146 : i32
        %slice3A_148 = vector.extract_strided_slice %select_n3A_109 {offsets = [12], sizes = [1], strides = [1]} : vector<16xi32> to vector<1xi32>
        %squeeze3A_149 = vector.extract %slice3A_148[0] : i32 from vector<1xi32>
        %add3A_150 = arith.addi %add3A_147, %squeeze3A_149 : i32
        %slice3A_151 = vector.extract_strided_slice %select_n3A_109 {offsets = [13], sizes = [1], strides = [1]} : vector<16xi32> to vector<1xi32>
        %squeeze3A_152 = vector.extract %slice3A_151[0] : i32 from vector<1xi32>
        %add3A_153 = arith.addi %add3A_150, %squeeze3A_152 : i32
        %slice3A_154 = vector.extract_strided_slice %select_n3A_109 {offsets = [14], sizes = [1], strides = [1]} : vector<16xi32> to vector<1xi32>
        %squeeze3A_155 = vector.extract %slice3A_154[0] : i32 from vector<1xi32>
        %add3A_156 = arith.addi %add3A_153, %squeeze3A_155 : i32
        %slice3A_157 = vector.extract_strided_slice %select_n3A_109 {offsets = [15], sizes = [1], strides = [1]} : vector<16xi32> to vector<1xi32>
        %squeeze3A_158 = vector.extract %slice3A_157[0] : i32 from vector<1xi32>
        %add3A_159 = arith.addi %add3A_156, %squeeze3A_158 : i32
        %gt3A = arith.constant 0 : i32
        %gt3A_160 = arith.cmpi sgt, %add3A_159, %gt3A : i32
        %convert_element_type3A = arith.extui %gt3A_160 : i1 to i32
        %cond3A = arith.constant 0 : i32
        %cond3A_161 = arith.cmpi ne, %convert_element_type3A, %cond3A : i32
        scf.if %cond3A_161 {
          %slice3A_176 = vector.extract_strided_slice %select_n3A_109 {offsets = [0], sizes = [1], strides = [1]} : vector<16xi32> to vector<1xi32>
          %squeeze3A_177 = vector.extract %slice3A_176[0] : i32 from vector<1xi32>
          %gt3A_178 = arith.constant 0 : i32
          %gt3A_179 = arith.cmpi sgt, %squeeze3A_177, %gt3A_178 : i32
          %convert_element_type3A_180 = arith.extui %gt3A_179 : i1 to i32
          %cond3A_181 = arith.constant 0 : i32
          %cond3A_182 = arith.cmpi ne, %convert_element_type3A_180, %cond3A_181 : i32
          scf.if %cond3A_182 {
            %add3A_288 = arith.constant 0 : i32
            %add3A_289 = arith.addi %scan3A_85, %add3A_288 : i32
            %slice3A_290 = vector.extract_strided_slice %get3A_114 {offsets = [0], sizes = [1], strides = [1]} : vector<16xi32> to vector<1xi32>
            %squeeze3A_291 = vector.extract %slice3A_290[0] : i32 from vector<1xi32>
            %add3A_292 = vector.broadcast %squeeze3A_291 : i32 to vector<16xi32>
            %add3A_293 = arith.addi %mul3A_9, %add3A_292 : vector<16xi32>
            %swap3A_294 = arith.index_cast %add3A_289 : i32 to index
            %swap3A_295 = tpu.vector_load %arg16[%swap3A_294] {strides = array<i32>} : memref<2048xi32, #tpu.memory_space<vmem>>, vector<16xi32>,
            %swap3A_296 = vector.shape_cast %swap3A_295 : vector<16xi32> to vector<16xi32>
            %swap3A_297 = vector.shape_cast %add3A_293 : vector<16xi32> to vector<16xi32>
            tpu.vector_store %arg16[%swap3A_294], %swap3A_297 {strides = array<i32>} : memref<2048xi32, #tpu.memory_space<vmem>>, vector<16xi32>,
            %slice3A_298 = vector.extract_strided_slice %get3A_90 {offsets = [0], sizes = [1], strides = [1]} : vector<16xi32> to vector<1xi32>
            %squeeze3A_299 = vector.extract %slice3A_298[0] : i32 from vector<1xi32>
            %add3A_300 = vector.broadcast %squeeze3A_299 : i32 to vector<16xi32>
            %add3A_301 = arith.addi %mul3A_9, %add3A_300 : vector<16xi32>
            %swap3A_302 = arith.index_cast %add3A_289 : i32 to index
            %swap3A_303 = tpu.vector_load %arg17[%swap3A_302] {strides = array<i32>} : memref<2048xi32, #tpu.memory_space<vmem>>, vector<16xi32>,
            %swap3A_304 = vector.shape_cast %swap3A_303 : vector<16xi32> to vector<16xi32>
            %swap3A_305 = vector.shape_cast %add3A_301 : vector<16xi32> to vector<16xi32>
            tpu.vector_store %arg17[%swap3A_302], %swap3A_305 {strides = array<i32>} : memref<2048xi32, #tpu.memory_space<vmem>>, vector<16xi32>,
          } else {
          }
          %slice3A_183 = vector.extract_strided_slice %select_n3A_109 {offsets = [1], sizes = [1], strides = [1]} : vector<16xi32> to vector<1xi32>
          %squeeze3A_184 = vector.extract %slice3A_183[0] : i32 from vector<1xi32>
          %gt3A_185 = arith.constant 0 : i32
          %gt3A_186 = arith.cmpi sgt, %squeeze3A_184, %gt3A_185 : i32
          %convert_element_type3A_187 = arith.extui %gt3A_186 : i1 to i32
          %cond3A_188 = arith.constant 0 : i32
          %cond3A_189 = arith.cmpi ne, %convert_element_type3A_187, %cond3A_188 : i32
          scf.if %cond3A_189 {
            %add3A_288 = arith.addi %scan3A_85, %squeeze3A : i32
            %slice3A_289 = vector.extract_strided_slice %get3A_114 {offsets = [1], sizes = [1], strides = [1]} : vector<16xi32> to vector<1xi32>
            %squeeze3A_290 = vector.extract %slice3A_289[0] : i32 from vector<1xi32>
            %add3A_291 = vector.broadcast %squeeze3A_290 : i32 to vector<16xi32>
            %add3A_292 = arith.addi %mul3A_9, %add3A_291 : vector<16xi32>
            %swap3A_293 = arith.index_cast %add3A_288 : i32 to index
            %swap3A_294 = tpu.vector_load %arg16[%swap3A_293] {strides = array<i32>} : memref<2048xi32, #tpu.memory_space<vmem>>, vector<16xi32>,
            %swap3A_295 = vector.shape_cast %swap3A_294 : vector<16xi32> to vector<16xi32>
            %swap3A_296 = vector.shape_cast %add3A_292 : vector<16xi32> to vector<16xi32>
            tpu.vector_store %arg16[%swap3A_293], %swap3A_296 {strides = array<i32>} : memref<2048xi32, #tpu.memory_space<vmem>>, vector<16xi32>,
            %slice3A_297 = vector.extract_strided_slice %get3A_90 {offsets = [1], sizes = [1], strides = [1]} : vector<16xi32> to vector<1xi32>
            %squeeze3A_298 = vector.extract %slice3A_297[0] : i32 from vector<1xi32>
            %add3A_299 = vector.broadcast %squeeze3A_298 : i32 to vector<16xi32>
            %add3A_300 = arith.addi %mul3A_9, %add3A_299 : vector<16xi32>
            %swap3A_301 = arith.index_cast %add3A_288 : i32 to index
            %swap3A_302 = tpu.vector_load %arg17[%swap3A_301] {strides = array<i32>} : memref<2048xi32, #tpu.memory_space<vmem>>, vector<16xi32>,
            %swap3A_303 = vector.shape_cast %swap3A_302 : vector<16xi32> to vector<16xi32>
            %swap3A_304 = vector.shape_cast %add3A_300 : vector<16xi32> to vector<16xi32>
            tpu.vector_store %arg17[%swap3A_301], %swap3A_304 {strides = array<i32>} : memref<2048xi32, #tpu.memory_space<vmem>>, vector<16xi32>,
          } else {
          }
          %slice3A_190 = vector.extract_strided_slice %select_n3A_109 {offsets = [2], sizes = [1], strides = [1]} : vector<16xi32> to vector<1xi32>
          %squeeze3A_191 = vector.extract %slice3A_190[0] : i32 from vector<1xi32>
          %gt3A_192 = arith.constant 0 : i32
          %gt3A_193 = arith.cmpi sgt, %squeeze3A_191, %gt3A_192 : i32
          %convert_element_type3A_194 = arith.extui %gt3A_193 : i1 to i32
          %cond3A_195 = arith.constant 0 : i32
          %cond3A_196 = arith.cmpi ne, %convert_element_type3A_194, %cond3A_195 : i32
          scf.if %cond3A_196 {
            %add3A_288 = arith.addi %scan3A_85, %add3A_117 : i32
            %slice3A_289 = vector.extract_strided_slice %get3A_114 {offsets = [2], sizes = [1], strides = [1]} : vector<16xi32> to vector<1xi32>
            %squeeze3A_290 = vector.extract %slice3A_289[0] : i32 from vector<1xi32>
            %add3A_291 = vector.broadcast %squeeze3A_290 : i32 to vector<16xi32>
            %add3A_292 = arith.addi %mul3A_9, %add3A_291 : vector<16xi32>
            %swap3A_293 = arith.index_cast %add3A_288 : i32 to index
            %swap3A_294 = tpu.vector_load %arg16[%swap3A_293] {strides = array<i32>} : memref<2048xi32, #tpu.memory_space<vmem>>, vector<16xi32>,
            %swap3A_295 = vector.shape_cast %swap3A_294 : vector<16xi32> to vector<16xi32>
            %swap3A_296 = vector.shape_cast %add3A_292 : vector<16xi32> to vector<16xi32>
            tpu.vector_store %arg16[%swap3A_293], %swap3A_296 {strides = array<i32>} : memref<2048xi32, #tpu.memory_space<vmem>>, vector<16xi32>,
            %slice3A_297 = vector.extract_strided_slice %get3A_90 {offsets = [2], sizes = [1], strides = [1]} : vector<16xi32> to vector<1xi32>
            %squeeze3A_298 = vector.extract %slice3A_297[0] : i32 from vector<1xi32>
            %add3A_299 = vector.broadcast %squeeze3A_298 : i32 to vector<16xi32>
            %add3A_300 = arith.addi %mul3A_9, %add3A_299 : vector<16xi32>
            %swap3A_301 = arith.index_cast %add3A_288 : i32 to index
            %swap3A_302 = tpu.vector_load %arg17[%swap3A_301] {strides = array<i32>} : memref<2048xi32, #tpu.memory_space<vmem>>, vector<16xi32>,
            %swap3A_303 = vector.shape_cast %swap3A_302 : vector<16xi32> to vector<16xi32>
            %swap3A_304 = vector.shape_cast %add3A_300 : vector<16xi32> to vector<16xi32>
            tpu.vector_store %arg17[%swap3A_301], %swap3A_304 {strides = array<i32>} : memref<2048xi32, #tpu.memory_space<vmem>>, vector<16xi32>,
          } else {
          }
          %slice3A_197 = vector.extract_strided_slice %select_n3A_109 {offsets = [3], sizes = [1], strides = [1]} : vector<16xi32> to vector<1xi32>
          %squeeze3A_198 = vector.extract %slice3A_197[0] : i32 from vector<1xi32>
          %gt3A_199 = arith.constant 0 : i32
          %gt3A_200 = arith.cmpi sgt, %squeeze3A_198, %gt3A_199 : i32
          %convert_element_type3A_201 = arith.extui %gt3A_200 : i1 to i32
          %cond3A_202 = arith.constant 0 : i32
          %cond3A_203 = arith.cmpi ne, %convert_element_type3A_201, %cond3A_202 : i32
          scf.if %cond3A_203 {
            %add3A_288 = arith.addi %scan3A_85, %add3A_120 : i32
            %slice3A_289 = vector.extract_strided_slice %get3A_114 {offsets = [3], sizes = [1], strides = [1]} : vector<16xi32> to vector<1xi32>
            %squeeze3A_290 = vector.extract %slice3A_289[0] : i32 from vector<1xi32>
            %add3A_291 = vector.broadcast %squeeze3A_290 : i32 to vector<16xi32>
            %add3A_292 = arith.addi %mul3A_9, %add3A_291 : vector<16xi32>
            %swap3A_293 = arith.index_cast %add3A_288 : i32 to index
            %swap3A_294 = tpu.vector_load %arg16[%swap3A_293] {strides = array<i32>} : memref<2048xi32, #tpu.memory_space<vmem>>, vector<16xi32>,
            %swap3A_295 = vector.shape_cast %swap3A_294 : vector<16xi32> to vector<16xi32>
            %swap3A_296 = vector.shape_cast %add3A_292 : vector<16xi32> to vector<16xi32>
            tpu.vector_store %arg16[%swap3A_293], %swap3A_296 {strides = array<i32>} : memref<2048xi32, #tpu.memory_space<vmem>>, vector<16xi32>,
            %slice3A_297 = vector.extract_strided_slice %get3A_90 {offsets = [3], sizes = [1], strides = [1]} : vector<16xi32> to vector<1xi32>
            %squeeze3A_298 = vector.extract %slice3A_297[0] : i32 from vector<1xi32>
            %add3A_299 = vector.broadcast %squeeze3A_298 : i32 to vector<16xi32>
            %add3A_300 = arith.addi %mul3A_9, %add3A_299 : vector<16xi32>
            %swap3A_301 = arith.index_cast %add3A_288 : i32 to index
            %swap3A_302 = tpu.vector_load %arg17[%swap3A_301] {strides = array<i32>} : memref<2048xi32, #tpu.memory_space<vmem>>, vector<16xi32>,
            %swap3A_303 = vector.shape_cast %swap3A_302 : vector<16xi32> to vector<16xi32>
            %swap3A_304 = vector.shape_cast %add3A_300 : vector<16xi32> to vector<16xi32>
            tpu.vector_store %arg17[%swap3A_301], %swap3A_304 {strides = array<i32>} : memref<2048xi32, #tpu.memory_space<vmem>>, vector<16xi32>,
          } else {
          }
          %slice3A_204 = vector.extract_strided_slice %select_n3A_109 {offsets = [4], sizes = [1], strides = [1]} : vector<16xi32> to vector<1xi32>
          %squeeze3A_205 = vector.extract %slice3A_204[0] : i32 from vector<1xi32>
          %gt3A_206 = arith.constant 0 : i32
          %gt3A_207 = arith.cmpi sgt, %squeeze3A_205, %gt3A_206 : i32
          %convert_element_type3A_208 = arith.extui %gt3A_207 : i1 to i32
          %cond3A_209 = arith.constant 0 : i32
          %cond3A_210 = arith.cmpi ne, %convert_element_type3A_208, %cond3A_209 : i32
          scf.if %cond3A_210 {
            %add3A_288 = arith.addi %scan3A_85, %add3A_123 : i32
            %slice3A_289 = vector.extract_strided_slice %get3A_114 {offsets = [4], sizes = [1], strides = [1]} : vector<16xi32> to vector<1xi32>
            %squeeze3A_290 = vector.extract %slice3A_289[0] : i32 from vector<1xi32>
            %add3A_291 = vector.broadcast %squeeze3A_290 : i32 to vector<16xi32>
            %add3A_292 = arith.addi %mul3A_9, %add3A_291 : vector<16xi32>
            %swap3A_293 = arith.index_cast %add3A_288 : i32 to index
            %swap3A_294 = tpu.vector_load %arg16[%swap3A_293] {strides = array<i32>} : memref<2048xi32, #tpu.memory_space<vmem>>, vector<16xi32>,
            %swap3A_295 = vector.shape_cast %swap3A_294 : vector<16xi32> to vector<16xi32>
            %swap3A_296 = vector.shape_cast %add3A_292 : vector<16xi32> to vector<16xi32>
            tpu.vector_store %arg16[%swap3A_293], %swap3A_296 {strides = array<i32>} : memref<2048xi32, #tpu.memory_space<vmem>>, vector<16xi32>,
            %slice3A_297 = vector.extract_strided_slice %get3A_90 {offsets = [4], sizes = [1], strides = [1]} : vector<16xi32> to vector<1xi32>
            %squeeze3A_298 = vector.extract %slice3A_297[0] : i32 from vector<1xi32>
            %add3A_299 = vector.broadcast %squeeze3A_298 : i32 to vector<16xi32>
            %add3A_300 = arith.addi %mul3A_9, %add3A_299 : vector<16xi32>
            %swap3A_301 = arith.index_cast %add3A_288 : i32 to index
            %swap3A_302 = tpu.vector_load %arg17[%swap3A_301] {strides = array<i32>} : memref<2048xi32, #tpu.memory_space<vmem>>, vector<16xi32>,
            %swap3A_303 = vector.shape_cast %swap3A_302 : vector<16xi32> to vector<16xi32>
            %swap3A_304 = vector.shape_cast %add3A_300 : vector<16xi32> to vector<16xi32>
            tpu.vector_store %arg17[%swap3A_301], %swap3A_304 {strides = array<i32>} : memref<2048xi32, #tpu.memory_space<vmem>>, vector<16xi32>,
          } else {
          }
          %slice3A_211 = vector.extract_strided_slice %select_n3A_109 {offsets = [5], sizes = [1], strides = [1]} : vector<16xi32> to vector<1xi32>
          %squeeze3A_212 = vector.extract %slice3A_211[0] : i32 from vector<1xi32>
          %gt3A_213 = arith.constant 0 : i32
          %gt3A_214 = arith.cmpi sgt, %squeeze3A_212, %gt3A_213 : i32
          %convert_element_type3A_215 = arith.extui %gt3A_214 : i1 to i32
          %cond3A_216 = arith.constant 0 : i32
          %cond3A_217 = arith.cmpi ne, %convert_element_type3A_215, %cond3A_216 : i32
          scf.if %cond3A_217 {
            %add3A_288 = arith.addi %scan3A_85, %add3A_126 : i32
            %slice3A_289 = vector.extract_strided_slice %get3A_114 {offsets = [5], sizes = [1], strides = [1]} : vector<16xi32> to vector<1xi32>
            %squeeze3A_290 = vector.extract %slice3A_289[0] : i32 from vector<1xi32>
            %add3A_291 = vector.broadcast %squeeze3A_290 : i32 to vector<16xi32>
            %add3A_292 = arith.addi %mul3A_9, %add3A_291 : vector<16xi32>
            %swap3A_293 = arith.index_cast %add3A_288 : i32 to index
            %swap3A_294 = tpu.vector_load %arg16[%swap3A_293] {strides = array<i32>} : memref<2048xi32, #tpu.memory_space<vmem>>, vector<16xi32>,
            %swap3A_295 = vector.shape_cast %swap3A_294 : vector<16xi32> to vector<16xi32>
            %swap3A_296 = vector.shape_cast %add3A_292 : vector<16xi32> to vector<16xi32>
            tpu.vector_store %arg16[%swap3A_293], %swap3A_296 {strides = array<i32>} : memref<2048xi32, #tpu.memory_space<vmem>>, vector<16xi32>,
            %slice3A_297 = vector.extract_strided_slice %get3A_90 {offsets = [5], sizes = [1], strides = [1]} : vector<16xi32> to vector<1xi32>
            %squeeze3A_298 = vector.extract %slice3A_297[0] : i32 from vector<1xi32>
            %add3A_299 = vector.broadcast %squeeze3A_298 : i32 to vector<16xi32>
            %add3A_300 = arith.addi %mul3A_9, %add3A_299 : vector<16xi32>
            %swap3A_301 = arith.index_cast %add3A_288 : i32 to index
            %swap3A_302 = tpu.vector_load %arg17[%swap3A_301] {strides = array<i32>} : memref<2048xi32, #tpu.memory_space<vmem>>, vector<16xi32>,
            %swap3A_303 = vector.shape_cast %swap3A_302 : vector<16xi32> to vector<16xi32>
            %swap3A_304 = vector.shape_cast %add3A_300 : vector<16xi32> to vector<16xi32>
            tpu.vector_store %arg17[%swap3A_301], %swap3A_304 {strides = array<i32>} : memref<2048xi32, #tpu.memory_space<vmem>>, vector<16xi32>,
          } else {
          }
          %slice3A_218 = vector.extract_strided_slice %select_n3A_109 {offsets = [6], sizes = [1], strides = [1]} : vector<16xi32> to vector<1xi32>
          %squeeze3A_219 = vector.extract %slice3A_218[0] : i32 from vector<1xi32>
          %gt3A_220 = arith.constant 0 : i32
          %gt3A_221 = arith.cmpi sgt, %squeeze3A_219, %gt3A_220 : i32
          %convert_element_type3A_222 = arith.extui %gt3A_221 : i1 to i32
          %cond3A_223 = arith.constant 0 : i32
          %cond3A_224 = arith.cmpi ne, %convert_element_type3A_222, %cond3A_223 : i32
          scf.if %cond3A_224 {
            %add3A_288 = arith.addi %scan3A_85, %add3A_129 : i32
            %slice3A_289 = vector.extract_strided_slice %get3A_114 {offsets = [6], sizes = [1], strides = [1]} : vector<16xi32> to vector<1xi32>
            %squeeze3A_290 = vector.extract %slice3A_289[0] : i32 from vector<1xi32>
            %add3A_291 = vector.broadcast %squeeze3A_290 : i32 to vector<16xi32>
            %add3A_292 = arith.addi %mul3A_9, %add3A_291 : vector<16xi32>
            %swap3A_293 = arith.index_cast %add3A_288 : i32 to index
            %swap3A_294 = tpu.vector_load %arg16[%swap3A_293] {strides = array<i32>} : memref<2048xi32, #tpu.memory_space<vmem>>, vector<16xi32>,
            %swap3A_295 = vector.shape_cast %swap3A_294 : vector<16xi32> to vector<16xi32>
            %swap3A_296 = vector.shape_cast %add3A_292 : vector<16xi32> to vector<16xi32>
            tpu.vector_store %arg16[%swap3A_293], %swap3A_296 {strides = array<i32>} : memref<2048xi32, #tpu.memory_space<vmem>>, vector<16xi32>,
            %slice3A_297 = vector.extract_strided_slice %get3A_90 {offsets = [6], sizes = [1], strides = [1]} : vector<16xi32> to vector<1xi32>
            %squeeze3A_298 = vector.extract %slice3A_297[0] : i32 from vector<1xi32>
            %add3A_299 = vector.broadcast %squeeze3A_298 : i32 to vector<16xi32>
            %add3A_300 = arith.addi %mul3A_9, %add3A_299 : vector<16xi32>
            %swap3A_301 = arith.index_cast %add3A_288 : i32 to index
            %swap3A_302 = tpu.vector_load %arg17[%swap3A_301] {strides = array<i32>} : memref<2048xi32, #tpu.memory_space<vmem>>, vector<16xi32>,
            %swap3A_303 = vector.shape_cast %swap3A_302 : vector<16xi32> to vector<16xi32>
            %swap3A_304 = vector.shape_cast %add3A_300 : vector<16xi32> to vector<16xi32>
            tpu.vector_store %arg17[%swap3A_301], %swap3A_304 {strides = array<i32>} : memref<2048xi32, #tpu.memory_space<vmem>>, vector<16xi32>,
          } else {
          }
          %slice3A_225 = vector.extract_strided_slice %select_n3A_109 {offsets = [7], sizes = [1], strides = [1]} : vector<16xi32> to vector<1xi32>
          %squeeze3A_226 = vector.extract %slice3A_225[0] : i32 from vector<1xi32>
          %gt3A_227 = arith.constant 0 : i32
          %gt3A_228 = arith.cmpi sgt, %squeeze3A_226, %gt3A_227 : i32
          %convert_element_type3A_229 = arith.extui %gt3A_228 : i1 to i32
          %cond3A_230 = arith.constant 0 : i32
          %cond3A_231 = arith.cmpi ne, %convert_element_type3A_229, %cond3A_230 : i32
          scf.if %cond3A_231 {
            %add3A_288 = arith.addi %scan3A_85, %add3A_132 : i32
            %slice3A_289 = vector.extract_strided_slice %get3A_114 {offsets = [7], sizes = [1], strides = [1]} : vector<16xi32> to vector<1xi32>
            %squeeze3A_290 = vector.extract %slice3A_289[0] : i32 from vector<1xi32>
            %add3A_291 = vector.broadcast %squeeze3A_290 : i32 to vector<16xi32>
            %add3A_292 = arith.addi %mul3A_9, %add3A_291 : vector<16xi32>
            %swap3A_293 = arith.index_cast %add3A_288 : i32 to index
            %swap3A_294 = tpu.vector_load %arg16[%swap3A_293] {strides = array<i32>} : memref<2048xi32, #tpu.memory_space<vmem>>, vector<16xi32>,
            %swap3A_295 = vector.shape_cast %swap3A_294 : vector<16xi32> to vector<16xi32>
            %swap3A_296 = vector.shape_cast %add3A_292 : vector<16xi32> to vector<16xi32>
            tpu.vector_store %arg16[%swap3A_293], %swap3A_296 {strides = array<i32>} : memref<2048xi32, #tpu.memory_space<vmem>>, vector<16xi32>,
            %slice3A_297 = vector.extract_strided_slice %get3A_90 {offsets = [7], sizes = [1], strides = [1]} : vector<16xi32> to vector<1xi32>
            %squeeze3A_298 = vector.extract %slice3A_297[0] : i32 from vector<1xi32>
            %add3A_299 = vector.broadcast %squeeze3A_298 : i32 to vector<16xi32>
            %add3A_300 = arith.addi %mul3A_9, %add3A_299 : vector<16xi32>
            %swap3A_301 = arith.index_cast %add3A_288 : i32 to index
            %swap3A_302 = tpu.vector_load %arg17[%swap3A_301] {strides = array<i32>} : memref<2048xi32, #tpu.memory_space<vmem>>, vector<16xi32>,
            %swap3A_303 = vector.shape_cast %swap3A_302 : vector<16xi32> to vector<16xi32>
            %swap3A_304 = vector.shape_cast %add3A_300 : vector<16xi32> to vector<16xi32>
            tpu.vector_store %arg17[%swap3A_301], %swap3A_304 {strides = array<i32>} : memref<2048xi32, #tpu.memory_space<vmem>>, vector<16xi32>,
          } else {
          }
          %slice3A_232 = vector.extract_strided_slice %select_n3A_109 {offsets = [8], sizes = [1], strides = [1]} : vector<16xi32> to vector<1xi32>
          %squeeze3A_233 = vector.extract %slice3A_232[0] : i32 from vector<1xi32>
          %gt3A_234 = arith.constant 0 : i32
          %gt3A_235 = arith.cmpi sgt, %squeeze3A_233, %gt3A_234 : i32
          %convert_element_type3A_236 = arith.extui %gt3A_235 : i1 to i32
          %cond3A_237 = arith.constant 0 : i32
          %cond3A_238 = arith.cmpi ne, %convert_element_type3A_236, %cond3A_237 : i32
          scf.if %cond3A_238 {
            %add3A_288 = arith.addi %scan3A_85, %add3A_135 : i32
            %slice3A_289 = vector.extract_strided_slice %get3A_114 {offsets = [8], sizes = [1], strides = [1]} : vector<16xi32> to vector<1xi32>
            %squeeze3A_290 = vector.extract %slice3A_289[0] : i32 from vector<1xi32>
            %add3A_291 = vector.broadcast %squeeze3A_290 : i32 to vector<16xi32>
            %add3A_292 = arith.addi %mul3A_9, %add3A_291 : vector<16xi32>
            %swap3A_293 = arith.index_cast %add3A_288 : i32 to index
            %swap3A_294 = tpu.vector_load %arg16[%swap3A_293] {strides = array<i32>} : memref<2048xi32, #tpu.memory_space<vmem>>, vector<16xi32>,
            %swap3A_295 = vector.shape_cast %swap3A_294 : vector<16xi32> to vector<16xi32>
            %swap3A_296 = vector.shape_cast %add3A_292 : vector<16xi32> to vector<16xi32>
            tpu.vector_store %arg16[%swap3A_293], %swap3A_296 {strides = array<i32>} : memref<2048xi32, #tpu.memory_space<vmem>>, vector<16xi32>,
            %slice3A_297 = vector.extract_strided_slice %get3A_90 {offsets = [8], sizes = [1], strides = [1]} : vector<16xi32> to vector<1xi32>
            %squeeze3A_298 = vector.extract %slice3A_297[0] : i32 from vector<1xi32>
            %add3A_299 = vector.broadcast %squeeze3A_298 : i32 to vector<16xi32>
            %add3A_300 = arith.addi %mul3A_9, %add3A_299 : vector<16xi32>
            %swap3A_301 = arith.index_cast %add3A_288 : i32 to index
            %swap3A_302 = tpu.vector_load %arg17[%swap3A_301] {strides = array<i32>} : memref<2048xi32, #tpu.memory_space<vmem>>, vector<16xi32>,
            %swap3A_303 = vector.shape_cast %swap3A_302 : vector<16xi32> to vector<16xi32>
            %swap3A_304 = vector.shape_cast %add3A_300 : vector<16xi32> to vector<16xi32>
            tpu.vector_store %arg17[%swap3A_301], %swap3A_304 {strides = array<i32>} : memref<2048xi32, #tpu.memory_space<vmem>>, vector<16xi32>,
          } else {
          }
          %slice3A_239 = vector.extract_strided_slice %select_n3A_109 {offsets = [9], sizes = [1], strides = [1]} : vector<16xi32> to vector<1xi32>
          %squeeze3A_240 = vector.extract %slice3A_239[0] : i32 from vector<1xi32>
          %gt3A_241 = arith.constant 0 : i32
          %gt3A_242 = arith.cmpi sgt, %squeeze3A_240, %gt3A_241 : i32
          %convert_element_type3A_243 = arith.extui %gt3A_242 : i1 to i32
          %cond3A_244 = arith.constant 0 : i32
          %cond3A_245 = arith.cmpi ne, %convert_element_type3A_243, %cond3A_244 : i32
          scf.if %cond3A_245 {
            %add3A_288 = arith.addi %scan3A_85, %add3A_138 : i32
            %slice3A_289 = vector.extract_strided_slice %get3A_114 {offsets = [9], sizes = [1], strides = [1]} : vector<16xi32> to vector<1xi32>
            %squeeze3A_290 = vector.extract %slice3A_289[0] : i32 from vector<1xi32>
            %add3A_291 = vector.broadcast %squeeze3A_290 : i32 to vector<16xi32>
            %add3A_292 = arith.addi %mul3A_9, %add3A_291 : vector<16xi32>
            %swap3A_293 = arith.index_cast %add3A_288 : i32 to index
            %swap3A_294 = tpu.vector_load %arg16[%swap3A_293] {strides = array<i32>} : memref<2048xi32, #tpu.memory_space<vmem>>, vector<16xi32>,
            %swap3A_295 = vector.shape_cast %swap3A_294 : vector<16xi32> to vector<16xi32>
            %swap3A_296 = vector.shape_cast %add3A_292 : vector<16xi32> to vector<16xi32>
            tpu.vector_store %arg16[%swap3A_293], %swap3A_296 {strides = array<i32>} : memref<2048xi32, #tpu.memory_space<vmem>>, vector<16xi32>,
            %slice3A_297 = vector.extract_strided_slice %get3A_90 {offsets = [9], sizes = [1], strides = [1]} : vector<16xi32> to vector<1xi32>
            %squeeze3A_298 = vector.extract %slice3A_297[0] : i32 from vector<1xi32>
            %add3A_299 = vector.broadcast %squeeze3A_298 : i32 to vector<16xi32>
            %add3A_300 = arith.addi %mul3A_9, %add3A_299 : vector<16xi32>
            %swap3A_301 = arith.index_cast %add3A_288 : i32 to index
            %swap3A_302 = tpu.vector_load %arg17[%swap3A_301] {strides = array<i32>} : memref<2048xi32, #tpu.memory_space<vmem>>, vector<16xi32>,
            %swap3A_303 = vector.shape_cast %swap3A_302 : vector<16xi32> to vector<16xi32>
            %swap3A_304 = vector.shape_cast %add3A_300 : vector<16xi32> to vector<16xi32>
            tpu.vector_store %arg17[%swap3A_301], %swap3A_304 {strides = array<i32>} : memref<2048xi32, #tpu.memory_space<vmem>>, vector<16xi32>,
          } else {
          }
          %slice3A_246 = vector.extract_strided_slice %select_n3A_109 {offsets = [10], sizes = [1], strides = [1]} : vector<16xi32> to vector<1xi32>
          %squeeze3A_247 = vector.extract %slice3A_246[0] : i32 from vector<1xi32>
          %gt3A_248 = arith.constant 0 : i32
          %gt3A_249 = arith.cmpi sgt, %squeeze3A_247, %gt3A_248 : i32
          %convert_element_type3A_250 = arith.extui %gt3A_249 : i1 to i32
          %cond3A_251 = arith.constant 0 : i32
          %cond3A_252 = arith.cmpi ne, %convert_element_type3A_250, %cond3A_251 : i32
          scf.if %cond3A_252 {
            %add3A_288 = arith.addi %scan3A_85, %add3A_141 : i32
            %slice3A_289 = vector.extract_strided_slice %get3A_114 {offsets = [10], sizes = [1], strides = [1]} : vector<16xi32> to vector<1xi32>
            %squeeze3A_290 = vector.extract %slice3A_289[0] : i32 from vector<1xi32>
            %add3A_291 = vector.broadcast %squeeze3A_290 : i32 to vector<16xi32>
            %add3A_292 = arith.addi %mul3A_9, %add3A_291 : vector<16xi32>
            %swap3A_293 = arith.index_cast %add3A_288 : i32 to index
            %swap3A_294 = tpu.vector_load %arg16[%swap3A_293] {strides = array<i32>} : memref<2048xi32, #tpu.memory_space<vmem>>, vector<16xi32>,
            %swap3A_295 = vector.shape_cast %swap3A_294 : vector<16xi32> to vector<16xi32>
            %swap3A_296 = vector.shape_cast %add3A_292 : vector<16xi32> to vector<16xi32>
            tpu.vector_store %arg16[%swap3A_293], %swap3A_296 {strides = array<i32>} : memref<2048xi32, #tpu.memory_space<vmem>>, vector<16xi32>,
            %slice3A_297 = vector.extract_strided_slice %get3A_90 {offsets = [10], sizes = [1], strides = [1]} : vector<16xi32> to vector<1xi32>
            %squeeze3A_298 = vector.extract %slice3A_297[0] : i32 from vector<1xi32>
            %add3A_299 = vector.broadcast %squeeze3A_298 : i32 to vector<16xi32>
            %add3A_300 = arith.addi %mul3A_9, %add3A_299 : vector<16xi32>
            %swap3A_301 = arith.index_cast %add3A_288 : i32 to index
            %swap3A_302 = tpu.vector_load %arg17[%swap3A_301] {strides = array<i32>} : memref<2048xi32, #tpu.memory_space<vmem>>, vector<16xi32>,
            %swap3A_303 = vector.shape_cast %swap3A_302 : vector<16xi32> to vector<16xi32>
            %swap3A_304 = vector.shape_cast %add3A_300 : vector<16xi32> to vector<16xi32>
            tpu.vector_store %arg17[%swap3A_301], %swap3A_304 {strides = array<i32>} : memref<2048xi32, #tpu.memory_space<vmem>>, vector<16xi32>,
          } else {
          }
          %slice3A_253 = vector.extract_strided_slice %select_n3A_109 {offsets = [11], sizes = [1], strides = [1]} : vector<16xi32> to vector<1xi32>
          %squeeze3A_254 = vector.extract %slice3A_253[0] : i32 from vector<1xi32>
          %gt3A_255 = arith.constant 0 : i32
          %gt3A_256 = arith.cmpi sgt, %squeeze3A_254, %gt3A_255 : i32
          %convert_element_type3A_257 = arith.extui %gt3A_256 : i1 to i32
          %cond3A_258 = arith.constant 0 : i32
          %cond3A_259 = arith.cmpi ne, %convert_element_type3A_257, %cond3A_258 : i32
          scf.if %cond3A_259 {
            %add3A_288 = arith.addi %scan3A_85, %add3A_144 : i32
            %slice3A_289 = vector.extract_strided_slice %get3A_114 {offsets = [11], sizes = [1], strides = [1]} : vector<16xi32> to vector<1xi32>
            %squeeze3A_290 = vector.extract %slice3A_289[0] : i32 from vector<1xi32>
            %add3A_291 = vector.broadcast %squeeze3A_290 : i32 to vector<16xi32>
            %add3A_292 = arith.addi %mul3A_9, %add3A_291 : vector<16xi32>
            %swap3A_293 = arith.index_cast %add3A_288 : i32 to index
            %swap3A_294 = tpu.vector_load %arg16[%swap3A_293] {strides = array<i32>} : memref<2048xi32, #tpu.memory_space<vmem>>, vector<16xi32>,
            %swap3A_295 = vector.shape_cast %swap3A_294 : vector<16xi32> to vector<16xi32>
            %swap3A_296 = vector.shape_cast %add3A_292 : vector<16xi32> to vector<16xi32>
            tpu.vector_store %arg16[%swap3A_293], %swap3A_296 {strides = array<i32>} : memref<2048xi32, #tpu.memory_space<vmem>>, vector<16xi32>,
            %slice3A_297 = vector.extract_strided_slice %get3A_90 {offsets = [11], sizes = [1], strides = [1]} : vector<16xi32> to vector<1xi32>
            %squeeze3A_298 = vector.extract %slice3A_297[0] : i32 from vector<1xi32>
            %add3A_299 = vector.broadcast %squeeze3A_298 : i32 to vector<16xi32>
            %add3A_300 = arith.addi %mul3A_9, %add3A_299 : vector<16xi32>
            %swap3A_301 = arith.index_cast %add3A_288 : i32 to index
            %swap3A_302 = tpu.vector_load %arg17[%swap3A_301] {strides = array<i32>} : memref<2048xi32, #tpu.memory_space<vmem>>, vector<16xi32>,
            %swap3A_303 = vector.shape_cast %swap3A_302 : vector<16xi32> to vector<16xi32>
            %swap3A_304 = vector.shape_cast %add3A_300 : vector<16xi32> to vector<16xi32>
            tpu.vector_store %arg17[%swap3A_301], %swap3A_304 {strides = array<i32>} : memref<2048xi32, #tpu.memory_space<vmem>>, vector<16xi32>,
          } else {
          }
          %slice3A_260 = vector.extract_strided_slice %select_n3A_109 {offsets = [12], sizes = [1], strides = [1]} : vector<16xi32> to vector<1xi32>
          %squeeze3A_261 = vector.extract %slice3A_260[0] : i32 from vector<1xi32>
          %gt3A_262 = arith.constant 0 : i32
          %gt3A_263 = arith.cmpi sgt, %squeeze3A_261, %gt3A_262 : i32
          %convert_element_type3A_264 = arith.extui %gt3A_263 : i1 to i32
          %cond3A_265 = arith.constant 0 : i32
          %cond3A_266 = arith.cmpi ne, %convert_element_type3A_264, %cond3A_265 : i32
          scf.if %cond3A_266 {
            %add3A_288 = arith.addi %scan3A_85, %add3A_147 : i32
            %slice3A_289 = vector.extract_strided_slice %get3A_114 {offsets = [12], sizes = [1], strides = [1]} : vector<16xi32> to vector<1xi32>
            %squeeze3A_290 = vector.extract %slice3A_289[0] : i32 from vector<1xi32>
            %add3A_291 = vector.broadcast %squeeze3A_290 : i32 to vector<16xi32>
            %add3A_292 = arith.addi %mul3A_9, %add3A_291 : vector<16xi32>
            %swap3A_293 = arith.index_cast %add3A_288 : i32 to index
            %swap3A_294 = tpu.vector_load %arg16[%swap3A_293] {strides = array<i32>} : memref<2048xi32, #tpu.memory_space<vmem>>, vector<16xi32>,
            %swap3A_295 = vector.shape_cast %swap3A_294 : vector<16xi32> to vector<16xi32>
            %swap3A_296 = vector.shape_cast %add3A_292 : vector<16xi32> to vector<16xi32>
            tpu.vector_store %arg16[%swap3A_293], %swap3A_296 {strides = array<i32>} : memref<2048xi32, #tpu.memory_space<vmem>>, vector<16xi32>,
            %slice3A_297 = vector.extract_strided_slice %get3A_90 {offsets = [12], sizes = [1], strides = [1]} : vector<16xi32> to vector<1xi32>
            %squeeze3A_298 = vector.extract %slice3A_297[0] : i32 from vector<1xi32>
            %add3A_299 = vector.broadcast %squeeze3A_298 : i32 to vector<16xi32>
            %add3A_300 = arith.addi %mul3A_9, %add3A_299 : vector<16xi32>
            %swap3A_301 = arith.index_cast %add3A_288 : i32 to index
            %swap3A_302 = tpu.vector_load %arg17[%swap3A_301] {strides = array<i32>} : memref<2048xi32, #tpu.memory_space<vmem>>, vector<16xi32>,
            %swap3A_303 = vector.shape_cast %swap3A_302 : vector<16xi32> to vector<16xi32>
            %swap3A_304 = vector.shape_cast %add3A_300 : vector<16xi32> to vector<16xi32>
            tpu.vector_store %arg17[%swap3A_301], %swap3A_304 {strides = array<i32>} : memref<2048xi32, #tpu.memory_space<vmem>>, vector<16xi32>,
          } else {
          }
          %slice3A_267 = vector.extract_strided_slice %select_n3A_109 {offsets = [13], sizes = [1], strides = [1]} : vector<16xi32> to vector<1xi32>
          %squeeze3A_268 = vector.extract %slice3A_267[0] : i32 from vector<1xi32>
          %gt3A_269 = arith.constant 0 : i32
          %gt3A_270 = arith.cmpi sgt, %squeeze3A_268, %gt3A_269 : i32
          %convert_element_type3A_271 = arith.extui %gt3A_270 : i1 to i32
          %cond3A_272 = arith.constant 0 : i32
          %cond3A_273 = arith.cmpi ne, %convert_element_type3A_271, %cond3A_272 : i32
          scf.if %cond3A_273 {
            %add3A_288 = arith.addi %scan3A_85, %add3A_150 : i32
            %slice3A_289 = vector.extract_strided_slice %get3A_114 {offsets = [13], sizes = [1], strides = [1]} : vector<16xi32> to vector<1xi32>
            %squeeze3A_290 = vector.extract %slice3A_289[0] : i32 from vector<1xi32>
            %add3A_291 = vector.broadcast %squeeze3A_290 : i32 to vector<16xi32>
            %add3A_292 = arith.addi %mul3A_9, %add3A_291 : vector<16xi32>
            %swap3A_293 = arith.index_cast %add3A_288 : i32 to index
            %swap3A_294 = tpu.vector_load %arg16[%swap3A_293] {strides = array<i32>} : memref<2048xi32, #tpu.memory_space<vmem>>, vector<16xi32>,
            %swap3A_295 = vector.shape_cast %swap3A_294 : vector<16xi32> to vector<16xi32>
            %swap3A_296 = vector.shape_cast %add3A_292 : vector<16xi32> to vector<16xi32>
            tpu.vector_store %arg16[%swap3A_293], %swap3A_296 {strides = array<i32>} : memref<2048xi32, #tpu.memory_space<vmem>>, vector<16xi32>,
            %slice3A_297 = vector.extract_strided_slice %get3A_90 {offsets = [13], sizes = [1], strides = [1]} : vector<16xi32> to vector<1xi32>
            %squeeze3A_298 = vector.extract %slice3A_297[0] : i32 from vector<1xi32>
            %add3A_299 = vector.broadcast %squeeze3A_298 : i32 to vector<16xi32>
            %add3A_300 = arith.addi %mul3A_9, %add3A_299 : vector<16xi32>
            %swap3A_301 = arith.index_cast %add3A_288 : i32 to index
            %swap3A_302 = tpu.vector_load %arg17[%swap3A_301] {strides = array<i32>} : memref<2048xi32, #tpu.memory_space<vmem>>, vector<16xi32>,
            %swap3A_303 = vector.shape_cast %swap3A_302 : vector<16xi32> to vector<16xi32>
            %swap3A_304 = vector.shape_cast %add3A_300 : vector<16xi32> to vector<16xi32>
            tpu.vector_store %arg17[%swap3A_301], %swap3A_304 {strides = array<i32>} : memref<2048xi32, #tpu.memory_space<vmem>>, vector<16xi32>,
          } else {
          }
          %slice3A_274 = vector.extract_strided_slice %select_n3A_109 {offsets = [14], sizes = [1], strides = [1]} : vector<16xi32> to vector<1xi32>
          %squeeze3A_275 = vector.extract %slice3A_274[0] : i32 from vector<1xi32>
          %gt3A_276 = arith.constant 0 : i32
          %gt3A_277 = arith.cmpi sgt, %squeeze3A_275, %gt3A_276 : i32
          %convert_element_type3A_278 = arith.extui %gt3A_277 : i1 to i32
          %cond3A_279 = arith.constant 0 : i32
          %cond3A_280 = arith.cmpi ne, %convert_element_type3A_278, %cond3A_279 : i32
          scf.if %cond3A_280 {
            %add3A_288 = arith.addi %scan3A_85, %add3A_153 : i32
            %slice3A_289 = vector.extract_strided_slice %get3A_114 {offsets = [14], sizes = [1], strides = [1]} : vector<16xi32> to vector<1xi32>
            %squeeze3A_290 = vector.extract %slice3A_289[0] : i32 from vector<1xi32>
            %add3A_291 = vector.broadcast %squeeze3A_290 : i32 to vector<16xi32>
            %add3A_292 = arith.addi %mul3A_9, %add3A_291 : vector<16xi32>
            %swap3A_293 = arith.index_cast %add3A_288 : i32 to index
            %swap3A_294 = tpu.vector_load %arg16[%swap3A_293] {strides = array<i32>} : memref<2048xi32, #tpu.memory_space<vmem>>, vector<16xi32>,
            %swap3A_295 = vector.shape_cast %swap3A_294 : vector<16xi32> to vector<16xi32>
            %swap3A_296 = vector.shape_cast %add3A_292 : vector<16xi32> to vector<16xi32>
            tpu.vector_store %arg16[%swap3A_293], %swap3A_296 {strides = array<i32>} : memref<2048xi32, #tpu.memory_space<vmem>>, vector<16xi32>,
            %slice3A_297 = vector.extract_strided_slice %get3A_90 {offsets = [14], sizes = [1], strides = [1]} : vector<16xi32> to vector<1xi32>
            %squeeze3A_298 = vector.extract %slice3A_297[0] : i32 from vector<1xi32>
            %add3A_299 = vector.broadcast %squeeze3A_298 : i32 to vector<16xi32>
            %add3A_300 = arith.addi %mul3A_9, %add3A_299 : vector<16xi32>
            %swap3A_301 = arith.index_cast %add3A_288 : i32 to index
            %swap3A_302 = tpu.vector_load %arg17[%swap3A_301] {strides = array<i32>} : memref<2048xi32, #tpu.memory_space<vmem>>, vector<16xi32>,
            %swap3A_303 = vector.shape_cast %swap3A_302 : vector<16xi32> to vector<16xi32>
            %swap3A_304 = vector.shape_cast %add3A_300 : vector<16xi32> to vector<16xi32>
            tpu.vector_store %arg17[%swap3A_301], %swap3A_304 {strides = array<i32>} : memref<2048xi32, #tpu.memory_space<vmem>>, vector<16xi32>,
          } else {
          }
          %slice3A_281 = vector.extract_strided_slice %select_n3A_109 {offsets = [15], sizes = [1], strides = [1]} : vector<16xi32> to vector<1xi32>
          %squeeze3A_282 = vector.extract %slice3A_281[0] : i32 from vector<1xi32>
          %gt3A_283 = arith.constant 0 : i32
          %gt3A_284 = arith.cmpi sgt, %squeeze3A_282, %gt3A_283 : i32
          %convert_element_type3A_285 = arith.extui %gt3A_284 : i1 to i32
          %cond3A_286 = arith.constant 0 : i32
          %cond3A_287 = arith.cmpi ne, %convert_element_type3A_285, %cond3A_286 : i32
          scf.if %cond3A_287 {
            %add3A_288 = arith.addi %scan3A_85, %add3A_156 : i32
            %slice3A_289 = vector.extract_strided_slice %get3A_114 {offsets = [15], sizes = [1], strides = [1]} : vector<16xi32> to vector<1xi32>
            %squeeze3A_290 = vector.extract %slice3A_289[0] : i32 from vector<1xi32>
            %add3A_291 = vector.broadcast %squeeze3A_290 : i32 to vector<16xi32>
            %add3A_292 = arith.addi %mul3A_9, %add3A_291 : vector<16xi32>
            %swap3A_293 = arith.index_cast %add3A_288 : i32 to index
            %swap3A_294 = tpu.vector_load %arg16[%swap3A_293] {strides = array<i32>} : memref<2048xi32, #tpu.memory_space<vmem>>, vector<16xi32>,
            %swap3A_295 = vector.shape_cast %swap3A_294 : vector<16xi32> to vector<16xi32>
            %swap3A_296 = vector.shape_cast %add3A_292 : vector<16xi32> to vector<16xi32>
            tpu.vector_store %arg16[%swap3A_293], %swap3A_296 {strides = array<i32>} : memref<2048xi32, #tpu.memory_space<vmem>>, vector<16xi32>,
            %slice3A_297 = vector.extract_strided_slice %get3A_90 {offsets = [15], sizes = [1], strides = [1]} : vector<16xi32> to vector<1xi32>
            %squeeze3A_298 = vector.extract %slice3A_297[0] : i32 from vector<1xi32>
            %add3A_299 = vector.broadcast %squeeze3A_298 : i32 to vector<16xi32>
            %add3A_300 = arith.addi %mul3A_9, %add3A_299 : vector<16xi32>
            %swap3A_301 = arith.index_cast %add3A_288 : i32 to index
            %swap3A_302 = tpu.vector_load %arg17[%swap3A_301] {strides = array<i32>} : memref<2048xi32, #tpu.memory_space<vmem>>, vector<16xi32>,
            %swap3A_303 = vector.shape_cast %swap3A_302 : vector<16xi32> to vector<16xi32>
            %swap3A_304 = vector.shape_cast %add3A_300 : vector<16xi32> to vector<16xi32>
            tpu.vector_store %arg17[%swap3A_301], %swap3A_304 {strides = array<i32>} : memref<2048xi32, #tpu.memory_space<vmem>>, vector<16xi32>,
          } else {
          }
        } else {
        }
        %add3A_162 = arith.addi %scan3A_85, %add3A_159 : i32
        %gt3A_163 = arith.constant 2016 : i32
        %gt3A_164 = arith.cmpi sgt, %add3A_162, %gt3A_163 : i32
        %convert_element_type3A_165 = arith.extui %gt3A_164 : i1 to i32
        %cond3A_166 = arith.constant 0 : i32
        %cond3A_167 = arith.cmpi ne, %convert_element_type3A_165, %cond3A_166 : i32
        scf.if %cond3A_167 {
          %scan3A_176 = arith.constant 0 : i32
          %scan3A_177 = arith.constant 0 : i32
          %scan3A_178 = arith.constant 128 : i32
          %scan3A_179 = arith.addi %scan3A_177, %scan3A_178 : i32
          %scan3A_180 = arith.constant 1 : i32
          scf.for %scan3A_192 = %scan3A_177 to %scan3A_179 step %scan3A_180  : i32 {
            %mul3A_193 = arith.constant 16 : i32
            %mul3A_194 = arith.muli %scan3A_192, %mul3A_193 : i32
            %add3A_195 = vector.broadcast %mul3A_194 : i32 to vector<16xi32>
            %add3A_196 = arith.addi %iota3A, %add3A_195 : vector<16xi32>
            %lt3A = vector.broadcast %add3A_162 : i32 to vector<16xi32>
            %lt3A_197 = arith.cmpi slt, %add3A_196, %lt3A : vector<16xi32>
            %mul3A_198 = arith.constant 16 : i32
            %mul3A_199 = arith.muli %scan3A_192, %mul3A_198 : i32
            %get3A_200 = arith.index_cast %mul3A_199 : i32 to index
            %get3A_201 = tpu.vector_load %arg16[%get3A_200] {strides = array<i32>} : memref<2048xi32, #tpu.memory_space<vmem>>, vector<16xi32>,
            %get3A_202 = vector.shape_cast %get3A_201 : vector<16xi32> to vector<16xi32>
            %mul3A_203 = arith.constant 16 : i32
            %mul3A_204 = arith.muli %scan3A_192, %mul3A_203 : i32
            %get3A_205 = arith.index_cast %mul3A_204 : i32 to index
            %get3A_206 = tpu.vector_load %arg17[%get3A_205] {strides = array<i32>} : memref<2048xi32, #tpu.memory_space<vmem>>, vector<16xi32>,
            %get3A_207 = vector.shape_cast %get3A_206 : vector<16xi32> to vector<16xi32>
            %mul3A_208 = arith.constant 7 : i32
            %mul3A_209 = arith.muli %scan3A_86, %mul3A_208 : i32
            %add3A_210 = vector.broadcast %mul3A_209 : i32 to vector<16xi32>
            %add3A_211 = arith.addi %add3A_196, %add3A_210 : vector<16xi32>
            %and3A_212 = arith.constant 262143 : i32
            %and3A_213 = vector.broadcast %and3A_212 : i32 to vector<16xi32>
            %and3A_214 = arith.andi %add3A_211, %and3A_213 : vector<16xi32>
            %add3A_215 = arith.constant 2139095041 : i32
            %add3A_216 = vector.broadcast %add3A_215 : i32 to vector<16xi32>
            %add3A_217 = arith.addi %add3A_216, %and3A_214 : vector<16xi32>
            %select_n3A_218 = arith.select %lt3A_197, %get3A_202, %add3A_217 : vector<16xi1>, vector<16xi32>
            %mul3A_219 = arith.constant 16 : i32
            %mul3A_220 = arith.muli %scan3A_192, %mul3A_219 : i32
            %swap3A_221 = arith.index_cast %mul3A_220 : i32 to index
            %swap3A_222 = tpu.vector_load %arg16[%swap3A_221] {strides = array<i32>} : memref<2048xi32, #tpu.memory_space<vmem>>, vector<16xi32>,
            %swap3A_223 = vector.shape_cast %swap3A_222 : vector<16xi32> to vector<16xi32>
            %swap3A_224 = vector.shape_cast %select_n3A_218 : vector<16xi32> to vector<16xi32>
            tpu.vector_store %arg16[%swap3A_221], %swap3A_224 {strides = array<i32>} : memref<2048xi32, #tpu.memory_space<vmem>>, vector<16xi32>,
            %sub3A = arith.constant 1 : i32
            %sub3A_225 = vector.broadcast %sub3A : i32 to vector<16xi32>
            %sub3A_226 = arith.subi %mul3A_9, %sub3A_225 : vector<16xi32>
            %select_n3A_227 = arith.select %lt3A_197, %get3A_207, %sub3A_226 : vector<16xi1>, vector<16xi32>
            %mul3A_228 = arith.constant 16 : i32
            %mul3A_229 = arith.muli %scan3A_192, %mul3A_228 : i32
            %swap3A_230 = arith.index_cast %mul3A_229 : i32 to index
            %swap3A_231 = tpu.vector_load %arg17[%swap3A_230] {strides = array<i32>} : memref<2048xi32, #tpu.memory_space<vmem>>, vector<16xi32>,
            %swap3A_232 = vector.shape_cast %swap3A_231 : vector<16xi32> to vector<16xi32>
            %swap3A_233 = vector.shape_cast %select_n3A_227 : vector<16xi32> to vector<16xi32>
            tpu.vector_store %arg17[%swap3A_230], %swap3A_233 {strides = array<i32>} : memref<2048xi32, #tpu.memory_space<vmem>>, vector<16xi32>,
          }
          %scan3A_181 = arith.constant 128 : i32
          %dma_start3A_182 = arith.constant 0 : i32
          %dma_start3A_183 = tpu.memref_slice %arg5[%dma_start3A_182] : memref<2139359232xi32, #tpu.memory_space<hbm>> -> memref<2139359232xi32, #tpu.memory_space<hbm>>
          tpu.enqueue_indirect_dma source(%arg17 : memref<2048xi32, #tpu.memory_space<vmem>>) target(%dma_start3A_183 : memref<2139359232xi32, #tpu.memory_space<hbm>>) offsets(%arg16 : memref<2048xi32, #tpu.memory_space<vmem>>) semaphore(%arg20 : memref<!tpu.dma_semaphore, #tpu.memory_space<semaphore_mem>>)
          %dma_wait3A_184 = arith.constant 0 : i32
          %dma_wait3A_185 = tpu.memref_slice %arg5[%dma_wait3A_184] : memref<2139359232xi32, #tpu.memory_space<hbm>> -> memref<2139359232xi32, #tpu.memory_space<hbm>>
          tpu.wait_indirect_dma semaphore(%arg20 : memref<!tpu.dma_semaphore, #tpu.memory_space<semaphore_mem>>) src(%arg17 : memref<2048xi32, #tpu.memory_space<vmem>>) dst(%dma_wait3A_185 : memref<2139359232xi32, #tpu.memory_space<hbm>>)
          %mul3A_186 = arith.constant 2048 : i32
          %mul3A_187 = arith.muli %scan3A_86, %mul3A_186 : i32
          %add3A_188 = arith.addi %mul3A_14, %mul3A_187 : i32
          "tpu.region"() ({
            %run_scoped3A = tpu.sem_alloc : memref<!tpu.dma_semaphore, #tpu.memory_space<semaphore_mem>>
            %dma_start3A_192 = tpu.memref_slice %arg8[%add3A_188] : memref<16842752xi32, #tpu.memory_space<hbm>> -> memref<2048xi32, #tpu.memory_space<hbm>>
            %dma_start3A_193 = tpu.memref_slice %arg8[%add3A_188] : memref<16842752xi32, #tpu.memory_space<hbm>> -> memref<2048xi32, #tpu.memory_space<hbm>>
            tpu.enqueue_dma source(%arg16 : memref<2048xi32, #tpu.memory_space<vmem>>) target(%dma_start3A_193 : memref<2048xi32, #tpu.memory_space<hbm>>) target_semaphore(%run_scoped3A : memref<!tpu.dma_semaphore, #tpu.memory_space<semaphore_mem>>)
            %dma_wait3A_194 = tpu.memref_slice %arg8[%add3A_188] : memref<16842752xi32, #tpu.memory_space<hbm>> -> memref<2048xi32, #tpu.memory_space<hbm>>
            %dma_wait3A_195 = tpu.memref_slice %arg8[%add3A_188] : memref<16842752xi32, #tpu.memory_space<hbm>> -> memref<2048xi32, #tpu.memory_space<hbm>>
            tpu.wait_dma2 semaphore(%run_scoped3A : memref<!tpu.dma_semaphore, #tpu.memory_space<semaphore_mem>>) src(%arg16 : memref<2048xi32, #tpu.memory_space<vmem>>) dst(%dma_wait3A_195 : memref<2048xi32, #tpu.memory_space<hbm>>)
            tpu.yield
          }) : () -> ()
          %mul3A_189 = arith.constant 2048 : i32
          %mul3A_190 = arith.muli %scan3A_86, %mul3A_189 : i32
          %add3A_191 = arith.addi %mul3A_14, %mul3A_190 : i32
          "tpu.region"() ({
            %run_scoped3A = tpu.sem_alloc : memref<!tpu.dma_semaphore, #tpu.memory_space<semaphore_mem>>
            %dma_start3A_192 = tpu.memref_slice %arg9[%add3A_191] : memref<16842752xi32, #tpu.memory_space<hbm>> -> memref<2048xi32, #tpu.memory_space<hbm>>
            %dma_start3A_193 = tpu.memref_slice %arg9[%add3A_191] : memref<16842752xi32, #tpu.memory_space<hbm>> -> memref<2048xi32, #tpu.memory_space<hbm>>
            tpu.enqueue_dma source(%arg17 : memref<2048xi32, #tpu.memory_space<vmem>>) target(%dma_start3A_193 : memref<2048xi32, #tpu.memory_space<hbm>>) target_semaphore(%run_scoped3A : memref<!tpu.dma_semaphore, #tpu.memory_space<semaphore_mem>>)
            %dma_wait3A_194 = tpu.memref_slice %arg9[%add3A_191] : memref<16842752xi32, #tpu.memory_space<hbm>> -> memref<2048xi32, #tpu.memory_space<hbm>>
            %dma_wait3A_195 = tpu.memref_slice %arg9[%add3A_191] : memref<16842752xi32, #tpu.memory_space<hbm>> -> memref<2048xi32, #tpu.memory_space<hbm>>
            tpu.wait_dma2 semaphore(%run_scoped3A : memref<!tpu.dma_semaphore, #tpu.memory_space<semaphore_mem>>) src(%arg17 : memref<2048xi32, #tpu.memory_space<vmem>>) dst(%dma_wait3A_195 : memref<2048xi32, #tpu.memory_space<hbm>>)
            tpu.yield
          }) : () -> ()
        } else {
        }
        %gt3A_168 = arith.constant 2016 : i32
        %gt3A_169 = arith.cmpi sgt, %add3A_162, %gt3A_168 : i32
        %add3A_170 = arith.constant 1 : i32
        %add3A_171 = arith.addi %scan3A_86, %add3A_170 : i32
        %select_n3A_172 = arith.select %gt3A_169, %add3A_171, %scan3A_86 : i32
        %gt3A_173 = arith.constant 2016 : i32
        %gt3A_174 = arith.cmpi sgt, %add3A_162, %gt3A_173 : i32
        %jit3A = arith.constant 0 : i32
        %select_n3A_175 = arith.select %gt3A_174, %jit3A, %add3A_162 : i32
        scf.yield %select_n3A_175, %select_n3A_172 : i32, i32
      }
      %scan3A_83 = arith.constant 128 : i32
      scf.yield %scan3A_82#0, %scan3A_82#1 : i32, i32
    }
    %scan3A_27 = arith.constant 128 : i32
    %scan3A_28 = arith.constant 0 : i32
    %scan3A_29 = arith.constant 0 : i32
    %scan3A_30 = arith.constant 128 : i32
    %scan3A_31 = arith.addi %scan3A_29, %scan3A_30 : i32
    %scan3A_32 = arith.constant 1 : i32
    scf.for %scan3A_52 = %scan3A_29 to %scan3A_31 step %scan3A_32  : i32 {
      %mul3A_53 = arith.constant 16 : i32
      %mul3A_54 = arith.muli %scan3A_52, %mul3A_53 : i32
      %add3A_55 = vector.broadcast %mul3A_54 : i32 to vector<16xi32>
      %add3A_56 = arith.addi %iota3A, %add3A_55 : vector<16xi32>
      %lt3A = vector.broadcast %scan3A_26#0 : i32 to vector<16xi32>
      %lt3A_57 = arith.cmpi slt, %add3A_56, %lt3A : vector<16xi32>
      %mul3A_58 = arith.constant 16 : i32
      %mul3A_59 = arith.muli %scan3A_52, %mul3A_58 : i32
      %get3A = arith.index_cast %mul3A_59 : i32 to index
      %get3A_60 = tpu.vector_load %arg16[%get3A] {strides = array<i32>} : memref<2048xi32, #tpu.memory_space<vmem>>, vector<16xi32>,
      %get3A_61 = vector.shape_cast %get3A_60 : vector<16xi32> to vector<16xi32>
      %mul3A_62 = arith.constant 16 : i32
      %mul3A_63 = arith.muli %scan3A_52, %mul3A_62 : i32
      %get3A_64 = arith.index_cast %mul3A_63 : i32 to index
      %get3A_65 = tpu.vector_load %arg17[%get3A_64] {strides = array<i32>} : memref<2048xi32, #tpu.memory_space<vmem>>, vector<16xi32>,
      %get3A_66 = vector.shape_cast %get3A_65 : vector<16xi32> to vector<16xi32>
      %mul3A_67 = arith.constant 7 : i32
      %mul3A_68 = arith.muli %scan3A_26#1, %mul3A_67 : i32
      %add3A_69 = vector.broadcast %mul3A_68 : i32 to vector<16xi32>
      %add3A_70 = arith.addi %add3A_56, %add3A_69 : vector<16xi32>
      %and3A = arith.constant 262143 : i32
      %and3A_71 = vector.broadcast %and3A : i32 to vector<16xi32>
      %and3A_72 = arith.andi %add3A_70, %and3A_71 : vector<16xi32>
      %add3A_73 = arith.constant 2139095041 : i32
      %add3A_74 = vector.broadcast %add3A_73 : i32 to vector<16xi32>
      %add3A_75 = arith.addi %add3A_74, %and3A_72 : vector<16xi32>
      %select_n3A = arith.select %lt3A_57, %get3A_61, %add3A_75 : vector<16xi1>, vector<16xi32>
      %mul3A_76 = arith.constant 16 : i32
      %mul3A_77 = arith.muli %scan3A_52, %mul3A_76 : i32
      %swap3A_78 = arith.index_cast %mul3A_77 : i32 to index
      %swap3A_79 = tpu.vector_load %arg16[%swap3A_78] {strides = array<i32>} : memref<2048xi32, #tpu.memory_space<vmem>>, vector<16xi32>,
      %swap3A_80 = vector.shape_cast %swap3A_79 : vector<16xi32> to vector<16xi32>
      %swap3A_81 = vector.shape_cast %select_n3A : vector<16xi32> to vector<16xi32>
      tpu.vector_store %arg16[%swap3A_78], %swap3A_81 {strides = array<i32>} : memref<2048xi32, #tpu.memory_space<vmem>>, vector<16xi32>,
      %sub3A = arith.constant 1 : i32
      %sub3A_82 = vector.broadcast %sub3A : i32 to vector<16xi32>
      %sub3A_83 = arith.subi %mul3A_9, %sub3A_82 : vector<16xi32>
      %select_n3A_84 = arith.select %lt3A_57, %get3A_66, %sub3A_83 : vector<16xi1>, vector<16xi32>
      %mul3A_85 = arith.constant 16 : i32
      %mul3A_86 = arith.muli %scan3A_52, %mul3A_85 : i32
      %swap3A_87 = arith.index_cast %mul3A_86 : i32 to index
      %swap3A_88 = tpu.vector_load %arg17[%swap3A_87] {strides = array<i32>} : memref<2048xi32, #tpu.memory_space<vmem>>, vector<16xi32>,
      %swap3A_89 = vector.shape_cast %swap3A_88 : vector<16xi32> to vector<16xi32>
      %swap3A_90 = vector.shape_cast %select_n3A_84 : vector<16xi32> to vector<16xi32>
      tpu.vector_store %arg17[%swap3A_87], %swap3A_90 {strides = array<i32>} : memref<2048xi32, #tpu.memory_space<vmem>>, vector<16xi32>,
    }
    %scan3A_33 = arith.constant 128 : i32
    %dma_start3A = arith.constant 0 : i32
    %dma_start3A_34 = tpu.memref_slice %arg5[%dma_start3A] : memref<2139359232xi32, #tpu.memory_space<hbm>> -> memref<2139359232xi32, #tpu.memory_space<hbm>>
    tpu.enqueue_indirect_dma source(%arg17 : memref<2048xi32, #tpu.memory_space<vmem>>) target(%dma_start3A_34 : memref<2139359232xi32, #tpu.memory_space<hbm>>) offsets(%arg16 : memref<2048xi32, #tpu.memory_space<vmem>>) semaphore(%arg20 : memref<!tpu.dma_semaphore, #tpu.memory_space<semaphore_mem>>)
    %dma_wait3A = arith.constant 0 : i32
    %dma_wait3A_35 = tpu.memref_slice %arg5[%dma_wait3A] : memref<2139359232xi32, #tpu.memory_space<hbm>> -> memref<2139359232xi32, #tpu.memory_space<hbm>>
    tpu.wait_indirect_dma semaphore(%arg20 : memref<!tpu.dma_semaphore, #tpu.memory_space<semaphore_mem>>) src(%arg17 : memref<2048xi32, #tpu.memory_space<vmem>>) dst(%dma_wait3A_35 : memref<2139359232xi32, #tpu.memory_space<hbm>>)
    %mul3A_36 = arith.constant 2048 : i32
    %mul3A_37 = arith.muli %scan3A_26#1, %mul3A_36 : i32
    %add3A_38 = arith.addi %mul3A_14, %mul3A_37 : i32
    "tpu.region"() ({
      %run_scoped3A = tpu.sem_alloc : memref<!tpu.dma_semaphore, #tpu.memory_space<semaphore_mem>>
      %dma_start3A_52 = tpu.memref_slice %arg8[%add3A_38] : memref<16842752xi32, #tpu.memory_space<hbm>> -> memref<2048xi32, #tpu.memory_space<hbm>>
      %dma_start3A_53 = tpu.memref_slice %arg8[%add3A_38] : memref<16842752xi32, #tpu.memory_space<hbm>> -> memref<2048xi32, #tpu.memory_space<hbm>>
      tpu.enqueue_dma source(%arg16 : memref<2048xi32, #tpu.memory_space<vmem>>) target(%dma_start3A_53 : memref<2048xi32, #tpu.memory_space<hbm>>) target_semaphore(%run_scoped3A : memref<!tpu.dma_semaphore, #tpu.memory_space<semaphore_mem>>)
      %dma_wait3A_54 = tpu.memref_slice %arg8[%add3A_38] : memref<16842752xi32, #tpu.memory_space<hbm>> -> memref<2048xi32, #tpu.memory_space<hbm>>
      %dma_wait3A_55 = tpu.memref_slice %arg8[%add3A_38] : memref<16842752xi32, #tpu.memory_space<hbm>> -> memref<2048xi32, #tpu.memory_space<hbm>>
      tpu.wait_dma2 semaphore(%run_scoped3A : memref<!tpu.dma_semaphore, #tpu.memory_space<semaphore_mem>>) src(%arg16 : memref<2048xi32, #tpu.memory_space<vmem>>) dst(%dma_wait3A_55 : memref<2048xi32, #tpu.memory_space<hbm>>)
      tpu.yield
    }) : () -> ()
    %mul3A_39 = arith.constant 2048 : i32
    %mul3A_40 = arith.muli %scan3A_26#1, %mul3A_39 : i32
    %add3A_41 = arith.addi %mul3A_14, %mul3A_40 : i32
    "tpu.region"() ({
      %run_scoped3A = tpu.sem_alloc : memref<!tpu.dma_semaphore, #tpu.memory_space<semaphore_mem>>
      %dma_start3A_52 = tpu.memref_slice %arg9[%add3A_41] : memref<16842752xi32, #tpu.memory_space<hbm>> -> memref<2048xi32, #tpu.memory_space<hbm>>
      %dma_start3A_53 = tpu.memref_slice %arg9[%add3A_41] : memref<16842752xi32, #tpu.memory_space<hbm>> -> memref<2048xi32, #tpu.memory_space<hbm>>
      tpu.enqueue_dma source(%arg17 : memref<2048xi32, #tpu.memory_space<vmem>>) target(%dma_start3A_53 : memref<2048xi32, #tpu.memory_space<hbm>>) target_semaphore(%run_scoped3A : memref<!tpu.dma_semaphore, #tpu.memory_space<semaphore_mem>>)
      %dma_wait3A_54 = tpu.memref_slice %arg9[%add3A_41] : memref<16842752xi32, #tpu.memory_space<hbm>> -> memref<2048xi32, #tpu.memory_space<hbm>>
      %dma_wait3A_55 = tpu.memref_slice %arg9[%add3A_41] : memref<16842752xi32, #tpu.memory_space<hbm>> -> memref<2048xi32, #tpu.memory_space<hbm>>
      tpu.wait_dma2 semaphore(%run_scoped3A : memref<!tpu.dma_semaphore, #tpu.memory_space<semaphore_mem>>) src(%arg17 : memref<2048xi32, #tpu.memory_space<vmem>>) dst(%dma_wait3A_55 : memref<2048xi32, #tpu.memory_space<hbm>>)
      tpu.yield
    }) : () -> ()
    %add3A_42 = arith.constant 1 : i32
    %add3A_43 = arith.addi %scan3A_26#1, %add3A_42 : i32
    %mul3A_44 = arith.constant 2048 : i32
    %mul3A_45 = arith.muli %add3A_43, %mul3A_44 : i32
    %add3A_46 = vector.broadcast %mul3A_45 : i32 to vector<16xi32>
    %add3A_47 = arith.addi %mul3A_9, %add3A_46 : vector<16xi32>
    %swap3A_48 = arith.constant 0 : index
    %swap3A_49 = tpu.vector_load %arg19[%swap3A_48] {strides = array<i32>} : memref<16xi32, #tpu.memory_space<vmem>>, vector<16xi32>,
    %swap3A_50 = vector.shape_cast %swap3A_49 : vector<16xi32> to vector<16xi32>
    %swap3A_51 = vector.shape_cast %add3A_47 : vector<16xi32> to vector<16xi32>
    tpu.vector_store %arg19[%swap3A_48], %swap3A_51 {strides = array<i32>} : memref<16xi32, #tpu.memory_space<vmem>>, vector<16xi32>,
    "tpu.region"() ({
      %run_scoped3A = tpu.sem_alloc : memref<!tpu.dma_semaphore, #tpu.memory_space<semaphore_mem>>
      %dma_start3A_52 = arith.constant 0 : i32
      %dma_start3A_53 = tpu.memref_slice %arg7[%add3A, %dma_start3A_52] : memref<32x16xi32, #tpu.memory_space<hbm>> -> memref<1x16xi32, #tpu.memory_space<hbm>>
      %dma_start3A_54 = tpu.memref_squeeze %dma_start3A_53 : memref<1x16xi32, #tpu.memory_space<hbm>> -> memref<16xi32, #tpu.memory_space<hbm>>
      %dma_start3A_55 = arith.constant 0 : i32
      %dma_start3A_56 = tpu.memref_slice %arg7[%add3A, %dma_start3A_55] : memref<32x16xi32, #tpu.memory_space<hbm>> -> memref<1x16xi32, #tpu.memory_space<hbm>>
      %dma_start3A_57 = tpu.memref_squeeze %dma_start3A_56 : memref<1x16xi32, #tpu.memory_space<hbm>> -> memref<16xi32, #tpu.memory_space<hbm>>
      tpu.enqueue_dma source(%arg19 : memref<16xi32, #tpu.memory_space<vmem>>) target(%dma_start3A_57 : memref<16xi32, #tpu.memory_space<hbm>>) target_semaphore(%run_scoped3A : memref<!tpu.dma_semaphore, #tpu.memory_space<semaphore_mem>>)
      %dma_wait3A_58 = arith.constant 0 : i32
      %dma_wait3A_59 = tpu.memref_slice %arg7[%add3A, %dma_wait3A_58] : memref<32x16xi32, #tpu.memory_space<hbm>> -> memref<1x16xi32, #tpu.memory_space<hbm>>
      %dma_wait3A_60 = tpu.memref_squeeze %dma_wait3A_59 : memref<1x16xi32, #tpu.memory_space<hbm>> -> memref<16xi32, #tpu.memory_space<hbm>>
      %dma_wait3A_61 = arith.constant 0 : i32
      %dma_wait3A_62 = tpu.memref_slice %arg7[%add3A, %dma_wait3A_61] : memref<32x16xi32, #tpu.memory_space<hbm>> -> memref<1x16xi32, #tpu.memory_space<hbm>>
      %dma_wait3A_63 = tpu.memref_squeeze %dma_wait3A_62 : memref<1x16xi32, #tpu.memory_space<hbm>> -> memref<16xi32, #tpu.memory_space<hbm>>
      tpu.wait_dma2 semaphore(%run_scoped3A : memref<!tpu.dma_semaphore, #tpu.memory_space<semaphore_mem>>) src(%arg19 : memref<16xi32, #tpu.memory_space<vmem>>) dst(%dma_wait3A_63 : memref<16xi32, #tpu.memory_space<hbm>>)
      tpu.yield
    }) : () -> ()
    "tpu.region"() ({
      %run_scoped3A = tpu.sem_alloc : memref<!tpu.dma_semaphore, #tpu.memory_space<semaphore_mem>>
      %dma_start3A_52 = arith.constant 0 : i32
      %dma_start3A_53 = tpu.memref_slice %arg6[%add3A, %dma_start3A_52] : memref<32x16xi32, #tpu.memory_space<hbm>> -> memref<1x16xi32, #tpu.memory_space<hbm>>
      %dma_start3A_54 = tpu.memref_squeeze %dma_start3A_53 : memref<1x16xi32, #tpu.memory_space<hbm>> -> memref<16xi32, #tpu.memory_space<hbm>>
      %dma_start3A_55 = arith.constant 0 : i32
      %dma_start3A_56 = tpu.memref_slice %arg6[%add3A, %dma_start3A_55] : memref<32x16xi32, #tpu.memory_space<hbm>> -> memref<1x16xi32, #tpu.memory_space<hbm>>
      %dma_start3A_57 = tpu.memref_squeeze %dma_start3A_56 : memref<1x16xi32, #tpu.memory_space<hbm>> -> memref<16xi32, #tpu.memory_space<hbm>>
      tpu.enqueue_dma source(%arg18 : memref<16xi32, #tpu.memory_space<vmem>>) target(%dma_start3A_57 : memref<16xi32, #tpu.memory_space<hbm>>) target_semaphore(%run_scoped3A : memref<!tpu.dma_semaphore, #tpu.memory_space<semaphore_mem>>)
      %dma_wait3A_58 = arith.constant 0 : i32
      %dma_wait3A_59 = tpu.memref_slice %arg6[%add3A, %dma_wait3A_58] : memref<32x16xi32, #tpu.memory_space<hbm>> -> memref<1x16xi32, #tpu.memory_space<hbm>>
      %dma_wait3A_60 = tpu.memref_squeeze %dma_wait3A_59 : memref<1x16xi32, #tpu.memory_space<hbm>> -> memref<16xi32, #tpu.memory_space<hbm>>
      %dma_wait3A_61 = arith.constant 0 : i32
      %dma_wait3A_62 = tpu.memref_slice %arg6[%add3A, %dma_wait3A_61] : memref<32x16xi32, #tpu.memory_space<hbm>> -> memref<1x16xi32, #tpu.memory_space<hbm>>
      %dma_wait3A_63 = tpu.memref_squeeze %dma_wait3A_62 : memref<1x16xi32, #tpu.memory_space<hbm>> -> memref<16xi32, #tpu.memory_space<hbm>>
      tpu.wait_dma2 semaphore(%run_scoped3A : memref<!tpu.dma_semaphore, #tpu.memory_space<semaphore_mem>>) src(%arg18 : memref<16xi32, #tpu.memory_space<vmem>>) dst(%dma_wait3A_63 : memref<16xi32, #tpu.memory_space<hbm>>)
      tpu.yield
    }) : () -> ()
    return
  }
}

#map = affine_map<(d0, d1) -> (0)>
module attributes {stable_mosaic.version = 14 : i64} {
  func.func @_scatter_body(%arg0: i32, %arg1: i32, %arg2: memref<16777216xi32, #tpu.memory_space<hbm>>, %arg3: memref<2139095040xi32, #tpu.memory_space<hbm>>, %arg4: memref<16777216xi32, #tpu.memory_space<hbm>>, %arg5: memref<16777216xi32, #tpu.memory_space<hbm>>, %arg6: memref<2048xi32, #tpu.memory_space<vmem>>, %arg7: memref<2048xi32, #tpu.memory_space<vmem>>, %arg8: memref<2048xi32, #tpu.memory_space<vmem>>, %arg9: memref<!tpu.dma_semaphore, #tpu.memory_space<semaphore_mem>>) attributes {dimension_semantics = [#tpu.dimension_semantics<core_parallel>, #tpu.dimension_semantics<subcore_parallel>], iteration_bounds = array<i64: 2, 16>, scalar_prefetch = 0 : i64, scratch_operands = 4 : i64, tpu.core_type = #tpu.core_type<sc_vector_subcore>, window_params = [{transform_indices = #map}, {transform_indices = #map}, {transform_indices = #map}, {transform_indices = #map}]} {
    %mul3A = arith.constant 2 : i32
    %mul3A_0 = arith.muli %arg1, %mul3A : i32
    %add3A = arith.addi %mul3A_0, %arg0 : i32
    %iota3A = tpu.iota {dimensions = array<i32: 0>} : vector<16xi32>
    %scan3A = arith.constant 0 : i32
    %scan3A_1 = arith.constant 0 : i32
    %scan3A_2 = arith.constant 256 : i32
    %scan3A_3 = arith.addi %scan3A_1, %scan3A_2 : i32
    %scan3A_4 = arith.constant 1 : i32
    scf.for %scan3A_6 = %scan3A_1 to %scan3A_3 step %scan3A_4  : i32 {
      %mul3A_7 = arith.constant 524288 : i32
      %mul3A_8 = arith.muli %add3A, %mul3A_7 : i32
      %mul3A_9 = arith.constant 2048 : i32
      %mul3A_10 = arith.muli %scan3A_6, %mul3A_9 : i32
      %add3A_11 = arith.addi %mul3A_8, %mul3A_10 : i32
      "tpu.region"() ({
        %run_scoped3A = tpu.sem_alloc : memref<!tpu.dma_semaphore, #tpu.memory_space<semaphore_mem>>
        %dma_start3A_20 = tpu.memref_slice %arg2[%add3A_11] : memref<16777216xi32, #tpu.memory_space<hbm>> -> memref<2048xi32, #tpu.memory_space<hbm>>
        %dma_start3A_21 = tpu.memref_slice %arg2[%add3A_11] : memref<16777216xi32, #tpu.memory_space<hbm>> -> memref<2048xi32, #tpu.memory_space<hbm>>
        tpu.enqueue_dma source(%dma_start3A_21 : memref<2048xi32, #tpu.memory_space<hbm>>) target(%arg6 : memref<2048xi32, #tpu.memory_space<vmem>>) target_semaphore(%run_scoped3A : memref<!tpu.dma_semaphore, #tpu.memory_space<semaphore_mem>>)
        %dma_wait3A_22 = tpu.memref_slice %arg2[%add3A_11] : memref<16777216xi32, #tpu.memory_space<hbm>> -> memref<2048xi32, #tpu.memory_space<hbm>>
        %dma_wait3A_23 = tpu.memref_slice %arg2[%add3A_11] : memref<16777216xi32, #tpu.memory_space<hbm>> -> memref<2048xi32, #tpu.memory_space<hbm>>
        tpu.wait_dma2 semaphore(%run_scoped3A : memref<!tpu.dma_semaphore, #tpu.memory_space<semaphore_mem>>) src(%dma_wait3A_23 : memref<2048xi32, #tpu.memory_space<hbm>>) dst(%arg6 : memref<2048xi32, #tpu.memory_space<vmem>>)
        tpu.yield
      }) : () -> ()
      %scan3A_12 = arith.constant 0 : i32
      %scan3A_13 = arith.constant 0 : i32
      %scan3A_14 = arith.constant 128 : i32
      %scan3A_15 = arith.addi %scan3A_13, %scan3A_14 : i32
      %scan3A_16 = arith.constant 1 : i32
      scf.for %scan3A_20 = %scan3A_13 to %scan3A_15 step %scan3A_16  : i32 {
        %mul3A_21 = arith.constant 16 : i32
        %mul3A_22 = arith.muli %scan3A_20, %mul3A_21 : i32
        %get3A = arith.index_cast %mul3A_22 : i32 to index
        %get3A_23 = tpu.vector_load %arg6[%get3A] {strides = array<i32>} : memref<2048xi32, #tpu.memory_space<vmem>>, vector<16xi32>,
        %get3A_24 = vector.shape_cast %get3A_23 : vector<16xi32> to vector<16xi32>
        %eq3A = arith.constant -2147483648 : i32
        %eq3A_25 = vector.broadcast %eq3A : i32 to vector<16xi32>
        %eq3A_26 = arith.cmpi eq, %get3A_24, %eq3A_25 : vector<16xi32>
        %jit3A = arith.constant 0 : i32
        %broadcast_in_dim3A = vector.broadcast %jit3A : i32 to vector<16xi32>
        %select_n3A = arith.select %eq3A_26, %broadcast_in_dim3A, %get3A_24 : vector<16xi1>, vector<16xi32>
        %lt3A = arith.constant 0 : i32
        %lt3A_27 = vector.broadcast %lt3A : i32 to vector<16xi32>
        %lt3A_28 = arith.cmpi slt, %select_n3A, %lt3A_27 : vector<16xi32>
        %jit3A_29 = arith.constant 1 : i32
        %jit3A_30 = arith.constant 0 : i32
        %broadcast_in_dim3A_31 = vector.broadcast %jit3A_29 : i32 to vector<16xi32>
        %broadcast_in_dim3A_32 = vector.broadcast %jit3A_30 : i32 to vector<16xi32>
        %select_n3A_33 = arith.select %lt3A_28, %broadcast_in_dim3A_31, %broadcast_in_dim3A_32 : vector<16xi1>, vector<16xi32>
        %and3A = arith.constant 2147483647 : i32
        %and3A_34 = vector.broadcast %and3A : i32 to vector<16xi32>
        %and3A_35 = arith.andi %select_n3A, %and3A_34 : vector<16xi32>
        %mul3A_36 = arith.constant 16 : i32
        %mul3A_37 = arith.muli %scan3A_20, %mul3A_36 : i32
        %swap3A = arith.index_cast %mul3A_37 : i32 to index
        %swap3A_38 = tpu.vector_load %arg7[%swap3A] {strides = array<i32>} : memref<2048xi32, #tpu.memory_space<vmem>>, vector<16xi32>,
        %swap3A_39 = vector.shape_cast %swap3A_38 : vector<16xi32> to vector<16xi32>
        %swap3A_40 = vector.shape_cast %and3A_35 : vector<16xi32> to vector<16xi32>
        tpu.vector_store %arg7[%swap3A], %swap3A_40 {strides = array<i32>} : memref<2048xi32, #tpu.memory_space<vmem>>, vector<16xi32>,
        %mul3A_41 = arith.constant 16 : i32
        %mul3A_42 = arith.muli %scan3A_20, %mul3A_41 : i32
        %add3A_43 = arith.addi %add3A_11, %mul3A_42 : i32
        %add3A_44 = vector.broadcast %add3A_43 : i32 to vector<16xi32>
        %add3A_45 = arith.addi %iota3A, %add3A_44 : vector<16xi32>
        %mul3A_46 = arith.constant 2 : i32
        %mul3A_47 = vector.broadcast %mul3A_46 : i32 to vector<16xi32>
        %mul3A_48 = arith.muli %add3A_45, %mul3A_47 : vector<16xi32>
        %add3A_49 = arith.addi %mul3A_48, %select_n3A_33 : vector<16xi32>
        %mul3A_50 = arith.constant 16 : i32
        %mul3A_51 = arith.muli %scan3A_20, %mul3A_50 : i32
        %swap3A_52 = arith.index_cast %mul3A_51 : i32 to index
        %swap3A_53 = tpu.vector_load %arg8[%swap3A_52] {strides = array<i32>} : memref<2048xi32, #tpu.memory_space<vmem>>, vector<16xi32>,
        %swap3A_54 = vector.shape_cast %swap3A_53 : vector<16xi32> to vector<16xi32>
        %swap3A_55 = vector.shape_cast %add3A_49 : vector<16xi32> to vector<16xi32>
        tpu.vector_store %arg8[%swap3A_52], %swap3A_55 {strides = array<i32>} : memref<2048xi32, #tpu.memory_space<vmem>>, vector<16xi32>,
      }
      %scan3A_17 = arith.constant 128 : i32
      %dma_start3A = arith.constant 0 : i32
      %dma_start3A_18 = tpu.memref_slice %arg3[%dma_start3A] : memref<2139095040xi32, #tpu.memory_space<hbm>> -> memref<2139095040xi32, #tpu.memory_space<hbm>>
      tpu.enqueue_indirect_dma source(%arg8 : memref<2048xi32, #tpu.memory_space<vmem>>) target(%dma_start3A_18 : memref<2139095040xi32, #tpu.memory_space<hbm>>) offsets(%arg7 : memref<2048xi32, #tpu.memory_space<vmem>>) semaphore(%arg9 : memref<!tpu.dma_semaphore, #tpu.memory_space<semaphore_mem>>)
      "tpu.region"() ({
        %run_scoped3A = tpu.sem_alloc : memref<!tpu.dma_semaphore, #tpu.memory_space<semaphore_mem>>
        %dma_start3A_20 = tpu.memref_slice %arg4[%add3A_11] : memref<16777216xi32, #tpu.memory_space<hbm>> -> memref<2048xi32, #tpu.memory_space<hbm>>
        %dma_start3A_21 = tpu.memref_slice %arg4[%add3A_11] : memref<16777216xi32, #tpu.memory_space<hbm>> -> memref<2048xi32, #tpu.memory_space<hbm>>
        tpu.enqueue_dma source(%arg7 : memref<2048xi32, #tpu.memory_space<vmem>>) target(%dma_start3A_21 : memref<2048xi32, #tpu.memory_space<hbm>>) target_semaphore(%run_scoped3A : memref<!tpu.dma_semaphore, #tpu.memory_space<semaphore_mem>>)
        %dma_wait3A_22 = tpu.memref_slice %arg4[%add3A_11] : memref<16777216xi32, #tpu.memory_space<hbm>> -> memref<2048xi32, #tpu.memory_space<hbm>>
        %dma_wait3A_23 = tpu.memref_slice %arg4[%add3A_11] : memref<16777216xi32, #tpu.memory_space<hbm>> -> memref<2048xi32, #tpu.memory_space<hbm>>
        tpu.wait_dma2 semaphore(%run_scoped3A : memref<!tpu.dma_semaphore, #tpu.memory_space<semaphore_mem>>) src(%arg7 : memref<2048xi32, #tpu.memory_space<vmem>>) dst(%dma_wait3A_23 : memref<2048xi32, #tpu.memory_space<hbm>>)
        tpu.yield
      }) : () -> ()
      "tpu.region"() ({
        %run_scoped3A = tpu.sem_alloc : memref<!tpu.dma_semaphore, #tpu.memory_space<semaphore_mem>>
        %dma_start3A_20 = tpu.memref_slice %arg5[%add3A_11] : memref<16777216xi32, #tpu.memory_space<hbm>> -> memref<2048xi32, #tpu.memory_space<hbm>>
        %dma_start3A_21 = tpu.memref_slice %arg5[%add3A_11] : memref<16777216xi32, #tpu.memory_space<hbm>> -> memref<2048xi32, #tpu.memory_space<hbm>>
        tpu.enqueue_dma source(%arg8 : memref<2048xi32, #tpu.memory_space<vmem>>) target(%dma_start3A_21 : memref<2048xi32, #tpu.memory_space<hbm>>) target_semaphore(%run_scoped3A : memref<!tpu.dma_semaphore, #tpu.memory_space<semaphore_mem>>)
        %dma_wait3A_22 = tpu.memref_slice %arg5[%add3A_11] : memref<16777216xi32, #tpu.memory_space<hbm>> -> memref<2048xi32, #tpu.memory_space<hbm>>
        %dma_wait3A_23 = tpu.memref_slice %arg5[%add3A_11] : memref<16777216xi32, #tpu.memory_space<hbm>> -> memref<2048xi32, #tpu.memory_space<hbm>>
        tpu.wait_dma2 semaphore(%run_scoped3A : memref<!tpu.dma_semaphore, #tpu.memory_space<semaphore_mem>>) src(%arg8 : memref<2048xi32, #tpu.memory_space<vmem>>) dst(%dma_wait3A_23 : memref<2048xi32, #tpu.memory_space<hbm>>)
        tpu.yield
      }) : () -> ()
      %dma_wait3A = arith.constant 0 : i32
      %dma_wait3A_19 = tpu.memref_slice %arg3[%dma_wait3A] : memref<2139095040xi32, #tpu.memory_space<hbm>> -> memref<2139095040xi32, #tpu.memory_space<hbm>>
      tpu.wait_indirect_dma semaphore(%arg9 : memref<!tpu.dma_semaphore, #tpu.memory_space<semaphore_mem>>) src(%arg8 : memref<2048xi32, #tpu.memory_space<vmem>>) dst(%dma_wait3A_19 : memref<2139095040xi32, #tpu.memory_space<hbm>>)
    }
    %scan3A_5 = arith.constant 256 : i32
    return
  }
}

</mosaic_0001>

<sc_bundles>
// kernel: kernel.11.cloned.1.call-start
scs
__scs_entry_jumppad:
0x0: {  	(pc) =	sbr.rel $0x88, $3  }
0x1: {  	(tag) =	ssettag $0x0;
	lr =	simm.s32 $0x1  }
0x2: {  	[smem:$0x3FA0] =	sst lr;
	_ =	strace $0xD0000000  }
0x3: {  	_ = 	snop  }
0x4: {  	_ = 	snop  }
0x5: {  	_ = 	snop  }
0x6: {  	_ = 	snop  }
0x7: {  	_ = 	snop  }
__scs_overlays_trampoline_lowered:
0x8: {  	[smem:$0x3FAF] =	sst s0  }
0x9: {  	[smem:$0x3FB0] =	sst s1  }
0xa: {  	[smem:$0x3FB1] =	sst s2  }
0xb: {  	[smem:$0x3FB2] =	sst s3  }
0xc: {  	[smem:$0x3FB3] =	sst s4  }
0xd: {  	[smem:$0x3FB4] =	sst s5  }
0xe: {  	[smem:$0x3FB5] =	sst s6  }
0xf: {  	[smem:$0x3FB6] =	sst s7  }
0x10: {  	[smem:$0x3FB7] =	sst s8  }
0x11: {  	[smem:$0x3FB8] =	sst s9;
	s0 =	simm.s32 @!p0 $0x0  }
0x12: {  	s1 =	sld [smem:$0x3F9E];
	s0 =	simm.s32 @p0 $0x1  }
0x13: {  	[smem:$0x3FB9] =	sst s0;
	s0 =	simm.s32 @!p1 $0x0  }
0x14: {  	s2 =	sld [smem:$0x3F9D];
	s0 =	simm.s32 @p1 $0x1  }
0x15: {  	[smem:$0x3FBA] =	sst s0;
	s0 =	simm.s32 @!p2 $0x0  }
0x16: {  	s3 =	sld [smem:$0x3FDB];
	s0 =	simm.s32 @p2 $0x1  }
0x17: {  	s4 =	simm.s32 $0x1BF5;
	[smem:$0x3FBC] =	sst s0  }
0x18: {  	s0 =	sld [smem:$0x3F9F];
	_ =	swait.ge [sflag:s4], $0x0  }
0x19: {  	s7 =	sld [smem:$0x3FA0]  }
0x1a: {  	s8 =	sadd.s32 $0xFFFFE003, lr  }
0x1b: {  	s9 =	sadd.s32 $0xFFFFFEF7, lr;
	s5 =	simm.s32 $0xFFFFFFFF;
	p2 =	slt.u32 s8, $0xFFFFF086  }
0x1c: {  	p1 =	slt.u32 s9, $0xF7A;
	s5 =	simm.s32 @!p2 $0x0  }
0x1d: {  	s5 =	simm.s32 @p1 $0x1;
	p0 =	seq.s32 s7, s2  }
0x1e: {  	s7 =	smul.u32 @!p0 $0xF7A, s2;
	p2 =	seq.s32 @!p0 s5, $0x0  }
0x1f: {  	s9 =	smul.u32 $0xF7A, s1;
	s8 =	simm.s32 @!p0 $0x1BF5;
	p2 =	por !p2, p0  }
0x20: {  	[sflag:s8] =	ssyncset.s32 @!p0 $0xFFFFF086;
	s6 =	sadd.s32 @!p0 s3, s7;
	s7 =	simm.s32 @!p0 $0x108  }
0x21: {  	s3 =	sadd.s32 s3, s9;
	s6 =	sadd.s32 @!p0 $0x88, s6;
	s7 =	simm.s32 @p2 $0x1082  }
0x22: {  	[simem:s7], [sflag:s8] =	dma.local @!p0 [hbm:s6], $0xF7A  }
0x23: {  	s9 =	sor.u32 $0xD0000000, s2;
	s6 =	simm.s32 $0x108;
	_ =	swait.ge @!p0 [sflag:s8], $0x0  }
0x24: {  	s3 =	sadd.s32 $0x88, s3;
	s6 =	simm.s32 @!p1 $0x1082;
	[sflag:s4] =	ssyncset.s32 $0xFFFFF086  }
0x25: {  	[simem:s6], [sflag:s4] =	dma.local [hbm:s3], $0xF7A  }
0x26: {  	[smem:$0x3FA0] =	sst s1;
	(tag) =	ssettag s2;
	_ =	strace s9  }
0x27: {  	s1 =	sld [smem:$0x3FB0]  }
0x28: {  	s2 =	sld [smem:$0x3FB1]  }
0x29: {  	s4 =	sld [smem:$0x3FB3]  }
0x2a: {  	p0 =	seq.s32 s5, $0x0;
	s5 =	sld [smem:$0x3FB4]  }
0x2b: {  	s6 =	sld [smem:$0x3FB5]  }
0x2c: {  	s7 =	sld [smem:$0x3FB6]  }
0x2d: {  	s3 =	simm.s32 $0x108;
	s8 =	sld [smem:$0x3FB7]  }
0x2e: {  	s3 =	simm.s32 @!p0 $0x1082;
	s9 =	sld [smem:$0x3FB8]  }
0x2f: {  	lr =	sadd.s32 s0, s3;
	s0 =	sld [smem:$0x3FAF]  }
0x30: {  	s3 =	sld [smem:$0x3FB2]  }
0x31: {  	[smem:$0x3FBB] =	sst s10  }
0x32: {  	s10 =	sld [smem:$0x3FB9];
	_ =	sdelay $0x3  }
0x33: {  	p0 =	seq.s32 s10, $0x1;
	s10 =	sld [smem:$0x3FBB];
	_ =	sdelay $0x3  }
0x34: {  	[smem:$0x3FBB] =	sst s10  }
0x35: {  	s10 =	sld [smem:$0x3FBA];
	_ =	sdelay $0x3  }
0x36: {  	p1 =	seq.s32 s10, $0x1;
	s10 =	sld [smem:$0x3FBB];
	_ =	sdelay $0x3  }
0x37: {  	[smem:$0x3FBB] =	sst s10  }
0x38: {  	s10 =	sld [smem:$0x3FBC]  }
0x39: {  	_ = 	snop;
	(pc) =	sbr.ind lr, $3  }
0x3a: {  	_ = 	snop  }
0x3b: {  	_ = 	snop  }
0x3c: {  	p2 =	seq.s32 s10, $0x1;
	s10 =	sld [smem:$0x3FBB]  }
0x3d: {  	_ =	shalt  }
0x3e: {  	_ =	shalt  }
0x3f: {  	_ =	shalt  }
0x40: {  	_ =	shalt  }
0x41: {  	_ =	shalt  }
0x42: {  	_ =	shalt  }
0x43: {  	_ =	shalt  }
0x44: {  	_ =	shalt  }
0x45: {  	_ =	shalt  }
0x46: {  	_ =	shalt  }
0x47: {  	_ =	shalt  }
0x48: {  	_ =	shalt  }
0x49: {  	_ =	shalt  }
0x4a: {  	_ =	shalt  }
0x4b: {  	_ =	shalt  }
0x4c: {  	_ =	shalt  }
0x4d: {  	_ =	shalt  }
0x4e: {  	_ =	shalt  }
0x4f: {  	_ =	shalt  }
0x50: {  	_ =	shalt  }
0x51: {  	_ =	shalt  }
0x52: {  	_ =	shalt  }
0x53: {  	_ =	shalt  }
0x54: {  	_ =	shalt  }
0x55: {  	_ =	shalt  }
0x56: {  	_ =	shalt  }
0x57: {  	_ =	shalt  }
0x58: {  	_ =	shalt  }
0x59: {  	_ =	shalt  }
0x5a: {  	_ =	shalt  }
0x5b: {  	_ =	shalt  }
0x5c: {  	_ =	shalt  }
0x5d: {  	_ =	shalt  }
0x5e: {  	_ =	shalt  }
0x5f: {  	_ =	shalt  }
0x60: {  	_ =	shalt  }
0x61: {  	_ =	shalt  }
0x62: {  	_ =	shalt  }
0x63: {  	_ =	shalt  }
0x64: {  	_ =	shalt  }
0x65: {  	_ =	shalt  }
0x66: {  	_ =	shalt  }
0x67: {  	_ =	shalt  }
0x68: {  	_ =	shalt  }
0x69: {  	_ =	shalt  }
0x6a: {  	_ =	shalt  }
0x6b: {  	_ =	shalt  }
0x6c: {  	_ =	shalt  }
0x6d: {  	_ =	shalt  }
0x6e: {  	_ =	shalt  }
0x6f: {  	_ =	shalt  }
0x70: {  	_ =	shalt  }
0x71: {  	_ =	shalt  }
0x72: {  	_ =	shalt  }
0x73: {  	_ =	shalt  }
0x74: {  	_ =	shalt  }
0x75: {  	_ =	shalt  }
0x76: {  	_ =	shalt  }
0x77: {  	_ =	shalt  }
0x78: {  	_ =	shalt  }
0x79: {  	_ =	shalt  }
0x7a: {  	_ =	shalt  }
0x7b: {  	_ =	shalt  }
0x7c: {  	_ =	shalt  }
0x7d: {  	_ =	shalt  }
0x7e: {  	_ =	shalt  }
0x7f: {  	_ =	shalt  }
0x80: {  	_ =	shalt  }
0x81: {  	_ =	shalt  }
0x82: {  	_ =	shalt  }
0x83: {  	_ =	shalt  }
0x84: {  	_ =	shalt  }
0x85: {  	_ =	shalt  }
0x86: {  	_ =	shalt  }
0x87: {  	_ =	shalt  }
.Lfunc_end0:
.L_simem_size_0:
called_computation.3_lowered:
.L_overlay_start_0:
0x88: {  	s2 =	sld [smem:$0x3FD9]  }
0x89: {  	s3 =	sld [smem:$0x3FFE];
	_ =	sdelay $0x1  }
0x8a: {  	s1 =	srdreg.scid  }
0x8b: {  	s0 =	sand.u32 $0x1, s1  }
0x8c: {  	s16 =	sshll.u32 s0, $0xA;
	s2 =	sadd.s32 s3, s2  }
0x8d: {  	s2 =	sadd.s32 s2, s16  }
0x8e: {  	[smem:$0x3FC7] =	sst s2  }
0x8f: {  	_ = 	snop  }
0x90: {  	(tm) =	ssettm $0x1  }
0x91: {  	s17 =	sld [smem:$0x3FFB];
	_ =	sdelay $0x3  }
0x92: {  	_ =	strace s17  }
0x93: {  	s2 =	sld [smem:$0x3FFC];
	_ =	sdelay $0x3  }
0x94: {  	_ =	strace s2  }
0x95: {  	s2 =	sld [smem:$0x3FFD];
	_ =	sdelay $0x3  }
0x96: {  	_ =	strace s2  }
0x97: {  	_ =	strace $0x8FFFFFFF  }
0x98: {  	s18 =	sld [smem:$0x3FDB];
	_ =	sdelay $0x1  }
0x99: {  	s19 =	simm.s32 $_scs_section_size  }
0x9a: {  	s4 =	simm.s32 $_size__tile_overlayer_lowered;
	s5 =	simm.s32 $_tile_overlayer_lowered  }
0x9b: {  	s22 =	simm.s32 $0x1BFF;
	s21 =	sshll.u32 s5, $0x1;
	s2 =	sadd.s32 s19, s18  }
0x9c: {  	s6 =	simm.s32 $0x0;
	s20 =	sshll.u32 s4, $0x1;
	s4 =	sadd.s32 s21, s2  }
0x9d: {  	[timem:s6], [sflag:s22] =	dma.local [hbm:s4], s20  }
0x9e: {  	_ =	swait.ge [sflag:s22], s20  }
0x9f: {  	s3 =	ssub.s32 $0x0, s20;
	[sflag:s22] =	ssyncset.done $0x0  }
0xa0: {  	[sflag:s22] =	ssyncadd.s32 s3;
	_ =	sdelay $0x1  }
0xa1: {  	s23 =	simm.s32 $0x1B8B  }
0xa2: {  	_ =	swait.ge [sflag:s23], $0x1  }
0xa3: {  	[sflag:s23] =	ssyncset.done $0x0  }
0xa4: {  	s25 =	simm.s32 $0x1B8E;
	s24 =	sld [smem:$0x3FFE];
	[sflag:s23] =	ssyncadd.s32 $0xFFFFFFFF  }
0xa5: {  	s26 =	simm.s32 $execute0_lowered;
	[smem:$0x3FD2] =	sst s25  }
0xa6: {  	s4 =	sshll.u32 s26, $0x1;
	_ =	strace $0x8000004F;
	[dreg:$0x1] =	wrdreg $0xFFFFFFFF  }
0xa7: {  	s28 =	simm.s32 $_size_execute0_lowered;
	s2 =	sadd.s32 s2, s4;
	[dreg:$0x0] =	wrdreg $0x0  }
0xa8: {  	s4 =	sshll.u32 s28, $0x1;
	[dreg:$0x2] =	wrdreg s2  }
0xa9: {  	[dreg:$0x3] =	wrdreg s4  }
0xaa: {  	[dreg:$0x4] =	wrdreg $0xC0  }
0xab: {  	_ =	task [dreg:s6], $0x5FFFF  }
0xac: {  	[dreg:$0x1] =	wrdreg $0xFFFFFFFF  }
0xad: {  	[dreg:$0x0] =	wrdreg $0x60  }
0xae: {  	[dreg:$0x2] =	wrdreg s24  }
0xaf: {  	[dreg:$0x3] =	wrdreg $0x9  }
0xb0: {  	_ =	task.clear_ibuf [dreg:s6], $0x4FFFF;
	_ =	strace $0x9000004F  }
0xb1: {  	s29 =	simm.s32 $0x9;
	_ =	strace $0x80000051  }
0xb2: {  	_ =	swait.ge [sflag:s29], $0x1  }
0xb3: {  	[sflag:s29] =	ssyncadd.s32 $0xFFFFFFFF  }
0xb4: {  	_ =	strace $0x90000051  }
0xb5: {  	_ =	sfence  }
0xb6: {  	s30 =	sld [smem:$0x0];
	_ =	sdelay $0x2  }
0xb7: {  	s31 =	sshll.u32 s1, $0xD;
	s1 =	sshrl.u32 s1, $0x2  }
0xb8: {  	s3 =	sand.u32 $0x4000, s31;
	s1 =	sadd.s32 s1, s30  }
0xb9: {  	s0 =	sor.u32 s3, s0;
	s1 =	sshll.u32 s1, $0x11  }
0xba: {  	s0 =	sor.u32 s1, s0  }
0xbb: {  	s0 =	sadd.s32 $0x8F2B, s0  }
0xbc: {  	[sflag:s0] =	ssyncadd.remote.s32 $0x1  }
0xbd: {  	_ =	sfence.sel $0xFFFF  }
0xbe: {  	[dreg:$0x0] =	wrdreg $0xFFFFFFFF;
	(pc) =	sbr.abs _section_cstart, $3  }
0xbf: {  	[dreg:$0x1] =	wrdreg $0xFFFFFFFF  }
0xc0: {  	_ =	task.clear_ibuf [dreg:s6], $0x2FFFF;
	_ =	strace $0x9FFFFFFF  }
0xc1: {  	(tm) =	ssettm $0x7FFFFFFF  }
tec
execute0_lowered:
.L_overlay_start_1:
0x0: {  	(tag) =	ssettag $0x1  }
0x1: {  	s6 =	rddreg [dreg:$0x0]  }
0x2: {  	s0 =	rddreg [dreg:$0x1];
	s2 =	simm.s32 $0x0;
	s3 =	srdreg.scid  }
0x3: {  	s1 =	stileid.u32;
	s10 =	simm.s32 $0x1880;
	s11 =	simm.s32 $0x2  }
0x4: {  	s12 =	simm.s32 $0x1;
	s13 =	simm.s32 $0x800;
	s14 =	simm.s32 $0x1000  }
0x5: {  	s15 =	simm.s32 $0x1800;
	s16 =	simm.s32 $0x0;
	s21 =	simm.s32 $0x0  }
0x6: {  	[smem:$0x7FF] =	sst s2;
	s5 =	sand.u32 $0x1, s3;
	s4 =	sshll.u32 s1, $0x1  }
.Ltmp0:
0x7: {  	s3 =	sadd.s32 $0x10501000, s6;
	_ =	strace $0x80000050;
	(pc) =	sbr.rel .LBB2_1-.Ltmp0, $4  }
0x8: {  	s7 =	sor.u32 s5, s4;
	s4 =	sadd.s32 $0x20409200, s6;
	s9 =	ssub.s32 $0x2, s5  }
0x9: {  	s5 =	sadd.s32 $0x2060B200, s6;
	s8 =	sshll.u32 s7, $0x4;
	s31 =	sshrl.u32 s9, $0x1  }
0xa: {  	s8 =	sadd.s32 s8, s6;
	s9 =	ssub.s32 s9, s31;
	s6 =	smul.u32 $0x80800, s7  }
0xb: {  	v0 =	vimm.s32 $0x0;
	s7 =	sadd.s32 $0x201200, s8;
	s8 =	sadd.s32 $0x1000, s8;
	s9 =	smax.u32 s9, $0x1  }
.LBB2_5:
0xc: {  	s16 =	sadd.s32 $0x1, s16  }
0xd: {  	p0 =	sne.s32 s16, s9  }
.Ltmp1:
0xe: {  	_ = 	snop;
	(pc) =	sbr.rel @!p0 .LBB2_6-.Ltmp1, $4  }
0xf: {  	[hbm4b:s8+s2] =	stream.linear.scatter [tilespmem:s15], [sflag:$0x2], $0x80, $0x38;
	[tilespmem:$0x1900] =	vst v63  }
0x10: {  	_ =	swait.ge [sflag:s11], $0x80  }
0x11: {  	[sflag:s11] =	ssyncset.done $0x0  }
0x12: {  	[sflag:s11] =	ssyncadd.s32 $0xFFFFFF80  }
.LBB2_1:
0x13: {  	[tilespmem:$0x1800] =	vst v0  }
0x14: {  	[tilespmem:s10], [sflag:$0x2] =	stream.linear.gather [hbm4b:s7+s2], $0x80, $0x38;
	[tilespmem:$0x1900] =	vst v63  }
0x15: {  	_ =	swait.ge [sflag:s11], $0x80  }
0x16: {  	[sflag:s11] =	ssyncset.done $0x0  }
0x17: {  	[sflag:s11] =	ssyncadd.s32 $0xFFFFFF80  }
0x18: {  	v1 =	vld [tilespmem:$0x1880];
	_ =	sdelay $0x4  }
0x19: {  	(v2sf) =	vpush v1, $0x0;
	_ =	sdelay $0xe  }
0x1a: {  	s17 =	spop (v2sf)  }
0x1b: {  	s18 =	sand.u32 $0x7FF, s17  }
0x1c: {  	s31 =	sshra.s32 s17, $0x1F;
	p1 =	slt.s32 s17, $0x1;
	p0 =	sne.s32 s18, $0x0  }
0x1d: {  	s18 =	sshrl.u32 s31, $0x15;
	p0 =	por !p1, !p0  }
0x1e: {  	s17 =	sadd.s32 s18, s17;
	s18 =	simm.s32 $0x1;
	p0 =	por !p0, !p0  }
0x1f: {  	s17 =	sshra.s32 s17, $0xB;
	s18 =	simm.s32 @!p0 $0x0  }
0x20: {  	s17 =	ssub.s32 s17, s18  }
0x21: {  	p0 =	slt.s32 s17, $0x1  }
.Ltmp2:
0x22: {  	_ = 	snop;
	(pc) =	sbr.rel @p0 .LBB2_5-.Ltmp2, $2  }
0x23: {  	_ =	sdelay $0x2  }
0x24: {  	s18 =	simm.s32 $0x0  }
.LBB2_2:
0x25: {  	s19 =	sshll.u32 s18, $0xB  }
0x26: {  	s19 =	sadd.s32 s6, s19  }
0x27: {  	s19 =	sshrl.u32 s19, $0x3  }
0x28: {  	s20 =	sadd.s32 s4, s19  }
0x29: {  	[tilespmem:s21], [sflag:$0x2] =	stream.linear.gather [hbm4b:s20+s21], $0x800, $0x38;
	[tilespmem:$0x1900] =	vst v63  }
0x2a: {  	_ =	swait.ge [sflag:s11], $0x800  }
0x2b: {  	[sflag:s11] =	ssyncset.done $0x0  }
0x2c: {  	s19 =	sadd.s32 s5, s19;
	[sflag:s11] =	ssyncadd.s32 $0xFFFFF800  }
0x2d: {  	[tilespmem:s13], [sflag:$0x2] =	stream.linear.gather [hbm4b:s19+s21], $0x800, $0x38;
	[tilespmem:$0x1900] =	vst v63  }
0x2e: {  	_ =	swait.ge [sflag:s11], $0x800  }
0x2f: {  	[sflag:s11] =	ssyncset.done $0x0  }
0x30: {  	[sflag:s11] =	ssyncadd.s32 $0xFFFFF800  }
0x31: {  	[tilespmem:s14], [sflag:$0x1] =	stream.indirect.gather [hbm4b:s3+s13], $0x1, s21, s13, $0xb8;
	[tilespmem:$0x1900] =	vst v63  }
0x32: {  	_ =	swait.ge [sflag:s12], $0x800  }
0x33: {  	[sflag:s12] =	ssyncset.done $0x0  }
0x34: {  	[sflag:s12] =	ssyncadd.s32 $0xFFFFF800  }
0x35: {  	s20 =	simm.s32 $0x0;
	v1 =	vld [tilespmem:$0x1800]  }
0x36: {  	s19 =	simm.s32 $0x40;
	v2 =	vld [tilespmem:s20+$0x1000]  }
.LBB2_3:
0x37: {  	p0 =	sne.s32 s19, $0x1FC0;
	v3 =	vld [tilespmem:s20+$0x800];
	_ =	sdelay $0x4  }
0x38: {  	vm0 =	vne.s32 v3, $0xFFFFFFFF;
	vm1 =	veq.s32 v2, v3  }
.Ltmp3:
0x39: {  	vm0 =	vmand vm0, vm1;
	(pc) =	sbr.rel @p0 .LBB2_3-.Ltmp3, $4  }
0x3a: {  	v2 =	vsel vm0, $0x1, v0  }
0x3b: {  	v1 =	vadd.s32 v2, v1  }
0x3c: {  	s20 =	sshra.s32 s19, $0x2;
	[tilespmem:$0x1800] =	vst v1  }
0x3d: {  	s19 =	sadd.s32 $0x40, s19;
	v2 =	vld [tilespmem:s20+$0x1000]  }
0x3e: {  	v3 =	vld [tilespmem:s20+$0x800];
	_ =	sdelay $0x2  }
0x3f: {  	s18 =	sadd.s32 $0x1, s18  }
0x40: {  	p0 =	sne.s32 s18, s17  }
.Ltmp4:
0x41: {  	vm0 =	vne.s32 v3, $0xFFFFFFFF;
	vm1 =	veq.s32 v2, v3;
	(pc) =	sbr.rel @p0 .LBB2_2-.Ltmp4, $4  }
.Ltmp5:
0x42: {  	vm0 =	vmand vm0, vm1;
	(pc) =	sbr.rel @!p0 .LBB2_5-.Ltmp5, $4  }
0x43: {  	v2 =	vsel vm0, $0x1, v0  }
0x44: {  	v1 =	vadd.s32 v2, v1  }
0x45: {  	[tilespmem:$0x1800] =	vst v1  }
0x46: {  	_ = 	snop  }
.LBB2_6:
0x47: {  	_ =	sfence.sel $0x180000  }
0x48: {  	[bflag:$0x0] =	sbarrier.arrive $0xFFFF  }
0x49: {  	p0 =	sne.s32 s1, $0x0;
	_ =	strace $0x90000050  }
0x4a: {  	s0 =	sadd.s32 @!p0 $0x100000, s0;
	[bflag:$0x2] =	sbarrier.arrive $0xFFFF  }
0x4b: {  	[sflag:s0] =	ssyncadd.tile.s32 @!p0 $0x1;
	_ =	shalt  }
.Lfunc_end2:
_tile_overlayer_lowered:
.L_overlay_start_2:
0x4c: {  	(tag) =	ssettag $0x2  }
0x4d: {  	s0 =	rddreg [dreg:$0x0];
	s2 =	stileid.u32  }
0x4e: {  	s1 =	rddreg [dreg:$0x1];
	p0 =	sne.s32 s2, $0x0  }
0x4f: {  	s3 =	rddreg [dreg:$0x2];
	[bflag:$0x3] =	sbarrier.arrive $0xFFFF;
	s2 =	simm.s32 @!p0 $0x1C02  }
0x50: {  	[timem:s3], [sflag:s2] =	dma.local @!p0 [hbm:s0], s1  }
0x51: {  	s0 =	simm.s32 @!p0 $0x2  }
0x52: {  	_ =	swait.ge @!p0 [sflag:s0], s1  }
0x53: {  	s1 =	ssub.s32 @!p0 $0x0, s1;
	[sflag:s0] =	ssyncset.done @!p0 $0x0  }
0x54: {  	[sflag:s0] =	ssyncadd.s32 @!p0 s1  }
0x55: {  	[bflag:$0x3] =	sbarrier.arrive $0xFFFF  }
0x56: {  	_ =	shalt  }

// kernel: kernel.5.cloned.1.call-start
scs
__scs_entry_jumppad:
0x0: {  	(pc) =	sbr.rel $0x88, $3  }
0x1: {  	(tag) =	ssettag $0x0;
	lr =	simm.s32 $0x1  }
0x2: {  	[smem:$0x3FA0] =	sst lr;
	_ =	strace $0xD0000000  }
0x3: {  	_ = 	snop  }
0x4: {  	_ = 	snop  }
0x5: {  	_ = 	snop  }
0x6: {  	_ = 	snop  }
0x7: {  	_ = 	snop  }
__scs_overlays_trampoline_lowered:
0x8: {  	[smem:$0x3FAF] =	sst s0  }
0x9: {  	[smem:$0x3FB0] =	sst s1  }
0xa: {  	[smem:$0x3FB1] =	sst s2  }
0xb: {  	[smem:$0x3FB2] =	sst s3  }
0xc: {  	[smem:$0x3FB3] =	sst s4  }
0xd: {  	[smem:$0x3FB4] =	sst s5  }
0xe: {  	[smem:$0x3FB5] =	sst s6  }
0xf: {  	[smem:$0x3FB6] =	sst s7  }
0x10: {  	[smem:$0x3FB7] =	sst s8  }
0x11: {  	[smem:$0x3FB8] =	sst s9;
	s0 =	simm.s32 @!p0 $0x0  }
0x12: {  	s1 =	sld [smem:$0x3F9E];
	s0 =	simm.s32 @p0 $0x1  }
0x13: {  	[smem:$0x3FB9] =	sst s0;
	s0 =	simm.s32 @!p1 $0x0  }
0x14: {  	s2 =	sld [smem:$0x3F9D];
	s0 =	simm.s32 @p1 $0x1  }
0x15: {  	[smem:$0x3FBA] =	sst s0;
	s0 =	simm.s32 @!p2 $0x0  }
0x16: {  	s3 =	sld [smem:$0x3FDB];
	s0 =	simm.s32 @p2 $0x1  }
0x17: {  	s4 =	simm.s32 $0x1BF5;
	[smem:$0x3FBC] =	sst s0  }
0x18: {  	s0 =	sld [smem:$0x3F9F];
	_ =	swait.ge [sflag:s4], $0x0  }
0x19: {  	s7 =	sld [smem:$0x3FA0]  }
0x1a: {  	s8 =	sadd.s32 $0xFFFFE003, lr  }
0x1b: {  	s9 =	sadd.s32 $0xFFFFFEF7, lr;
	s5 =	simm.s32 $0xFFFFFFFF;
	p2 =	slt.u32 s8, $0xFFFFF086  }
0x1c: {  	p1 =	slt.u32 s9, $0xF7A;
	s5 =	simm.s32 @!p2 $0x0  }
0x1d: {  	s5 =	simm.s32 @p1 $0x1;
	p0 =	seq.s32 s7, s2  }
0x1e: {  	s7 =	smul.u32 @!p0 $0xF7A, s2;
	p2 =	seq.s32 @!p0 s5, $0x0  }
0x1f: {  	s9 =	smul.u32 $0xF7A, s1;
	s8 =	simm.s32 @!p0 $0x1BF5;
	p2 =	por !p2, p0  }
0x20: {  	[sflag:s8] =	ssyncset.s32 @!p0 $0xFFFFF086;
	s6 =	sadd.s32 @!p0 s3, s7;
	s7 =	simm.s32 @!p0 $0x108  }
0x21: {  	s3 =	sadd.s32 s3, s9;
	s6 =	sadd.s32 @!p0 $0x88, s6;
	s7 =	simm.s32 @p2 $0x1082  }
0x22: {  	[simem:s7], [sflag:s8] =	dma.local @!p0 [hbm:s6], $0xF7A  }
0x23: {  	s9 =	sor.u32 $0xD0000000, s2;
	s6 =	simm.s32 $0x108;
	_ =	swait.ge @!p0 [sflag:s8], $0x0  }
0x24: {  	s3 =	sadd.s32 $0x88, s3;
	s6 =	simm.s32 @!p1 $0x1082;
	[sflag:s4] =	ssyncset.s32 $0xFFFFF086  }
0x25: {  	[simem:s6], [sflag:s4] =	dma.local [hbm:s3], $0xF7A  }
0x26: {  	[smem:$0x3FA0] =	sst s1;
	(tag) =	ssettag s2;
	_ =	strace s9  }
0x27: {  	s1 =	sld [smem:$0x3FB0]  }
0x28: {  	s2 =	sld [smem:$0x3FB1]  }
0x29: {  	s4 =	sld [smem:$0x3FB3]  }
0x2a: {  	p0 =	seq.s32 s5, $0x0;
	s5 =	sld [smem:$0x3FB4]  }
0x2b: {  	s6 =	sld [smem:$0x3FB5]  }
0x2c: {  	s7 =	sld [smem:$0x3FB6]  }
0x2d: {  	s3 =	simm.s32 $0x108;
	s8 =	sld [smem:$0x3FB7]  }
0x2e: {  	s3 =	simm.s32 @!p0 $0x1082;
	s9 =	sld [smem:$0x3FB8]  }
0x2f: {  	lr =	sadd.s32 s0, s3;
	s0 =	sld [smem:$0x3FAF]  }
0x30: {  	s3 =	sld [smem:$0x3FB2]  }
0x31: {  	[smem:$0x3FBB] =	sst s10  }
0x32: {  	s10 =	sld [smem:$0x3FB9];
	_ =	sdelay $0x3  }
0x33: {  	p0 =	seq.s32 s10, $0x1;
	s10 =	sld [smem:$0x3FBB];
	_ =	sdelay $0x3  }
0x34: {  	[smem:$0x3FBB] =	sst s10  }
0x35: {  	s10 =	sld [smem:$0x3FBA];
	_ =	sdelay $0x3  }
0x36: {  	p1 =	seq.s32 s10, $0x1;
	s10 =	sld [smem:$0x3FBB];
	_ =	sdelay $0x3  }
0x37: {  	[smem:$0x3FBB] =	sst s10  }
0x38: {  	s10 =	sld [smem:$0x3FBC]  }
0x39: {  	_ = 	snop;
	(pc) =	sbr.ind lr, $3  }
0x3a: {  	_ = 	snop  }
0x3b: {  	_ = 	snop  }
0x3c: {  	p2 =	seq.s32 s10, $0x1;
	s10 =	sld [smem:$0x3FBB]  }
0x3d: {  	_ =	shalt  }
0x3e: {  	_ =	shalt  }
0x3f: {  	_ =	shalt  }
0x40: {  	_ =	shalt  }
0x41: {  	_ =	shalt  }
0x42: {  	_ =	shalt  }
0x43: {  	_ =	shalt  }
0x44: {  	_ =	shalt  }
0x45: {  	_ =	shalt  }
0x46: {  	_ =	shalt  }
0x47: {  	_ =	shalt  }
0x48: {  	_ =	shalt  }
0x49: {  	_ =	shalt  }
0x4a: {  	_ =	shalt  }
0x4b: {  	_ =	shalt  }
0x4c: {  	_ =	shalt  }
0x4d: {  	_ =	shalt  }
0x4e: {  	_ =	shalt  }
0x4f: {  	_ =	shalt  }
0x50: {  	_ =	shalt  }
0x51: {  	_ =	shalt  }
0x52: {  	_ =	shalt  }
0x53: {  	_ =	shalt  }
0x54: {  	_ =	shalt  }
0x55: {  	_ =	shalt  }
0x56: {  	_ =	shalt  }
0x57: {  	_ =	shalt  }
0x58: {  	_ =	shalt  }
0x59: {  	_ =	shalt  }
0x5a: {  	_ =	shalt  }
0x5b: {  	_ =	shalt  }
0x5c: {  	_ =	shalt  }
0x5d: {  	_ =	shalt  }
0x5e: {  	_ =	shalt  }
0x5f: {  	_ =	shalt  }
0x60: {  	_ =	shalt  }
0x61: {  	_ =	shalt  }
0x62: {  	_ =	shalt  }
0x63: {  	_ =	shalt  }
0x64: {  	_ =	shalt  }
0x65: {  	_ =	shalt  }
0x66: {  	_ =	shalt  }
0x67: {  	_ =	shalt  }
0x68: {  	_ =	shalt  }
0x69: {  	_ =	shalt  }
0x6a: {  	_ =	shalt  }
0x6b: {  	_ =	shalt  }
0x6c: {  	_ =	shalt  }
0x6d: {  	_ =	shalt  }
0x6e: {  	_ =	shalt  }
0x6f: {  	_ =	shalt  }
0x70: {  	_ =	shalt  }
0x71: {  	_ =	shalt  }
0x72: {  	_ =	shalt  }
0x73: {  	_ =	shalt  }
0x74: {  	_ =	shalt  }
0x75: {  	_ =	shalt  }
0x76: {  	_ =	shalt  }
0x77: {  	_ =	shalt  }
0x78: {  	_ =	shalt  }
0x79: {  	_ =	shalt  }
0x7a: {  	_ =	shalt  }
0x7b: {  	_ =	shalt  }
0x7c: {  	_ =	shalt  }
0x7d: {  	_ =	shalt  }
0x7e: {  	_ =	shalt  }
0x7f: {  	_ =	shalt  }
0x80: {  	_ =	shalt  }
0x81: {  	_ =	shalt  }
0x82: {  	_ =	shalt  }
0x83: {  	_ =	shalt  }
0x84: {  	_ =	shalt  }
0x85: {  	_ =	shalt  }
0x86: {  	_ =	shalt  }
0x87: {  	_ =	shalt  }
.Lfunc_end0:
.L_simem_size_0:
called_computation.1_lowered:
.L_overlay_start_0:
0x88: {  	s2 =	sld [smem:$0x3FD9]  }
0x89: {  	s3 =	sld [smem:$0x3FFE];
	_ =	sdelay $0x1  }
0x8a: {  	s1 =	srdreg.scid  }
0x8b: {  	s0 =	sand.u32 $0x1, s1  }
0x8c: {  	s16 =	sshll.u32 s0, $0xA;
	s2 =	sadd.s32 s3, s2  }
0x8d: {  	s2 =	sadd.s32 s2, s16  }
0x8e: {  	[smem:$0x3FC7] =	sst s2  }
0x8f: {  	_ = 	snop  }
0x90: {  	(tm) =	ssettm $0x1  }
0x91: {  	s17 =	sld [smem:$0x3FFB];
	_ =	sdelay $0x3  }
0x92: {  	_ =	strace s17  }
0x93: {  	s2 =	sld [smem:$0x3FFC];
	_ =	sdelay $0x3  }
0x94: {  	_ =	strace s2  }
0x95: {  	s2 =	sld [smem:$0x3FFD];
	_ =	sdelay $0x3  }
0x96: {  	_ =	strace s2  }
0x97: {  	_ =	strace $0x8FFFFFFF  }
0x98: {  	s18 =	sld [smem:$0x3FDB];
	_ =	sdelay $0x1  }
0x99: {  	s19 =	simm.s32 $_scs_section_size  }
0x9a: {  	s4 =	simm.s32 $_size__tile_overlayer_lowered;
	s5 =	simm.s32 $_tile_overlayer_lowered  }
0x9b: {  	s22 =	simm.s32 $0x1BFF;
	s21 =	sshll.u32 s5, $0x1;
	s2 =	sadd.s32 s19, s18  }
0x9c: {  	s6 =	simm.s32 $0x0;
	s20 =	sshll.u32 s4, $0x1;
	s4 =	sadd.s32 s21, s2  }
0x9d: {  	[timem:s6], [sflag:s22] =	dma.local [hbm:s4], s20  }
0x9e: {  	_ =	swait.ge [sflag:s22], s20  }
0x9f: {  	s3 =	ssub.s32 $0x0, s20;
	[sflag:s22] =	ssyncset.done $0x0  }
0xa0: {  	[sflag:s22] =	ssyncadd.s32 s3;
	_ =	sdelay $0x1  }
0xa1: {  	s23 =	simm.s32 $0x1B8B  }
0xa2: {  	_ =	swait.ge [sflag:s23], $0x1  }
0xa3: {  	[sflag:s23] =	ssyncset.done $0x0  }
0xa4: {  	s25 =	simm.s32 $0x1B8E;
	s24 =	sld [smem:$0x3FFE];
	[sflag:s23] =	ssyncadd.s32 $0xFFFFFFFF  }
0xa5: {  	s26 =	simm.s32 $execute0_lowered;
	[smem:$0x3FD2] =	sst s25  }
0xa6: {  	s4 =	sshll.u32 s26, $0x1;
	_ =	strace $0x80000049;
	[dreg:$0x1] =	wrdreg $0xFFFFFFFF  }
0xa7: {  	s28 =	simm.s32 $_size_execute0_lowered;
	s2 =	sadd.s32 s2, s4;
	[dreg:$0x0] =	wrdreg $0x0  }
0xa8: {  	s4 =	sshll.u32 s28, $0x1;
	[dreg:$0x2] =	wrdreg s2  }
0xa9: {  	[dreg:$0x3] =	wrdreg s4  }
0xaa: {  	[dreg:$0x4] =	wrdreg $0xC0  }
0xab: {  	_ =	task [dreg:s6], $0x5FFFF  }
0xac: {  	[dreg:$0x1] =	wrdreg $0xFFFFFFFF  }
0xad: {  	[dreg:$0x0] =	wrdreg $0x60  }
0xae: {  	[dreg:$0x2] =	wrdreg s24  }
0xaf: {  	[dreg:$0x3] =	wrdreg $0x9  }
0xb0: {  	_ =	task.clear_ibuf [dreg:s6], $0x4FFFF;
	_ =	strace $0x90000049  }
0xb1: {  	s29 =	simm.s32 $0x9;
	_ =	strace $0x8000004B  }
0xb2: {  	_ =	swait.ge [sflag:s29], $0x1  }
0xb3: {  	[sflag:s29] =	ssyncadd.s32 $0xFFFFFFFF  }
0xb4: {  	_ =	strace $0x9000004B  }
0xb5: {  	_ =	sfence  }
0xb6: {  	s30 =	sld [smem:$0x0];
	_ =	sdelay $0x2  }
0xb7: {  	s31 =	sshll.u32 s1, $0xD;
	s1 =	sshrl.u32 s1, $0x2  }
0xb8: {  	s3 =	sand.u32 $0x4000, s31;
	s1 =	sadd.s32 s1, s30  }
0xb9: {  	s0 =	sor.u32 s3, s0;
	s1 =	sshll.u32 s1, $0x11  }
0xba: {  	s0 =	sor.u32 s1, s0  }
0xbb: {  	s0 =	sadd.s32 $0x8F2B, s0  }
0xbc: {  	[sflag:s0] =	ssyncadd.remote.s32 $0x1  }
0xbd: {  	_ =	sfence.sel $0xFFFF  }
0xbe: {  	[dreg:$0x0] =	wrdreg $0xFFFFFFFF;
	(pc) =	sbr.abs _section_cstart, $3  }
0xbf: {  	[dreg:$0x1] =	wrdreg $0xFFFFFFFF  }
0xc0: {  	_ =	task.clear_ibuf [dreg:s6], $0x2FFFF;
	_ =	strace $0x9FFFFFFF  }
0xc1: {  	(tm) =	ssettm $0x7FFFFFFF  }
tec
execute0_lowered:
.L_overlay_start_1:
0x0: {  	(tag) =	ssettag $0x1  }
0x1: {  	s6 =	rddreg [dreg:$0x0]  }
0x2: {  	s0 =	rddreg [dreg:$0x1];
	s1 =	simm.s32 $0x0  }
0x3: {  	s2 =	srdreg.scid;
	s11 =	simm.s32 $0x1000;
	s12 =	simm.s32 $0x1  }
0x4: {  	s13 =	simm.s32 $0x0;
	[smem:$0x7FF] =	sst s1;
	s3 =	sadd.s32 $0x201000, s6  }
0x5: {  	s4 =	sadd.s32 $0x401000, s6;
	s7 =	sand.u32 $0x1, s2;
	s5 =	sadd.s32 $0x1000, s6  }
0x6: {  	s2 =	stileid.u32;
	s6 =	sadd.s32 $0x10301000, s6;
	s8 =	ssub.s32 $0x2, s7  }
0x7: {  	s10 =	sshll.u32 s2, $0x14;
	s7 =	sshll.u32 s7, $0x13;
	s9 =	sshrl.u32 s8, $0x1  }
0x8: {  	_ =	strace $0x8000004A;
	s7 =	sor.u32 s7, s10;
	s8 =	ssub.s32 s8, s9  }
0x9: {  	v0 =	vlaneseq.u32;
	s10 =	simm.s32 $0x800;
	s9 =	simm.s32 $0x2;
	s8 =	smax.u32 s8, $0x1  }
.LBB2_1:
0xa: {  	s14 =	smov.u32 s7;
	s15 =	simm.s32 $0x0  }
.LBB2_2:
0xb: {  	s16 =	sshll.u32 s15, $0xB  }
0xc: {  	s16 =	sadd.s32 s7, s16  }
0xd: {  	s16 =	sshrl.u32 s16, $0x3  }
0xe: {  	s18 =	simm.s32 $0x0;
	s17 =	sadd.s32 s3, s16  }
0xf: {  	[tilespmem:s18], [sflag:$0x2] =	stream.linear.gather [hbm4b:s17+s18], $0x800, $0x38;
	[tilespmem:$0x1800] =	vst v63  }
0x10: {  	_ =	swait.ge [sflag:s9], $0x800  }
0x11: {  	[sflag:s9] =	ssyncset.done $0x0  }
0x12: {  	s31 =	simm.s32 $0x0;
	[sflag:s9] =	ssyncadd.s32 $0xFFFFF800  }
0x13: {  	v1 =	vld [tilespmem:s31+$0x0];
	_ =	sdelay $0x4  }
0x14: {  	s17 =	simm.s32 $0x10;
	vm0 =	veq.s32 v1, $0x80000000  }
0x15: {  	v2 =	vsel vm0, $0x0, v1;
	v1 =	vld [tilespmem:s17+$0x0]  }
0x16: {  	v3 =	vor.u32 s14, v0;
	v4 =	vshrl.u32 v2, $0x1  }
0x17: {  	v3 =	vshll.u32 v3, $0x1;
	v2 =	vand.u32 $0x7FFFFFFF, v2;
	v4 =	vshrl.u32 v4, $0x1E  }
0x18: {  	[tilespmem:s31+$0x800] =	vst v2;
	v2 =	vor.u32 v4, v3  }
0x19: {  	s19 =	simm.s32 $0x80;
	s18 =	smov.u32 s14;
	[tilespmem:s31+$0x1000] =	vst v2  }
.LBB2_3:
0x1a: {  	s20 =	sshra.s32 s19, $0x2;
	p0 =	sne.s32 s19, $0x1FC0;
	s19 =	sadd.s32 $0x40, s19;
	vm0 =	veq.s32 v1, $0x80000000  }
.Ltmp0:
0x1b: {  	s18 =	sadd.s32 $0x10, s18;
	v2 =	vsel vm0, $0x0, v1;
	v1 =	vld [tilespmem:s20+$0x0];
	(pc) =	sbr.rel @p0 .LBB2_3-.Ltmp0, $4  }
0x1c: {  	v4 =	vor.u32 s18, v0;
	v3 =	vand.u32 $0x7FFFFFFF, v2;
	v2 =	vshrl.u32 v2, $0x1  }
0x1d: {  	[tilespmem:s17+$0x800] =	vst v3;
	v3 =	vshll.u32 v4, $0x1;
	v2 =	vshrl.u32 v2, $0x1E  }
0x1e: {  	v2 =	vor.u32 v2, v3  }
0x1f: {  	[tilespmem:s17+$0x1000] =	vst v2;
	s17 =	smov.u32 s20  }
0x20: {  	vm0 =	veq.s32 v1, $0x80000000  }
0x21: {  	s18 =	sadd.s32 $0x10, s18;
	v1 =	vsel vm0, $0x0, v1  }
0x22: {  	v2 =	vor.u32 s18, v0;
	v3 =	vshrl.u32 v1, $0x1  }
0x23: {  	v1 =	vand.u32 $0x7FFFFFFF, v1;
	v2 =	vshll.u32 v2, $0x1;
	v3 =	vshrl.u32 v3, $0x1E  }
0x24: {  	[tilespmem:s17+$0x800] =	vst v1;
	v1 =	vor.u32 v3, v2  }
0x25: {  	[tilespmem:s17+$0x1000] =	vst v1  }
0x26: {  	[hbm4b:s4+s10] =	stream.indirect.scatter [tilespmem:s11], [sflag:$0x1], $0x1, s10, s10, $0xb8;
	[tilespmem:$0x1800] =	vst v63  }
0x27: {  	s30 =	sadd.s32 s5, s16  }
0x28: {  	[hbm4b:s30+s1] =	stream.linear.scatter [tilespmem:s10], [sflag:$0x2], $0x800, $0x38;
	[tilespmem:$0x1800] =	vst v63  }
0x29: {  	_ =	swait.ge [sflag:s9], $0x800  }
0x2a: {  	[sflag:s9] =	ssyncset.done $0x0  }
0x2b: {  	s31 =	sadd.s32 s6, s16;
	s15 =	sadd.s32 $0x1, s15;
	[sflag:s9] =	ssyncadd.s32 $0xFFFFF800  }
0x2c: {  	[hbm4b:s31+s1] =	stream.linear.scatter [tilespmem:s11], [sflag:$0x2], $0x800, $0x38;
	[tilespmem:$0x1800] =	vst v63  }
0x2d: {  	p0 =	sne.s32 s15, $0x100;
	_ =	swait.ge [sflag:s9], $0x800  }
.Ltmp1:
0x2e: {  	[sflag:s9] =	ssyncset.done $0x0;
	(pc) =	sbr.rel @p0 .LBB2_2-.Ltmp1, $4  }
0x2f: {  	[sflag:s9] =	ssyncadd.s32 $0xFFFFF800  }
0x30: {  	_ =	swait.ge [sflag:s12], $0x800  }
0x31: {  	[sflag:s12] =	ssyncset.done $0x0  }
0x32: {  	s14 =	sadd.s32 $0x800, s14;
	[sflag:s12] =	ssyncadd.s32 $0xFFFFF800  }
0x33: {  	s13 =	sadd.s32 $0x1, s13  }
0x34: {  	p0 =	sne.s32 s13, s8  }
.Ltmp2:
0x35: {  	_ = 	snop;
	(pc) =	sbr.rel @p0 .LBB2_1-.Ltmp2, $1  }
0x36: {  	_ =	sdelay $0x3  }
0x37: {  	_ =	sfence.sel $0x180000  }
0x38: {  	[bflag:$0x0] =	sbarrier.arrive $0xFFFF  }
0x39: {  	p0 =	sne.s32 s2, $0x0;
	_ =	strace $0x9000004A  }
0x3a: {  	s0 =	sadd.s32 @!p0 $0x100000, s0;
	[bflag:$0x2] =	sbarrier.arrive $0xFFFF  }
0x3b: {  	[sflag:s0] =	ssyncadd.tile.s32 @!p0 $0x1;
	_ =	shalt  }
.Lfunc_end2:
_tile_overlayer_lowered:
.L_overlay_start_2:
0x3c: {  	(tag) =	ssettag $0x2  }
0x3d: {  	s0 =	rddreg [dreg:$0x0];
	s2 =	stileid.u32  }
0x3e: {  	s1 =	rddreg [dreg:$0x1];
	p0 =	sne.s32 s2, $0x0  }
0x3f: {  	s3 =	rddreg [dreg:$0x2];
	[bflag:$0x3] =	sbarrier.arrive $0xFFFF;
	s2 =	simm.s32 @!p0 $0x1C02  }
0x40: {  	[timem:s3], [sflag:s2] =	dma.local @!p0 [hbm:s0], s1  }
0x41: {  	s0 =	simm.s32 @!p0 $0x2  }
0x42: {  	_ =	swait.ge @!p0 [sflag:s0], s1  }
0x43: {  	s1 =	ssub.s32 @!p0 $0x0, s1;
	[sflag:s0] =	ssyncset.done @!p0 $0x0  }
0x44: {  	[sflag:s0] =	ssyncadd.s32 @!p0 s1  }
0x45: {  	[bflag:$0x3] =	sbarrier.arrive $0xFFFF  }
0x46: {  	_ =	shalt  }

// kernel: kernel.8.cloned.1.call-start
scs
__scs_entry_jumppad:
0x0: {  	(pc) =	sbr.rel $0x88, $3  }
0x1: {  	(tag) =	ssettag $0x0;
	lr =	simm.s32 $0x1  }
0x2: {  	[smem:$0x3FA0] =	sst lr;
	_ =	strace $0xD0000000  }
0x3: {  	_ = 	snop  }
0x4: {  	_ = 	snop  }
0x5: {  	_ = 	snop  }
0x6: {  	_ = 	snop  }
0x7: {  	_ = 	snop  }
__scs_overlays_trampoline_lowered:
0x8: {  	[smem:$0x3FAF] =	sst s0  }
0x9: {  	[smem:$0x3FB0] =	sst s1  }
0xa: {  	[smem:$0x3FB1] =	sst s2  }
0xb: {  	[smem:$0x3FB2] =	sst s3  }
0xc: {  	[smem:$0x3FB3] =	sst s4  }
0xd: {  	[smem:$0x3FB4] =	sst s5  }
0xe: {  	[smem:$0x3FB5] =	sst s6  }
0xf: {  	[smem:$0x3FB6] =	sst s7  }
0x10: {  	[smem:$0x3FB7] =	sst s8  }
0x11: {  	[smem:$0x3FB8] =	sst s9;
	s0 =	simm.s32 @!p0 $0x0  }
0x12: {  	s1 =	sld [smem:$0x3F9E];
	s0 =	simm.s32 @p0 $0x1  }
0x13: {  	[smem:$0x3FB9] =	sst s0;
	s0 =	simm.s32 @!p1 $0x0  }
0x14: {  	s2 =	sld [smem:$0x3F9D];
	s0 =	simm.s32 @p1 $0x1  }
0x15: {  	[smem:$0x3FBA] =	sst s0;
	s0 =	simm.s32 @!p2 $0x0  }
0x16: {  	s3 =	sld [smem:$0x3FDB];
	s0 =	simm.s32 @p2 $0x1  }
0x17: {  	s4 =	simm.s32 $0x1BF5;
	[smem:$0x3FBC] =	sst s0  }
0x18: {  	s0 =	sld [smem:$0x3F9F];
	_ =	swait.ge [sflag:s4], $0x0  }
0x19: {  	s7 =	sld [smem:$0x3FA0]  }
0x1a: {  	s8 =	sadd.s32 $0xFFFFE003, lr  }
0x1b: {  	s9 =	sadd.s32 $0xFFFFFEF7, lr;
	s5 =	simm.s32 $0xFFFFFFFF;
	p2 =	slt.u32 s8, $0xFFFFF086  }
0x1c: {  	p1 =	slt.u32 s9, $0xF7A;
	s5 =	simm.s32 @!p2 $0x0  }
0x1d: {  	s5 =	simm.s32 @p1 $0x1;
	p0 =	seq.s32 s7, s2  }
0x1e: {  	s7 =	smul.u32 @!p0 $0xF7A, s2;
	p2 =	seq.s32 @!p0 s5, $0x0  }
0x1f: {  	s9 =	smul.u32 $0xF7A, s1;
	s8 =	simm.s32 @!p0 $0x1BF5;
	p2 =	por !p2, p0  }
0x20: {  	[sflag:s8] =	ssyncset.s32 @!p0 $0xFFFFF086;
	s6 =	sadd.s32 @!p0 s3, s7;
	s7 =	simm.s32 @!p0 $0x108  }
0x21: {  	s3 =	sadd.s32 s3, s9;
	s6 =	sadd.s32 @!p0 $0x88, s6;
	s7 =	simm.s32 @p2 $0x1082  }
0x22: {  	[simem:s7], [sflag:s8] =	dma.local @!p0 [hbm:s6], $0xF7A  }
0x23: {  	s9 =	sor.u32 $0xD0000000, s2;
	s6 =	simm.s32 $0x108;
	_ =	swait.ge @!p0 [sflag:s8], $0x0  }
0x24: {  	s3 =	sadd.s32 $0x88, s3;
	s6 =	simm.s32 @!p1 $0x1082;
	[sflag:s4] =	ssyncset.s32 $0xFFFFF086  }
0x25: {  	[simem:s6], [sflag:s4] =	dma.local [hbm:s3], $0xF7A  }
0x26: {  	[smem:$0x3FA0] =	sst s1;
	(tag) =	ssettag s2;
	_ =	strace s9  }
0x27: {  	s1 =	sld [smem:$0x3FB0]  }
0x28: {  	s2 =	sld [smem:$0x3FB1]  }
0x29: {  	s4 =	sld [smem:$0x3FB3]  }
0x2a: {  	p0 =	seq.s32 s5, $0x0;
	s5 =	sld [smem:$0x3FB4]  }
0x2b: {  	s6 =	sld [smem:$0x3FB5]  }
0x2c: {  	s7 =	sld [smem:$0x3FB6]  }
0x2d: {  	s3 =	simm.s32 $0x108;
	s8 =	sld [smem:$0x3FB7]  }
0x2e: {  	s3 =	simm.s32 @!p0 $0x1082;
	s9 =	sld [smem:$0x3FB8]  }
0x2f: {  	lr =	sadd.s32 s0, s3;
	s0 =	sld [smem:$0x3FAF]  }
0x30: {  	s3 =	sld [smem:$0x3FB2]  }
0x31: {  	[smem:$0x3FBB] =	sst s10  }
0x32: {  	s10 =	sld [smem:$0x3FB9];
	_ =	sdelay $0x3  }
0x33: {  	p0 =	seq.s32 s10, $0x1;
	s10 =	sld [smem:$0x3FBB];
	_ =	sdelay $0x3  }
0x34: {  	[smem:$0x3FBB] =	sst s10  }
0x35: {  	s10 =	sld [smem:$0x3FBA];
	_ =	sdelay $0x3  }
0x36: {  	p1 =	seq.s32 s10, $0x1;
	s10 =	sld [smem:$0x3FBB];
	_ =	sdelay $0x3  }
0x37: {  	[smem:$0x3FBB] =	sst s10  }
0x38: {  	s10 =	sld [smem:$0x3FBC]  }
0x39: {  	_ = 	snop;
	(pc) =	sbr.ind lr, $3  }
0x3a: {  	_ = 	snop  }
0x3b: {  	_ = 	snop  }
0x3c: {  	p2 =	seq.s32 s10, $0x1;
	s10 =	sld [smem:$0x3FBB]  }
0x3d: {  	_ =	shalt  }
0x3e: {  	_ =	shalt  }
0x3f: {  	_ =	shalt  }
0x40: {  	_ =	shalt  }
0x41: {  	_ =	shalt  }
0x42: {  	_ =	shalt  }
0x43: {  	_ =	shalt  }
0x44: {  	_ =	shalt  }
0x45: {  	_ =	shalt  }
0x46: {  	_ =	shalt  }
0x47: {  	_ =	shalt  }
0x48: {  	_ =	shalt  }
0x49: {  	_ =	shalt  }
0x4a: {  	_ =	shalt  }
0x4b: {  	_ =	shalt  }
0x4c: {  	_ =	shalt  }
0x4d: {  	_ =	shalt  }
0x4e: {  	_ =	shalt  }
0x4f: {  	_ =	shalt  }
0x50: {  	_ =	shalt  }
0x51: {  	_ =	shalt  }
0x52: {  	_ =	shalt  }
0x53: {  	_ =	shalt  }
0x54: {  	_ =	shalt  }
0x55: {  	_ =	shalt  }
0x56: {  	_ =	shalt  }
0x57: {  	_ =	shalt  }
0x58: {  	_ =	shalt  }
0x59: {  	_ =	shalt  }
0x5a: {  	_ =	shalt  }
0x5b: {  	_ =	shalt  }
0x5c: {  	_ =	shalt  }
0x5d: {  	_ =	shalt  }
0x5e: {  	_ =	shalt  }
0x5f: {  	_ =	shalt  }
0x60: {  	_ =	shalt  }
0x61: {  	_ =	shalt  }
0x62: {  	_ =	shalt  }
0x63: {  	_ =	shalt  }
0x64: {  	_ =	shalt  }
0x65: {  	_ =	shalt  }
0x66: {  	_ =	shalt  }
0x67: {  	_ =	shalt  }
0x68: {  	_ =	shalt  }
0x69: {  	_ =	shalt  }
0x6a: {  	_ =	shalt  }
0x6b: {  	_ =	shalt  }
0x6c: {  	_ =	shalt  }
0x6d: {  	_ =	shalt  }
0x6e: {  	_ =	shalt  }
0x6f: {  	_ =	shalt  }
0x70: {  	_ =	shalt  }
0x71: {  	_ =	shalt  }
0x72: {  	_ =	shalt  }
0x73: {  	_ =	shalt  }
0x74: {  	_ =	shalt  }
0x75: {  	_ =	shalt  }
0x76: {  	_ =	shalt  }
0x77: {  	_ =	shalt  }
0x78: {  	_ =	shalt  }
0x79: {  	_ =	shalt  }
0x7a: {  	_ =	shalt  }
0x7b: {  	_ =	shalt  }
0x7c: {  	_ =	shalt  }
0x7d: {  	_ =	shalt  }
0x7e: {  	_ =	shalt  }
0x7f: {  	_ =	shalt  }
0x80: {  	_ =	shalt  }
0x81: {  	_ =	shalt  }
0x82: {  	_ =	shalt  }
0x83: {  	_ =	shalt  }
0x84: {  	_ =	shalt  }
0x85: {  	_ =	shalt  }
0x86: {  	_ =	shalt  }
0x87: {  	_ =	shalt  }
.Lfunc_end0:
.L_simem_size_0:
called_computation.2_lowered:
.L_overlay_start_0:
0x88: {  	s2 =	sld [smem:$0x3FD9]  }
0x89: {  	s3 =	sld [smem:$0x3FFE];
	_ =	sdelay $0x1  }
0x8a: {  	s1 =	srdreg.scid  }
0x8b: {  	s0 =	sand.u32 $0x1, s1  }
0x8c: {  	s16 =	sshll.u32 s0, $0xA;
	s2 =	sadd.s32 s3, s2  }
0x8d: {  	s2 =	sadd.s32 s2, s16  }
0x8e: {  	[smem:$0x3FC7] =	sst s2  }
0x8f: {  	_ = 	snop  }
0x90: {  	(tm) =	ssettm $0x1  }
0x91: {  	s17 =	sld [smem:$0x3FFB];
	_ =	sdelay $0x3  }
0x92: {  	_ =	strace s17  }
0x93: {  	s2 =	sld [smem:$0x3FFC];
	_ =	sdelay $0x3  }
0x94: {  	_ =	strace s2  }
0x95: {  	s2 =	sld [smem:$0x3FFD];
	_ =	sdelay $0x3  }
0x96: {  	_ =	strace s2  }
0x97: {  	_ =	strace $0x8FFFFFFF  }
0x98: {  	s18 =	sld [smem:$0x3FDB];
	_ =	sdelay $0x1  }
0x99: {  	s19 =	simm.s32 $_scs_section_size  }
0x9a: {  	s4 =	simm.s32 $_size__tile_overlayer_lowered;
	s5 =	simm.s32 $_tile_overlayer_lowered  }
0x9b: {  	s22 =	simm.s32 $0x1BFF;
	s21 =	sshll.u32 s5, $0x1;
	s2 =	sadd.s32 s19, s18  }
0x9c: {  	s6 =	simm.s32 $0x0;
	s20 =	sshll.u32 s4, $0x1;
	s4 =	sadd.s32 s21, s2  }
0x9d: {  	[timem:s6], [sflag:s22] =	dma.local [hbm:s4], s20  }
0x9e: {  	_ =	swait.ge [sflag:s22], s20  }
0x9f: {  	s3 =	ssub.s32 $0x0, s20;
	[sflag:s22] =	ssyncset.done $0x0  }
0xa0: {  	[sflag:s22] =	ssyncadd.s32 s3;
	_ =	sdelay $0x1  }
0xa1: {  	s23 =	simm.s32 $0x1B8B  }
0xa2: {  	_ =	swait.ge [sflag:s23], $0x1  }
0xa3: {  	[sflag:s23] =	ssyncset.done $0x0  }
0xa4: {  	s25 =	simm.s32 $0x1B8E;
	s24 =	sld [smem:$0x3FFE];
	[sflag:s23] =	ssyncadd.s32 $0xFFFFFFFF  }
0xa5: {  	s26 =	simm.s32 $execute0_lowered;
	[smem:$0x3FD2] =	sst s25  }
0xa6: {  	s4 =	sshll.u32 s26, $0x1;
	_ =	strace $0x8000004C;
	[dreg:$0x1] =	wrdreg $0xFFFFFFFF  }
0xa7: {  	s28 =	simm.s32 $_size_execute0_lowered;
	s2 =	sadd.s32 s2, s4;
	[dreg:$0x0] =	wrdreg $0x0  }
0xa8: {  	s4 =	sshll.u32 s28, $0x1;
	[dreg:$0x2] =	wrdreg s2  }
0xa9: {  	[dreg:$0x3] =	wrdreg s4  }
0xaa: {  	[dreg:$0x4] =	wrdreg $0xC0  }
0xab: {  	_ =	task [dreg:s6], $0x5FFFF  }
0xac: {  	[dreg:$0x1] =	wrdreg $0xFFFFFFFF  }
0xad: {  	[dreg:$0x0] =	wrdreg $0x60  }
0xae: {  	[dreg:$0x2] =	wrdreg s24  }
0xaf: {  	[dreg:$0x3] =	wrdreg $0x9  }
0xb0: {  	_ =	task.clear_ibuf [dreg:s6], $0x4FFFF;
	_ =	strace $0x9000004C  }
0xb1: {  	s29 =	simm.s32 $0x9;
	_ =	strace $0x8000004E  }
0xb2: {  	_ =	swait.ge [sflag:s29], $0x1  }
0xb3: {  	[sflag:s29] =	ssyncadd.s32 $0xFFFFFFFF  }
0xb4: {  	_ =	strace $0x9000004E  }
0xb5: {  	_ =	sfence  }
0xb6: {  	s30 =	sld [smem:$0x0];
	_ =	sdelay $0x2  }
0xb7: {  	s31 =	sshll.u32 s1, $0xD;
	s1 =	sshrl.u32 s1, $0x2  }
0xb8: {  	s3 =	sand.u32 $0x4000, s31;
	s1 =	sadd.s32 s1, s30  }
0xb9: {  	s0 =	sor.u32 s3, s0;
	s1 =	sshll.u32 s1, $0x11  }
0xba: {  	s0 =	sor.u32 s1, s0  }
0xbb: {  	s0 =	sadd.s32 $0x8F2B, s0  }
0xbc: {  	[sflag:s0] =	ssyncadd.remote.s32 $0x1  }
0xbd: {  	_ =	sfence.sel $0xFFFF  }
0xbe: {  	[dreg:$0x0] =	wrdreg $0xFFFFFFFF;
	(pc) =	sbr.abs _section_cstart, $3  }
0xbf: {  	[dreg:$0x1] =	wrdreg $0xFFFFFFFF  }
0xc0: {  	_ =	task.clear_ibuf [dreg:s6], $0x2FFFF;
	_ =	strace $0x9FFFFFFF  }
0xc1: {  	(tm) =	ssettm $0x7FFFFFFF  }
tec
execute0_lowered:
.L_overlay_start_1:
0x0: {  	(tag) =	ssettag $0x1  }
0x1: {  	s0 =	rddreg [dreg:$0x0];
	s3 =	simm.s32 $0x0  }
0x2: {  	s1 =	srdreg.scid;
	[smem:$0x7FF] =	sst s3;
	s21 =	sadd.s32 $0x1000, s0  }
0x3: {  	s22 =	sadd.s32 $0x10301000, s0;
	_ =	strace $0x8000004D;
	[dreg:$0x2] =	wrdreg s21  }
0x4: {  	s2 =	stileid.u32;
	s23 =	sadd.s32 $0x401000, s0;
	[dreg:$0x3] =	wrdreg s22  }
0x5: {  	s1 =	sand.u32 $0x1, s1;
	s4 =	sadd.s32 $0x10501000, s0;
	[dreg:$0x4] =	wrdreg s23  }
0x6: {  	s2 =	sshll.u32 s2, $0x1;
	s25 =	sadd.s32 $0x20409200, s0;
	[dreg:$0x5] =	wrdreg s4  }
0x7: {  	s2 =	sor.u32 s1, s2;
	[dreg:$0x6] =	wrdreg s25  }
0x8: {  	s24 =	sshll.u32 s2, $0x4;
	s28 =	smul.u32 $0x80800, s2;
	s29 =	sshll.u32 s2, $0x10  }
0x9: {  	s3 =	sadd.s32 s24, s0;
	s0 =	sadd.s32 $0x2060B200, s0;
	[dreg:$0x9] =	wrdreg s29  }
0xa: {  	s1 =	ssub.s32 $0x2, s1;
	[dreg:$0x7] =	wrdreg s0  }
0xb: {  	s26 =	sshrl.u32 s1, $0x1;
	[dreg:$0x8] =	wrdreg s28;
	s30 =	sadd.s32 $0x201200, s3  }
0xc: {  	s0 =	ssub.s32 s1, s26;
	s31 =	sadd.s32 $0x201000, s3;
	[dreg:$0xa] =	wrdreg s30  }
0xd: {  	s5 =	simm.s32 $0x3000;
	[dreg:$0xb] =	wrdreg s31;
	s0 =	smax.u32 s0, $0x1  }
0xe: {  	s6 =	simm.s32 $0x3800;
	v0 =	vimm.s32 $0x0;
	v1 =	vlaneseq.u32;
	v2 =	vimm.s32 $0xFFFFFFFF;
	s1 =	simm.s32 $0x0;
	[dreg:$0xc] =	wrdreg s0  }
.LBB2_1:
0xf: {  	s0 =	simm.s32 $0x7F800001  }
0x10: {  	[tilespmem:$0x4000] =	vst v0;
	v3 =	vadd.s32 s0, v1  }
0x11: {  	[dreg:$0xd] =	wrdreg s1;
	[tilespmem:s5+$0x0] =	vst v3  }
0x12: {  	s1 =	simm.s32 $0x3000;
	s2 =	simm.s32 $0x3800;
	s0 =	simm.s32 $0x7F800011;
	[tilespmem:s6+$0x0] =	vst v2  }
.LBB2_2:
0x13: {  	p0 =	seq.s32 s0, $0x7F8007F1  }
.Ltmp0:
0x14: {  	_ = 	snop;
	(pc) =	sbr.rel @!p0 .LBB2_2-.Ltmp0, $4  }
0x15: {  	_ = 	snop  }
0x16: {  	v3 =	vadd.s32 s0, v1;
	s1 =	sadd.s32 $0x10, s1  }
0x17: {  	s0 =	sadd.s32 $0x10, s0;
	s2 =	sadd.s32 $0x10, s2;
	[tilespmem:s1+$0x0] =	vst v3  }
0x18: {  	s7 =	simm.s32 $0x0;
	[tilespmem:s2+$0x0] =	vst v2  }
.Ltmp1:
0x19: {  	(pc) =	sbr.rel .LBB2_4-.Ltmp1, $2  }
0x1a: {  	_ =	sdelay $0x2  }
0x1b: {  	s26 =	simm.s32 $0x0;
	s30 =	simm.s32 $0x0;
	s0 =	simm.s32 $0x0  }
.LBB2_20:
0x1c: {  	s0 =	rddreg [dreg:$0xe]  }
0x1d: {  	s0 =	sadd.s32 $0x1, s0  }
0x1e: {  	p0 =	seq.s32 s0, $0x80  }
.Ltmp2:
0x1f: {  	_ = 	snop;
	(pc) =	sbr.rel @p0 .LBB2_21-.Ltmp2, $2  }
0x20: {  	_ =	sdelay $0x2  }
0x21: {  	s7 =	simm.s32 $0x0  }
.LBB2_4:
0x22: {  	[dreg:$0xe] =	wrdreg s0  }
0x23: {  	s20 =	sshll.u32 s0, $0x9;
	s1 =	rddreg [dreg:$0x9]  }
0x24: {  	s2 =	rddreg [dreg:$0x2];
	s0 =	sadd.s32 s1, s20  }
0x25: {  	s5 =	simm.s32 $0x800;
	s6 =	simm.s32 $0x2;
	s1 =	sadd.s32 s2, s0  }
0x26: {  	[tilespmem:s5], [sflag:$0x2] =	stream.linear.gather [hbm4b:s1+s7], $0x800, $0x38;
	[tilespmem:$0x4100] =	vst v63  }
0x27: {  	_ =	swait.ge [sflag:s6], $0x800  }
0x28: {  	[sflag:s6] =	ssyncset.done $0x0;
	s3 =	rddreg [dreg:$0x3]  }
0x29: {  	[sflag:s6] =	ssyncadd.s32 $0xFFFFF800;
	s21 =	sadd.s32 s3, s0  }
0x2a: {  	[tilespmem:s7], [sflag:$0x2] =	stream.linear.gather [hbm4b:s21+s7], $0x800, $0x38;
	[tilespmem:$0x4100] =	vst v63  }
0x2b: {  	_ =	swait.ge [sflag:s6], $0x800  }
0x2c: {  	s22 =	simm.s32 $0x1000;
	[sflag:s6] =	ssyncset.done $0x0  }
0x2d: {  	s0 =	sor.u32 $0x100, s0;
	s4 =	rddreg [dreg:$0x4];
	[sflag:s6] =	ssyncadd.s32 $0xFFFFF800  }
0x2e: {  	[tilespmem:s22], [sflag:$0x1] =	stream.indirect.gather [hbm4b:s4+s5], $0x1, s5, s5, $0xb8;
	[tilespmem:$0x4100] =	vst v63  }
0x2f: {  	s24 =	simm.s32 $0x2000;
	s23 =	sadd.s32 s2, s0  }
0x30: {  	[tilespmem:s24], [sflag:$0x2] =	stream.linear.gather [hbm4b:s23+s7], $0x800, $0x38;
	[tilespmem:$0x4100] =	vst v63  }
0x31: {  	_ =	swait.ge [sflag:s6], $0x800  }
0x32: {  	[sflag:s6] =	ssyncset.done $0x0  }
0x33: {  	s25 =	simm.s32 $0x1800;
	s0 =	sadd.s32 s3, s0;
	[sflag:s6] =	ssyncadd.s32 $0xFFFFF800  }
0x34: {  	[tilespmem:s25], [sflag:$0x2] =	stream.linear.gather [hbm4b:s0+s7], $0x800, $0x38;
	[tilespmem:$0x4100] =	vst v63  }
0x35: {  	_ =	swait.ge [sflag:s6], $0x800  }
0x36: {  	s28 =	simm.s32 $0x2800;
	[sflag:s6] =	ssyncset.done $0x0  }
.Ltmp3:
0x37: {  	s29 =	simm.s32 $0x1;
	[sflag:s6] =	ssyncadd.s32 $0xFFFFF800;
	(pc) =	sbr.rel .LBB2_5-.Ltmp3, $4  }
0x38: {  	[tilespmem:s28], [sflag:$0x1] =	stream.indirect.gather [hbm4b:s4+s5], $0x1, s24, s5, $0xb8;
	[tilespmem:$0x4100] =	vst v63  }
0x39: {  	_ =	swait.ge [sflag:s29], $0x800  }
0x3a: {  	[sflag:s29] =	ssyncset.done $0x0  }
0x3b: {  	s31 =	simm.s32 $0x0;
	[sflag:s29] =	ssyncadd.s32 $0xFFFFF800  }
.LBB2_10:
0x3c: {  	v4 =	vadd.s32 v4, v7  }
0x3d: {  	v4 =	vand.u32 $0x3FFFF, v4  }
0x3e: {  	vm0 =	vlt.s32 v7, v3;
	v3 =	vadd.s32 $0x7F800001, v4  }
0x3f: {  	v3 =	vsel vm0, v5, v3  }
0x40: {  	s21 =	rddreg [dreg:$0x5];
	s22 =	simm.s32 $0x800;
	[tilespmem:s1+$0x0] =	vst v3;
	v3 =	vnsel vm0, $0xFFFFFFFF, v6  }
0x41: {  	s4 =	simm.s32 $0x3000;
	s5 =	simm.s32 $0x3800;
	s3 =	simm.s32 $0x1;
	[tilespmem:s2+$0x0] =	vst v3  }
0x42: {  	[hbm4b:s21+s22] =	stream.indirect.scatter [tilespmem:s5], [sflag:$0x1], $0x1, s4, s22, $0xb8;
	[tilespmem:$0x4100] =	vst v63  }
0x43: {  	_ =	swait.ge [sflag:s3], $0x800  }
0x44: {  	s23 =	sshll.u32 s26, $0xB;
	s24 =	rddreg [dreg:$0x8]  }
0x45: {  	s30 =	simm.s32 $0x0;
	s1 =	sadd.s32 s24, s23  }
0x46: {  	[sflag:s3] =	ssyncset.done $0x0;
	s25 =	rddreg [dreg:$0x6];
	s1 =	sshrl.u32 s1, $0x3  }
0x47: {  	s28 =	simm.s32 $0x2;
	[sflag:s3] =	ssyncadd.s32 $0xFFFFF800;
	s2 =	sadd.s32 s25, s1  }
0x48: {  	[hbm4b:s2+s30] =	stream.linear.scatter [tilespmem:s4], [sflag:$0x2], $0x800, $0x38;
	[tilespmem:$0x4100] =	vst v63  }
0x49: {  	_ =	swait.ge [sflag:s28], $0x800  }
0x4a: {  	[sflag:s28] =	ssyncset.done $0x0;
	s29 =	rddreg [dreg:$0x7]  }
0x4b: {  	[sflag:s28] =	ssyncadd.s32 $0xFFFFF800;
	s1 =	sadd.s32 s29, s1  }
0x4c: {  	[hbm4b:s1+s30] =	stream.linear.scatter [tilespmem:s5], [sflag:$0x2], $0x800, $0x38;
	[tilespmem:$0x4100] =	vst v63  }
0x4d: {  	_ =	swait.ge [sflag:s28], $0x800  }
0x4e: {  	[sflag:s28] =	ssyncset.done $0x0  }
0x4f: {  	[sflag:s28] =	ssyncadd.s32 $0xFFFFF800  }
.LBB2_11:
0x50: {  	p0 =	sgt.s32 s0, $0x7E0;
	s0 =	simm.s32 $0x1;
	s31 =	sadd.s32 $0x1, s31  }
0x51: {  	s0 =	simm.s32 @!p0 $0x0;
	p0 =	sne.s32 s31, $0x80  }
.Ltmp4:
0x52: {  	_ = 	snop;
	(pc) =	sbr.rel @!p0 .LBB2_12-.Ltmp4, $2  }
0x53: {  	_ =	sdelay $0x2  }
0x54: {  	s26 =	sadd.s32 s0, s26  }
.LBB2_5:
0x55: {  	s11 =	sshll.u32 s31, $0x4  }
0x56: {  	v3 =	vld [tilespmem:s11+$0x0]  }
0x57: {  	v4 =	vld [tilespmem:s11+$0x1000];
	_ =	sdelay $0x4  }
0x58: {  	v5 =	vxor.u32 v3, v4  }
0x59: {  	v5 =	vand.u32 $0x1, v5  }
0x5a: {  	(v2sf) =	vpush v5, $0x0  }
0x5b: {  	(v2sf) =	vpush v5, $0x1  }
0x5c: {  	(v2sf) =	vpush v5, $0x2  }
0x5d: {  	(v2sf) =	vpush v5, $0x3  }
0x5e: {  	(v2sf) =	vpush v5, $0x4  }
0x5f: {  	(v2sf) =	vpush v5, $0x5  }
0x60: {  	(v2sf) =	vpush v5, $0x6  }
0x61: {  	(v2sf) =	vpush v5, $0x7  }
0x62: {  	(v2sf) =	vpush v5, $0x8  }
0x63: {  	(v2sf) =	vpush v5, $0x9  }
0x64: {  	(v2sf) =	vpush v5, $0xA  }
0x65: {  	(v2sf) =	vpush v5, $0xB  }
0x66: {  	(v2sf) =	vpush v5, $0xC  }
0x67: {  	(v2sf) =	vpush v5, $0xD;
	_ =	sdelay $0x1  }
0x68: {  	(v2sf) =	vpush v5, $0xE;
	s15 =	spop (v2sf)  }
0x69: {  	(v2sf) =	vpush v5, $0xF;
	s24 =	spop (v2sf)  }
0x6a: {  	s23 =	spop (v2sf);
	s28 =	sadd.s32 s24, s15  }
0x6b: {  	s1 =	spop (v2sf);
	s22 =	sadd.s32 s23, s28  }
0x6c: {  	s20 =	spop (v2sf);
	s9 =	sadd.s32 s1, s22  }
0x6d: {  	s21 =	spop (v2sf);
	s7 =	sadd.s32 s20, s9  }
0x6e: {  	s8 =	spop (v2sf);
	s14 =	sadd.s32 s21, s7  }
0x6f: {  	s6 =	spop (v2sf);
	s5 =	sadd.s32 s8, s14  }
0x70: {  	s29 =	spop (v2sf);
	s3 =	sadd.s32 s6, s5  }
0x71: {  	s4 =	spop (v2sf);
	s10 =	sadd.s32 s29, s3  }
0x72: {  	s17 =	spop (v2sf);
	s18 =	sadd.s32 s4, s10  }
0x73: {  	s19 =	spop (v2sf);
	s25 =	sadd.s32 s17, s18  }
0x74: {  	s16 =	spop (v2sf);
	s13 =	sadd.s32 s19, s25  }
0x75: {  	s2 =	spop (v2sf);
	s0 =	sadd.s32 s16, s13  }
0x76: {  	[dreg:$0x13] =	wrdreg s0;
	s0 =	sadd.s32 s2, s0  }
0x77: {  	s12 =	spop (v2sf);
	[dreg:$0x11] =	wrdreg s0  }
0x78: {  	v5 =	vld [tilespmem:$0x4000];
	[dreg:$0x17] =	wrdreg s12;
	s0 =	sadd.s32 s12, s0;
	s12 =	spop (v2sf)  }
0x79: {  	[dreg:$0xf] =	wrdreg s0;
	s0 =	sadd.s32 s12, s0  }
0x7a: {  	p0 =	slt.s32 s0, $0x1  }
.Ltmp5:
0x7b: {  	vm0 =	veq.s32 v4, v3;
	(pc) =	sbr.rel @p0 .LBB2_7-.Ltmp5, $4  }
0x7c: {  	v4 =	vsel vm0, $0x1, v0  }
0x7d: {  	v4 =	vadd.s32 v4, v5  }
0x7e: {  	[tilespmem:$0x4000] =	vst v4  }
0x7f: {  	v4 =	vld [tilespmem:s11+$0x800];
	[dreg:$0x15] =	wrdreg s12  }
0x80: {  	_ =	sdelay $0x1  }
0x81: {  	p0 =	seq.s32 s15, $0x0  }
0x82: {  	v6 =	vbroadcast @!p0 v3, $0x0  }
0x83: {  	p1 =	seq.s32 s24, $0x0;
	v5 =	vbroadcast @!p0 v4, $0x0  }
0x84: {  	[tilespmem:s30+$0x3800] =	vst @!p0 v6;
	v6 =	vbroadcast @!p1 v3, $0x1  }
0x85: {  	p2 =	seq.s32 s23, $0x0;
	s11 =	sadd.s32 @!p1 s30, s15;
	[tilespmem:s30+$0x3000] =	vst @!p0 v5;
	v5 =	vbroadcast @!p1 v4, $0x1  }
0x86: {  	[tilespmem:s11+$0x3800] =	vst @!p1 v6;
	v6 =	vbroadcast @!p2 v3, $0x2  }
0x87: {  	p0 =	seq.s32 s1, $0x0;
	s1 =	sadd.s32 @!p2 s30, s28;
	[tilespmem:s11+$0x3000] =	vst @!p1 v5;
	v5 =	vbroadcast @!p2 v4, $0x2  }
0x88: {  	[tilespmem:s1+$0x3800] =	vst @!p2 v6;
	v6 =	vbroadcast @!p0 v3, $0x3  }
0x89: {  	p1 =	seq.s32 s20, $0x0;
	[tilespmem:s1+$0x3000] =	vst @!p2 v5;
	v5 =	vbroadcast @!p0 v4, $0x3;
	s1 =	sadd.s32 @!p0 s30, s22  }
0x8a: {  	[tilespmem:s1+$0x3800] =	vst @!p0 v6;
	v6 =	vbroadcast @!p1 v3, $0x4  }
0x8b: {  	[tilespmem:s1+$0x3000] =	vst @!p0 v5;
	v5 =	vbroadcast @!p1 v4, $0x4;
	p0 =	seq.s32 s21, $0x0;
	s1 =	sadd.s32 @!p1 s30, s9  }
0x8c: {  	[tilespmem:s1+$0x3800] =	vst @!p1 v6;
	v6 =	vbroadcast @!p0 v3, $0x5  }
0x8d: {  	[tilespmem:s1+$0x3000] =	vst @!p1 v5;
	v5 =	vbroadcast @!p0 v4, $0x5;
	p1 =	seq.s32 s8, $0x0;
	s1 =	sadd.s32 @!p0 s30, s7  }
0x8e: {  	[tilespmem:s1+$0x3800] =	vst @!p0 v6;
	v6 =	vbroadcast @!p1 v3, $0x6  }
0x8f: {  	[tilespmem:s1+$0x3000] =	vst @!p0 v5;
	v5 =	vbroadcast @!p1 v4, $0x6;
	p0 =	seq.s32 s6, $0x0;
	s1 =	sadd.s32 @!p1 s30, s14  }
0x90: {  	[tilespmem:s1+$0x3800] =	vst @!p1 v6;
	v6 =	vbroadcast @!p0 v3, $0x7  }
0x91: {  	[tilespmem:s1+$0x3000] =	vst @!p1 v5;
	v5 =	vbroadcast @!p0 v4, $0x7;
	p1 =	seq.s32 s29, $0x0;
	s1 =	sadd.s32 @!p0 s30, s5  }
0x92: {  	[tilespmem:s1+$0x3800] =	vst @!p0 v6;
	v6 =	vbroadcast @!p1 v3, $0x8  }
0x93: {  	[tilespmem:s1+$0x3000] =	vst @!p0 v5;
	v5 =	vbroadcast @!p1 v4, $0x8;
	p0 =	seq.s32 s4, $0x0;
	s1 =	sadd.s32 @!p1 s30, s3  }
0x94: {  	[tilespmem:s1+$0x3800] =	vst @!p1 v6;
	v6 =	vbroadcast @!p0 v3, $0x9  }
0x95: {  	[tilespmem:s1+$0x3000] =	vst @!p1 v5;
	v5 =	vbroadcast @!p0 v4, $0x9;
	p1 =	seq.s32 s17, $0x0;
	s1 =	sadd.s32 @!p0 s30, s10  }
0x96: {  	[tilespmem:s1+$0x3800] =	vst @!p0 v6;
	v6 =	vbroadcast @!p1 v3, $0xA  }
0x97: {  	[tilespmem:s1+$0x3000] =	vst @!p0 v5;
	v5 =	vbroadcast @!p1 v4, $0xA;
	p0 =	seq.s32 s19, $0x0;
	s1 =	sadd.s32 @!p1 s30, s18  }
0x98: {  	[tilespmem:s1+$0x3800] =	vst @!p1 v6;
	v6 =	vbroadcast @!p0 v3, $0xB  }
0x99: {  	[tilespmem:s1+$0x3000] =	vst @!p1 v5;
	v5 =	vbroadcast @!p0 v4, $0xB;
	p1 =	seq.s32 s16, $0x0;
	s1 =	sadd.s32 @!p0 s30, s25  }
0x9a: {  	[tilespmem:s1+$0x3800] =	vst @!p0 v6;
	v6 =	vbroadcast @!p1 v3, $0xC  }
0x9b: {  	[tilespmem:s1+$0x3000] =	vst @!p0 v5;
	v5 =	vbroadcast @!p1 v4, $0xC;
	s1 =	sadd.s32 @!p1 s30, s13  }
0x9c: {  	p0 =	seq.s32 s2, $0x0;
	[tilespmem:s1+$0x3800] =	vst @!p1 v6  }
0x9d: {  	[tilespmem:s1+$0x3000] =	vst @!p1 v5;
	v5 =	vbroadcast @!p0 v4, $0xD;
	s1 =	rddreg [dreg:$0x13]  }
0x9e: {  	s28 =	rddreg [dreg:$0x17];
	v6 =	vbroadcast @!p0 v3, $0xD;
	s1 =	sadd.s32 @!p0 s30, s1  }
0x9f: {  	p1 =	seq.s32 s28, $0x0;
	[tilespmem:s1+$0x3000] =	vst @!p0 v5  }
0xa0: {  	v5 =	vbroadcast @!p1 v4, $0xE;
	[tilespmem:s1+$0x3800] =	vst @!p0 v6;
	s1 =	rddreg [dreg:$0x11]  }
0xa1: {  	s29 =	rddreg [dreg:$0x15];
	v6 =	vbroadcast @!p1 v3, $0xE;
	s1 =	sadd.s32 @!p1 s30, s1  }
0xa2: {  	p0 =	seq.s32 s29, $0x0;
	[tilespmem:s1+$0x3000] =	vst @!p1 v5  }
0xa3: {  	v4 =	vbroadcast @!p0 v4, $0xF;
	[tilespmem:s1+$0x3800] =	vst @!p1 v6;
	s1 =	rddreg [dreg:$0xf]  }
0xa4: {  	v3 =	vbroadcast @!p0 v3, $0xF;
	s1 =	sadd.s32 @!p0 s30, s1  }
0xa5: {  	[tilespmem:s1+$0x3000] =	vst @!p0 v4  }
0xa6: {  	[tilespmem:s1+$0x3800] =	vst @!p0 v3  }
.LBB2_7:
0xa7: {  	s0 =	sadd.s32 s30, s0  }
0xa8: {  	p0 =	slt.s32 s0, $0x7E1  }
.Ltmp6:
0xa9: {  	_ = 	snop;
	(pc) =	sbr.rel @p0 .LBB2_11-.Ltmp6, $2  }
0xaa: {  	_ =	sdelay $0x2  }
0xab: {  	s30 =	smov.u32 s0  }
0xac: {  	s3 =	smul.u32 $0x7, s26;
	s1 =	simm.s32 $0x3000  }
0xad: {  	s4 =	simm.s32 $0x0;
	s2 =	simm.s32 $0x3800;
	v5 =	vld [tilespmem:s1+$0x0]  }
0xae: {  	v3 =	vmov s0;
	v7 =	vor.u32 s4, v1;
	v6 =	vld [tilespmem:s2+$0x0];
	v4 =	vmov s3;
	s3 =	simm.s32 $0x10  }
.LBB2_9:
0xaf: {  	p0 =	sne.s32 s3, $0x7F0;
	v8 =	vadd.s32 v4, v7  }
0xb0: {  	v8 =	vand.u32 $0x3FFFF, v8  }
0xb1: {  	vm0 =	vlt.s32 v7, v3;
	v7 =	vadd.s32 $0x7F800001, v8  }
.Ltmp7:
0xb2: {  	v5 =	vsel vm0, v5, v7;
	(pc) =	sbr.rel @p0 .LBB2_9-.Ltmp7, $4  }
0xb3: {  	[tilespmem:s1+$0x0] =	vst v5;
	v5 =	vnsel vm0, $0xFFFFFFFF, v6  }
0xb4: {  	s1 =	sadd.s32 $0x10, s1;
	[tilespmem:s2+$0x0] =	vst v5  }
0xb5: {  	s2 =	sadd.s32 $0x10, s2;
	v5 =	vld [tilespmem:s1+$0x0]  }
0xb6: {  	v7 =	vor.u32 s3, v1;
	s3 =	sadd.s32 $0x10, s3;
	v6 =	vld [tilespmem:s2+$0x0]  }
.Ltmp8:
0xb7: {  	_ = 	snop;
	(pc) =	sbr.rel .LBB2_10-.Ltmp8, $1  }
0xb8: {  	_ =	sdelay $0x3  }
.LBB2_12:
.Ltmp9:
0xb9: {  	(pc) =	sbr.rel .LBB2_13-.Ltmp9, $4  }
0xba: {  	s0 =	simm.s32 $0x1  }
0xbb: {  	_ =	swait.ge [sflag:s0], $0x800  }
0xbc: {  	[sflag:s0] =	ssyncset.done $0x0  }
0xbd: {  	s31 =	simm.s32 $0x0;
	[sflag:s0] =	ssyncadd.s32 $0xFFFFF800  }
.LBB2_18:
0xbe: {  	v4 =	vadd.s32 v4, v7  }
0xbf: {  	v4 =	vand.u32 $0x3FFFF, v4  }
0xc0: {  	vm0 =	vlt.s32 v7, v3;
	v3 =	vadd.s32 $0x7F800001, v4  }
0xc1: {  	v3 =	vsel vm0, v5, v3  }
0xc2: {  	s21 =	rddreg [dreg:$0x5];
	s22 =	simm.s32 $0x800;
	[tilespmem:s1+$0x0] =	vst v3;
	v3 =	vnsel vm0, $0xFFFFFFFF, v6  }
0xc3: {  	s4 =	simm.s32 $0x3000;
	s5 =	simm.s32 $0x3800;
	s3 =	simm.s32 $0x1;
	[tilespmem:s2+$0x0] =	vst v3  }
0xc4: {  	[hbm4b:s21+s22] =	stream.indirect.scatter [tilespmem:s5], [sflag:$0x1], $0x1, s4, s22, $0xb8;
	[tilespmem:$0x4100] =	vst v63  }
0xc5: {  	_ =	swait.ge [sflag:s3], $0x800  }
0xc6: {  	s23 =	sshll.u32 s26, $0xB;
	s24 =	rddreg [dreg:$0x8]  }
0xc7: {  	s30 =	simm.s32 $0x0;
	s1 =	sadd.s32 s24, s23  }
0xc8: {  	[sflag:s3] =	ssyncset.done $0x0;
	s25 =	rddreg [dreg:$0x6];
	s1 =	sshrl.u32 s1, $0x3  }
0xc9: {  	s28 =	simm.s32 $0x2;
	[sflag:s3] =	ssyncadd.s32 $0xFFFFF800;
	s2 =	sadd.s32 s25, s1  }
0xca: {  	[hbm4b:s2+s30] =	stream.linear.scatter [tilespmem:s4], [sflag:$0x2], $0x800, $0x38;
	[tilespmem:$0x4100] =	vst v63  }
0xcb: {  	_ =	swait.ge [sflag:s28], $0x800  }
0xcc: {  	[sflag:s28] =	ssyncset.done $0x0;
	s29 =	rddreg [dreg:$0x7]  }
0xcd: {  	[sflag:s28] =	ssyncadd.s32 $0xFFFFF800;
	s1 =	sadd.s32 s29, s1  }
0xce: {  	[hbm4b:s1+s30] =	stream.linear.scatter [tilespmem:s5], [sflag:$0x2], $0x800, $0x38;
	[tilespmem:$0x4100] =	vst v63  }
0xcf: {  	_ =	swait.ge [sflag:s28], $0x800  }
0xd0: {  	[sflag:s28] =	ssyncset.done $0x0  }
0xd1: {  	[sflag:s28] =	ssyncadd.s32 $0xFFFFF800  }
.LBB2_19:
0xd2: {  	p0 =	sgt.s32 s0, $0x7E0;
	s0 =	simm.s32 $0x1;
	s31 =	sadd.s32 $0x1, s31  }
0xd3: {  	s0 =	simm.s32 @!p0 $0x0;
	p0 =	sne.s32 s31, $0x80  }
.Ltmp10:
0xd4: {  	_ = 	snop;
	(pc) =	sbr.rel @!p0 .LBB2_20-.Ltmp10, $2  }
0xd5: {  	_ =	sdelay $0x2  }
0xd6: {  	s26 =	sadd.s32 s0, s26  }
.LBB2_13:
0xd7: {  	s11 =	sshll.u32 s31, $0x4  }
0xd8: {  	v3 =	vld [tilespmem:s11+$0x1800]  }
0xd9: {  	v4 =	vld [tilespmem:s11+$0x2800];
	_ =	sdelay $0x4  }
0xda: {  	v5 =	vxor.u32 v3, v4  }
0xdb: {  	v5 =	vand.u32 $0x1, v5  }
0xdc: {  	(v2sf) =	vpush v5, $0x0  }
0xdd: {  	(v2sf) =	vpush v5, $0x1  }
0xde: {  	(v2sf) =	vpush v5, $0x2  }
0xdf: {  	(v2sf) =	vpush v5, $0x3  }
0xe0: {  	(v2sf) =	vpush v5, $0x4  }
0xe1: {  	(v2sf) =	vpush v5, $0x5  }
0xe2: {  	(v2sf) =	vpush v5, $0x6  }
0xe3: {  	(v2sf) =	vpush v5, $0x7  }
0xe4: {  	(v2sf) =	vpush v5, $0x8  }
0xe5: {  	(v2sf) =	vpush v5, $0x9  }
0xe6: {  	(v2sf) =	vpush v5, $0xA  }
0xe7: {  	(v2sf) =	vpush v5, $0xB  }
0xe8: {  	(v2sf) =	vpush v5, $0xC  }
0xe9: {  	(v2sf) =	vpush v5, $0xD;
	_ =	sdelay $0x1  }
0xea: {  	(v2sf) =	vpush v5, $0xE;
	s15 =	spop (v2sf)  }
0xeb: {  	(v2sf) =	vpush v5, $0xF;
	s24 =	spop (v2sf)  }
0xec: {  	s23 =	spop (v2sf);
	s28 =	sadd.s32 s24, s15  }
0xed: {  	s1 =	spop (v2sf);
	s22 =	sadd.s32 s23, s28  }
0xee: {  	s20 =	spop (v2sf);
	s9 =	sadd.s32 s1, s22  }
0xef: {  	s21 =	spop (v2sf);
	s7 =	sadd.s32 s20, s9  }
0xf0: {  	s8 =	spop (v2sf);
	s14 =	sadd.s32 s21, s7  }
0xf1: {  	s6 =	spop (v2sf);
	s5 =	sadd.s32 s8, s14  }
0xf2: {  	s29 =	spop (v2sf);
	s3 =	sadd.s32 s6, s5  }
0xf3: {  	s4 =	spop (v2sf);
	s10 =	sadd.s32 s29, s3  }
0xf4: {  	s17 =	spop (v2sf);
	s18 =	sadd.s32 s4, s10  }
0xf5: {  	s19 =	spop (v2sf);
	s25 =	sadd.s32 s17, s18  }
0xf6: {  	s16 =	spop (v2sf);
	s13 =	sadd.s32 s19, s25  }
0xf7: {  	s2 =	spop (v2sf);
	s0 =	sadd.s32 s16, s13  }
0xf8: {  	[dreg:$0x14] =	wrdreg s0;
	s0 =	sadd.s32 s2, s0  }
0xf9: {  	s12 =	spop (v2sf);
	[dreg:$0x12] =	wrdreg s0  }
0xfa: {  	v5 =	vld [tilespmem:$0x4000];
	[dreg:$0x18] =	wrdreg s12;
	s0 =	sadd.s32 s12, s0;
	s12 =	spop (v2sf)  }
0xfb: {  	[dreg:$0x10] =	wrdreg s0;
	s0 =	sadd.s32 s12, s0  }
0xfc: {  	p0 =	slt.s32 s0, $0x1  }
.Ltmp11:
0xfd: {  	vm0 =	veq.s32 v4, v3;
	(pc) =	sbr.rel @p0 .LBB2_15-.Ltmp11, $4  }
0xfe: {  	v4 =	vsel vm0, $0x1, v0  }
0xff: {  	v4 =	vadd.s32 v4, v5  }
0x100: {  	[tilespmem:$0x4000] =	vst v4  }
0x101: {  	v4 =	vld [tilespmem:s11+$0x2000];
	[dreg:$0x16] =	wrdreg s12  }
0x102: {  	_ =	sdelay $0x1  }
0x103: {  	p0 =	seq.s32 s15, $0x0  }
0x104: {  	v6 =	vbroadcast @!p0 v3, $0x0  }
0x105: {  	p1 =	seq.s32 s24, $0x0;
	v5 =	vbroadcast @!p0 v4, $0x0  }
0x106: {  	[tilespmem:s30+$0x3800] =	vst @!p0 v6;
	v6 =	vbroadcast @!p1 v3, $0x1  }
0x107: {  	p2 =	seq.s32 s23, $0x0;
	s11 =	sadd.s32 @!p1 s30, s15;
	[tilespmem:s30+$0x3000] =	vst @!p0 v5;
	v5 =	vbroadcast @!p1 v4, $0x1  }
0x108: {  	[tilespmem:s11+$0x3800] =	vst @!p1 v6;
	v6 =	vbroadcast @!p2 v3, $0x2  }
0x109: {  	p0 =	seq.s32 s1, $0x0;
	s1 =	sadd.s32 @!p2 s30, s28;
	[tilespmem:s11+$0x3000] =	vst @!p1 v5;
	v5 =	vbroadcast @!p2 v4, $0x2  }
0x10a: {  	[tilespmem:s1+$0x3800] =	vst @!p2 v6;
	v6 =	vbroadcast @!p0 v3, $0x3  }
0x10b: {  	p1 =	seq.s32 s20, $0x0;
	[tilespmem:s1+$0x3000] =	vst @!p2 v5;
	v5 =	vbroadcast @!p0 v4, $0x3;
	s1 =	sadd.s32 @!p0 s30, s22  }
0x10c: {  	[tilespmem:s1+$0x3800] =	vst @!p0 v6;
	v6 =	vbroadcast @!p1 v3, $0x4  }
0x10d: {  	[tilespmem:s1+$0x3000] =	vst @!p0 v5;
	v5 =	vbroadcast @!p1 v4, $0x4;
	p0 =	seq.s32 s21, $0x0;
	s1 =	sadd.s32 @!p1 s30, s9  }
0x10e: {  	[tilespmem:s1+$0x3800] =	vst @!p1 v6;
	v6 =	vbroadcast @!p0 v3, $0x5  }
0x10f: {  	[tilespmem:s1+$0x3000] =	vst @!p1 v5;
	v5 =	vbroadcast @!p0 v4, $0x5;
	p1 =	seq.s32 s8, $0x0;
	s1 =	sadd.s32 @!p0 s30, s7  }
0x110: {  	[tilespmem:s1+$0x3800] =	vst @!p0 v6;
	v6 =	vbroadcast @!p1 v3, $0x6  }
0x111: {  	[tilespmem:s1+$0x3000] =	vst @!p0 v5;
	v5 =	vbroadcast @!p1 v4, $0x6;
	p0 =	seq.s32 s6, $0x0;
	s1 =	sadd.s32 @!p1 s30, s14  }
0x112: {  	[tilespmem:s1+$0x3800] =	vst @!p1 v6;
	v6 =	vbroadcast @!p0 v3, $0x7  }
0x113: {  	[tilespmem:s1+$0x3000] =	vst @!p1 v5;
	v5 =	vbroadcast @!p0 v4, $0x7;
	p1 =	seq.s32 s29, $0x0;
	s1 =	sadd.s32 @!p0 s30, s5  }
0x114: {  	[tilespmem:s1+$0x3800] =	vst @!p0 v6;
	v6 =	vbroadcast @!p1 v3, $0x8  }
0x115: {  	[tilespmem:s1+$0x3000] =	vst @!p0 v5;
	v5 =	vbroadcast @!p1 v4, $0x8;
	p0 =	seq.s32 s4, $0x0;
	s1 =	sadd.s32 @!p1 s30, s3  }
0x116: {  	[tilespmem:s1+$0x3800] =	vst @!p1 v6;
	v6 =	vbroadcast @!p0 v3, $0x9  }
0x117: {  	[tilespmem:s1+$0x3000] =	vst @!p1 v5;
	v5 =	vbroadcast @!p0 v4, $0x9;
	p1 =	seq.s32 s17, $0x0;
	s1 =	sadd.s32 @!p0 s30, s10  }
0x118: {  	[tilespmem:s1+$0x3800] =	vst @!p0 v6;
	v6 =	vbroadcast @!p1 v3, $0xA  }
0x119: {  	[tilespmem:s1+$0x3000] =	vst @!p0 v5;
	v5 =	vbroadcast @!p1 v4, $0xA;
	p0 =	seq.s32 s19, $0x0;
	s1 =	sadd.s32 @!p1 s30, s18  }
0x11a: {  	[tilespmem:s1+$0x3800] =	vst @!p1 v6;
	v6 =	vbroadcast @!p0 v3, $0xB  }
0x11b: {  	[tilespmem:s1+$0x3000] =	vst @!p1 v5;
	v5 =	vbroadcast @!p0 v4, $0xB;
	p1 =	seq.s32 s16, $0x0;
	s1 =	sadd.s32 @!p0 s30, s25  }
0x11c: {  	[tilespmem:s1+$0x3800] =	vst @!p0 v6;
	v6 =	vbroadcast @!p1 v3, $0xC  }
0x11d: {  	[tilespmem:s1+$0x3000] =	vst @!p0 v5;
	v5 =	vbroadcast @!p1 v4, $0xC;
	s1 =	sadd.s32 @!p1 s30, s13  }
0x11e: {  	p0 =	seq.s32 s2, $0x0;
	[tilespmem:s1+$0x3800] =	vst @!p1 v6  }
0x11f: {  	[tilespmem:s1+$0x3000] =	vst @!p1 v5;
	v5 =	vbroadcast @!p0 v4, $0xD;
	s1 =	rddreg [dreg:$0x14]  }
0x120: {  	s28 =	rddreg [dreg:$0x18];
	v6 =	vbroadcast @!p0 v3, $0xD;
	s1 =	sadd.s32 @!p0 s30, s1  }
0x121: {  	p1 =	seq.s32 s28, $0x0;
	[tilespmem:s1+$0x3000] =	vst @!p0 v5  }
0x122: {  	v5 =	vbroadcast @!p1 v4, $0xE;
	[tilespmem:s1+$0x3800] =	vst @!p0 v6;
	s1 =	rddreg [dreg:$0x12]  }
0x123: {  	s29 =	rddreg [dreg:$0x16];
	v6 =	vbroadcast @!p1 v3, $0xE;
	s1 =	sadd.s32 @!p1 s30, s1  }
0x124: {  	p0 =	seq.s32 s29, $0x0;
	[tilespmem:s1+$0x3000] =	vst @!p1 v5  }
0x125: {  	v4 =	vbroadcast @!p0 v4, $0xF;
	[tilespmem:s1+$0x3800] =	vst @!p1 v6;
	s1 =	rddreg [dreg:$0x10]  }
0x126: {  	v3 =	vbroadcast @!p0 v3, $0xF;
	s1 =	sadd.s32 @!p0 s30, s1  }
0x127: {  	[tilespmem:s1+$0x3000] =	vst @!p0 v4  }
0x128: {  	[tilespmem:s1+$0x3800] =	vst @!p0 v3  }
.LBB2_15:
0x129: {  	s0 =	sadd.s32 s30, s0  }
0x12a: {  	p0 =	slt.s32 s0, $0x7E1  }
.Ltmp12:
0x12b: {  	_ = 	snop;
	(pc) =	sbr.rel @p0 .LBB2_19-.Ltmp12, $2  }
0x12c: {  	_ =	sdelay $0x2  }
0x12d: {  	s30 =	smov.u32 s0  }
0x12e: {  	s3 =	smul.u32 $0x7, s26;
	s1 =	simm.s32 $0x3000  }
0x12f: {  	s4 =	simm.s32 $0x0;
	s2 =	simm.s32 $0x3800;
	v5 =	vld [tilespmem:s1+$0x0]  }
0x130: {  	v3 =	vmov s0;
	v7 =	vor.u32 s4, v1;
	v6 =	vld [tilespmem:s2+$0x0];
	v4 =	vmov s3;
	s3 =	simm.s32 $0x10  }
.LBB2_17:
0x131: {  	p0 =	sne.s32 s3, $0x7F0;
	v8 =	vadd.s32 v4, v7  }
0x132: {  	v8 =	vand.u32 $0x3FFFF, v8  }
0x133: {  	vm0 =	vlt.s32 v7, v3;
	v7 =	vadd.s32 $0x7F800001, v8  }
.Ltmp13:
0x134: {  	v5 =	vsel vm0, v5, v7;
	(pc) =	sbr.rel @p0 .LBB2_17-.Ltmp13, $4  }
0x135: {  	[tilespmem:s1+$0x0] =	vst v5;
	v5 =	vnsel vm0, $0xFFFFFFFF, v6  }
0x136: {  	s1 =	sadd.s32 $0x10, s1;
	[tilespmem:s2+$0x0] =	vst v5  }
0x137: {  	s2 =	sadd.s32 $0x10, s2;
	v5 =	vld [tilespmem:s1+$0x0]  }
0x138: {  	v7 =	vor.u32 s3, v1;
	s3 =	sadd.s32 $0x10, s3;
	v6 =	vld [tilespmem:s2+$0x0]  }
.Ltmp14:
0x139: {  	_ = 	snop;
	(pc) =	sbr.rel .LBB2_18-.Ltmp14, $1  }
0x13a: {  	_ =	sdelay $0x3  }
.LBB2_21:
0x13b: {  	s0 =	smul.u32 $0x7, s26  }
0x13c: {  	s1 =	simm.s32 $0x3000  }
0x13d: {  	s2 =	simm.s32 $0x0;
	v5 =	vld [tilespmem:s1+$0x0];
	v4 =	vmov s0;
	s0 =	simm.s32 $0x3800  }
0x13e: {  	v3 =	vmov s30;
	s5 =	simm.s32 $0x3000;
	s6 =	simm.s32 $0x3800;
	v7 =	vor.u32 s2, v1;
	s2 =	simm.s32 $0x10;
	v6 =	vld [tilespmem:s0+$0x0]  }
.LBB2_22:
0x13f: {  	p0 =	sne.s32 s2, $0x7F0;
	v8 =	vadd.s32 v4, v7  }
0x140: {  	v8 =	vand.u32 $0x3FFFF, v8  }
0x141: {  	vm0 =	vlt.s32 v7, v3;
	v7 =	vadd.s32 $0x7F800001, v8  }
.Ltmp15:
0x142: {  	v5 =	vsel vm0, v5, v7;
	(pc) =	sbr.rel @p0 .LBB2_22-.Ltmp15, $4  }
0x143: {  	[tilespmem:s1+$0x0] =	vst v5;
	v5 =	vnsel vm0, $0xFFFFFFFF, v6  }
0x144: {  	s1 =	sadd.s32 $0x10, s1;
	[tilespmem:s0+$0x0] =	vst v5  }
0x145: {  	s0 =	sadd.s32 $0x10, s0;
	v5 =	vld [tilespmem:s1+$0x0]  }
0x146: {  	v7 =	vor.u32 s2, v1;
	s2 =	sadd.s32 $0x10, s2;
	v6 =	vld [tilespmem:s0+$0x0]  }
0x147: {  	v4 =	vadd.s32 v4, v7  }
0x148: {  	v4 =	vand.u32 $0x3FFFF, v4  }
0x149: {  	vm0 =	vlt.s32 v7, v3;
	v3 =	vadd.s32 $0x7F800001, v4  }
0x14a: {  	v3 =	vsel vm0, v5, v3  }
0x14b: {  	[tilespmem:s1+$0x0] =	vst v3;
	v3 =	vnsel vm0, $0xFFFFFFFF, v6  }
0x14c: {  	s19 =	rddreg [dreg:$0x5];
	s20 =	simm.s32 $0x800;
	s2 =	simm.s32 $0x1;
	[tilespmem:s0+$0x0] =	vst v3  }
0x14d: {  	[hbm4b:s19+s20] =	stream.indirect.scatter [tilespmem:s6], [sflag:$0x1], $0x1, s5, s20, $0xb8;
	[tilespmem:$0x4100] =	vst v63  }
0x14e: {  	_ =	swait.ge [sflag:s2], $0x800  }
0x14f: {  	s21 =	sshll.u32 s26, $0xB;
	s22 =	rddreg [dreg:$0x8]  }
0x150: {  	s3 =	simm.s32 $0x0;
	s1 =	sadd.s32 s22, s21  }
0x151: {  	[sflag:s2] =	ssyncset.done $0x0;
	s23 =	rddreg [dreg:$0x6];
	s1 =	sshrl.u32 s1, $0x3  }
0x152: {  	s4 =	simm.s32 $0x2;
	[sflag:s2] =	ssyncadd.s32 $0xFFFFF800;
	s2 =	sadd.s32 s23, s1  }
0x153: {  	[hbm4b:s2+s3] =	stream.linear.scatter [tilespmem:s5], [sflag:$0x2], $0x800, $0x38;
	[tilespmem:$0x4100] =	vst v63  }
0x154: {  	_ =	swait.ge [sflag:s4], $0x800  }
0x155: {  	[sflag:s4] =	ssyncset.done $0x0;
	s24 =	rddreg [dreg:$0x7]  }
0x156: {  	[sflag:s4] =	ssyncadd.s32 $0xFFFFF800;
	s1 =	sadd.s32 s24, s1  }
0x157: {  	[hbm4b:s1+s3] =	stream.linear.scatter [tilespmem:s6], [sflag:$0x2], $0x800, $0x38;
	[tilespmem:$0x4100] =	vst v63  }
0x158: {  	_ =	swait.ge [sflag:s4], $0x800  }
0x159: {  	s0 =	sadd.s32 $0x800, s21;
	[sflag:s4] =	ssyncset.done $0x0  }
0x15a: {  	v3 =	vmov s0;
	[sflag:s4] =	ssyncadd.s32 $0xFFFFF800  }
0x15b: {  	s26 =	simm.s32 $0x4080;
	s25 =	rddreg [dreg:$0xa];
	[tilespmem:$0x4080] =	vst v3  }
0x15c: {  	[hbm4b:s25+s3] =	stream.linear.scatter [tilespmem:s26], [sflag:$0x2], $0x80, $0x38;
	[tilespmem:$0x4100] =	vst v63  }
0x15d: {  	_ =	swait.ge [sflag:s4], $0x80  }
0x15e: {  	[sflag:s4] =	ssyncset.done $0x0  }
0x15f: {  	s29 =	simm.s32 $0x4000;
	s28 =	rddreg [dreg:$0xb];
	[sflag:s4] =	ssyncadd.s32 $0xFFFFFF80  }
0x160: {  	[hbm4b:s28+s3] =	stream.linear.scatter [tilespmem:s29], [sflag:$0x2], $0x80, $0x38;
	[tilespmem:$0x4100] =	vst v63  }
0x161: {  	_ =	swait.ge [sflag:s4], $0x80  }
0x162: {  	s30 =	rddreg [dreg:$0xd]  }
0x163: {  	s31 =	rddreg [dreg:$0xc];
	s1 =	sadd.s32 $0x1, s30  }
0x164: {  	p0 =	sne.s32 s1, s31  }
.Ltmp16:
0x165: {  	_ = 	snop;
	(pc) =	sbr.rel @p0 .LBB2_1-.Ltmp16, $3  }
0x166: {  	_ =	sdelay $0x1  }
0x167: {  	[sflag:s4] =	ssyncset.done $0x0  }
0x168: {  	[sflag:s4] =	ssyncadd.s32 $0xFFFFFF80  }
0x169: {  	_ =	sfence.sel $0x180000  }
0x16a: {  	[bflag:$0x0] =	sbarrier.arrive $0xFFFF  }
0x16b: {  	_ =	strace $0x9000004D  }
0x16c: {  	s0 =	stileid.u32;
	[bflag:$0x2] =	sbarrier.arrive $0xFFFF  }
0x16d: {  	p0 =	sne.s32 s0, $0x0;
	s0 =	rddreg [dreg:$0x1]  }
0x16e: {  	s0 =	sadd.s32 @!p0 $0x100000, s0  }
0x16f: {  	[sflag:s0] =	ssyncadd.tile.s32 @!p0 $0x1;
	_ =	shalt  }
.Lfunc_end2:
_tile_overlayer_lowered:
.L_overlay_start_2:
0x170: {  	(tag) =	ssettag $0x2  }
0x171: {  	s0 =	rddreg [dreg:$0x0];
	s2 =	stileid.u32  }
0x172: {  	s1 =	rddreg [dreg:$0x1];
	p0 =	sne.s32 s2, $0x0  }
0x173: {  	s3 =	rddreg [dreg:$0x2];
	[bflag:$0x3] =	sbarrier.arrive $0xFFFF;
	s2 =	simm.s32 @!p0 $0x1C02  }
0x174: {  	[timem:s3], [sflag:s2] =	dma.local @!p0 [hbm:s0], s1  }
0x175: {  	s0 =	simm.s32 @!p0 $0x2  }
0x176: {  	_ =	swait.ge @!p0 [sflag:s0], s1  }
0x177: {  	s1 =	ssub.s32 @!p0 $0x0, s1;
	[sflag:s0] =	ssyncset.done @!p0 $0x0  }
0x178: {  	[sflag:s0] =	ssyncadd.s32 @!p0 s1  }
0x179: {  	[bflag:$0x3] =	sbarrier.arrive $0xFFFF  }
0x17a: {  	_ =	shalt  }

// kernel: sparse-core-data-format-call.cloned.1.call-start
scs
called_computation_lowered:
.L_overlay_start_0:
0x0: {  	s1 =	sld [smem:$0x3FD9]  }
0x1: {  	s2 =	sld [smem:$0x3FFE];
	_ =	sdelay $0x1  }
0x2: {  	s3 =	srdreg.scid  }
0x3: {  	s0 =	sand.u32 $0x1, s3  }
0x4: {  	s17 =	sshll.u32 s0, $0xA;
	s1 =	sadd.s32 s2, s1  }
0x5: {  	s1 =	sadd.s32 s1, s17  }
0x6: {  	[smem:$0x3FC7] =	sst s1  }
0x7: {  	_ = 	snop  }
0x8: {  	(tm) =	ssettm $0x1  }
0x9: {  	s18 =	sld [smem:$0x3FFB];
	_ =	sdelay $0x3  }
0xa: {  	_ =	strace s18  }
0xb: {  	s1 =	sld [smem:$0x3FFC];
	_ =	sdelay $0x3  }
0xc: {  	_ =	strace s1  }
0xd: {  	s1 =	sld [smem:$0x3FFD];
	_ =	sdelay $0x3  }
0xe: {  	_ =	strace s1  }
0xf: {  	_ =	strace $0x8FFFFFFF  }
0x10: {  	s19 =	sld [smem:$0x3FDB];
	_ =	sdelay $0x1  }
0x11: {  	s20 =	simm.s32 $_scs_section_size  }
0x12: {  	s4 =	simm.s32 $_size__tile_overlayer_lowered;
	s5 =	simm.s32 $_tile_overlayer_lowered  }
0x13: {  	s23 =	simm.s32 $0x1BFF;
	s22 =	sshll.u32 s5, $0x1;
	s1 =	sadd.s32 s20, s19  }
0x14: {  	s6 =	simm.s32 $0x0;
	s21 =	sshll.u32 s4, $0x1;
	s4 =	sadd.s32 s22, s1  }
0x15: {  	[timem:s6], [sflag:s23] =	dma.local [hbm:s4], s21  }
0x16: {  	_ =	swait.ge [sflag:s23], s21  }
0x17: {  	s2 =	ssub.s32 $0x0, s21;
	[sflag:s23] =	ssyncset.done $0x0  }
0x18: {  	[sflag:s23] =	ssyncadd.s32 s2;
	_ =	sdelay $0x1  }
0x19: {  	s24 =	simm.s32 $0x1B8B  }
0x1a: {  	_ =	swait.ge [sflag:s24], $0x1  }
0x1b: {  	[sflag:s24] =	ssyncset.done $0x0  }
0x1c: {  	s26 =	simm.s32 $0x1B8E;
	s25 =	sld [smem:$0x3FFE];
	[sflag:s24] =	ssyncadd.s32 $0xFFFFFFFF  }
0x1d: {  	s27 =	simm.s32 $execute0_lowered;
	[smem:$0x3FD2] =	sst s26  }
0x1e: {  	s4 =	sshll.u32 s27, $0x1;
	_ =	strace $0x80000046;
	[dreg:$0x1] =	wrdreg $0xFFFFFFFF  }
0x1f: {  	s28 =	simm.s32 $_size_execute0_lowered;
	s1 =	sadd.s32 s1, s4;
	[dreg:$0x0] =	wrdreg $0x0  }
0x20: {  	s4 =	sshll.u32 s28, $0x1;
	[dreg:$0x2] =	wrdreg s1  }
0x21: {  	[dreg:$0x3] =	wrdreg s4  }
0x22: {  	[dreg:$0x4] =	wrdreg $0xC0  }
0x23: {  	_ =	task [dreg:s6], $0x5FFFF  }
0x24: {  	[dreg:$0x1] =	wrdreg $0xFFFFFFFF  }
0x25: {  	[dreg:$0x0] =	wrdreg $0x60  }
0x26: {  	[dreg:$0x2] =	wrdreg s25  }
0x27: {  	[dreg:$0x3] =	wrdreg $0x9  }
0x28: {  	_ =	task.clear_ibuf [dreg:s6], $0x4FFFF;
	_ =	strace $0x90000046  }
0x29: {  	s29 =	simm.s32 $0x9;
	_ =	strace $0x80000048  }
0x2a: {  	_ =	swait.ge [sflag:s29], $0x1  }
0x2b: {  	[sflag:s29] =	ssyncadd.s32 $0xFFFFFFFF  }
0x2c: {  	_ =	strace $0x90000048  }
0x2d: {  	_ =	sfence  }
0x2e: {  	s30 =	sld [smem:$0x0];
	_ =	sdelay $0x2  }
0x2f: {  	s31 =	sshll.u32 s3, $0xD;
	s3 =	sshrl.u32 s3, $0x2  }
0x30: {  	s2 =	sand.u32 $0x4000, s31;
	s1 =	sadd.s32 s3, s30  }
0x31: {  	s0 =	sor.u32 s2, s0;
	s1 =	sshll.u32 s1, $0x11  }
0x32: {  	s0 =	sor.u32 s1, s0  }
0x33: {  	s0 =	sadd.s32 $0x8F2B, s0  }
0x34: {  	[sflag:s0] =	ssyncadd.remote.s32 $0x1  }
0x35: {  	_ =	sfence.sel $0xFFFF  }
0x36: {  	[dreg:$0x0] =	wrdreg $0xFFFFFFFF;
	(pc) =	sbr.abs _section_cstart, $3  }
0x37: {  	[dreg:$0x1] =	wrdreg $0xFFFFFFFF  }
0x38: {  	_ =	task.clear_ibuf [dreg:s6], $0x2FFFF;
	_ =	strace $0x9FFFFFFF  }
0x39: {  	(tm) =	ssettm $0x7FFFFFFF  }
tec
execute0_lowered:
.L_overlay_start_1:
0x0: {  	(tag) =	ssettag $0x1  }
0x1: {  	s1 =	rddreg [dreg:$0x0]  }
0x2: {  	s0 =	rddreg [dreg:$0x1]  }
0x3: {  	_ =	strace $0x80000047;
	s4 =	srdreg.scid;
	s6 =	simm.s32 $0x2  }
0x4: {  	s11 =	simm.s32 $0x0;
	p0 =	por $0x0, $0x0;
	s7 =	simm.s32 $0x1000  }
.Ltmp0:
0x5: {  	s12 =	simm.s32 $0x0;
	s9 =	simm.s32 $0x0;
	(pc) =	sbr.rel .LBB1_1-.Ltmp0, $4  }
0x6: {  	s2 =	sadd.s32 $0x1000, s1;
	s3 =	sadd.s32 $0x201000, s1;
	s5 =	sshll.u32 s4, $0x4  }
0x7: {  	s1 =	stileid.u32;
	s4 =	simm.s32 $0x1;
	s5 =	sand.u32 $0x10, s5  }
0x8: {  	s8 =	simm.s32 $0x0;
	[sflag:s4] =	ssyncpa.u1 $0x0;
	s5 =	sor.u32 s1, s5  }
0x9: {  	[sflag:s6] =	ssyncpa.u1 $0x0;
	s6 =	simm.s32 $0x800;
	s10 =	smov.u32 s5  }
.LBB1_7:
0xa: {  	s13 =	sadd.s32 $0x10, s9  }
0xb: {  	s11 =	sadd.s32 $0x20, s10;
	s15 =	smov.u32 s10;
	p2 =	sgt.s32 s13, $0x1F  }
0xc: {  	p1 =	slt.u32 s8, $0x2;
	s15 =	smov.u32 @p2 s11  }
0xd: {  	s8 =	sadd.s32 $0x1, s8;
	s13 =	simm.s32 @p2 $0x0;
	p2 =	sgt.s32 s15, $0x1FF  }
0xe: {  	s15 =	smov.u32 @p2 s5;
	p2 =	sne.s32 s8, $0x22  }
.Ltmp1:
0xf: {  	_ = 	snop;
	(pc) =	sbr.rel @!p2 .LBB1_8-.Ltmp1, $4  }
0x10: {  	s14 =	simm.s32 @!p1 $0x2  }
0x11: {  	s12 =	smov.u32 s10;
	_ =	swait.ge @!p1 [sflag:s14], $0x4000  }
0x12: {  	p0 =	por !p0, !p0;
	s11 =	smov.u32 s9;
	[sflag:s14] =	ssyncset.done @!p1 $0x0  }
0x13: {  	s9 =	smov.u32 s13;
	[sflag:s14] =	ssyncadd.s32 @!p1 $0xFFFFC000;
	s10 =	smov.u32 s15  }
.LBB1_1:
0x14: {  	p1 =	sgt.u32 s8, $0x1F  }
0x15: {  	s13 =	sxor.u32 @!p1 $0xFFFFFFFF, s8;
	s14 =	sshll.u32 @!p1 s10, $0xC  }
0x16: {  	s15 =	sshll.u32 @!p1 s9, $0x7;
	s13 =	sshll.u32 @!p1 s13, $0xE;
	s14 =	sadd.s32 @!p1 s2, s14  }
0x17: {  	s13 =	sand.u32 @!p1 $0x4000, s13;
	s14 =	sadd.s32 @!p1 s15, s14;
	s15 =	simm.s32 @!p1 $0x0  }
0x18: {  	[tilespmem:s13], [sflag:$0x1] =	stream.linear.gather @!p1 [hbm4b:s14+s15], $0x4000, $0x38;
	[tilespmem:$0x10000] =	vst v63  }
0x19: {  	p1 =	seq.s32 s8, $0x0  }
0x1a: {  	p2 =	seq.s32 @!p1 s8, $0x21  }
0x1b: {  	p1 =	por p1, p2  }
.Ltmp2:
0x1c: {  	_ = 	snop;
	(pc) =	sbr.rel @p1 .LBB1_7-.Ltmp2, $1  }
0x1d: {  	_ =	sdelay $0x3  }
0x1e: {  	s13 =	simm.s32 $0x1;
	_ =	swait.ge [sflag:s4], $0x4000;
	s16 =	sshll.u32 s8, $0xE  }
0x1f: {  	s13 =	simm.s32 @!p0 $0x0;
	[sflag:s4] =	ssyncset.done $0x0;
	s31 =	sand.u32 $0x4000, s16  }
0x20: {  	s16 =	simm.s32 $0x0;
	s14 =	sshll.u32 s13, $0xE;
	[sflag:s4] =	ssyncadd.s32 $0xFFFFC000  }
0x21: {  	s13 =	sor.u32 $0x8040, s14;
	s15 =	sor.u32 $0x40, s14;
	s14 =	sor.u32 $0x8000, s31  }
.LBB1_3:
0x22: {  	v0 =	vmov s15;
	_ =	sdelay $0x3  }
0x23: {  	s18 =	simm.s32 $0x0  }
0x24: {  	v6 =	vld.idx.msk [tilespmem:v0+s18+$0x30 ss:$0x1], $0xffff  }
0x25: {  	v7 =	vld.idx.msk [tilespmem:v0+s18+$0xFFFFFFC0 ss:$0x1], $0xffff  }
0x26: {  	v5 =	vld.idx.msk [tilespmem:v0+s18+$0xFFFFFFD0 ss:$0x1], $0xffff  }
0x27: {  	v4 =	vld.idx.msk [tilespmem:v0+s18+$0xFFFFFFE0 ss:$0x1], $0xffff  }
0x28: {  	v3 =	vld.idx.msk [tilespmem:v0+s18+$0xFFFFFFF0 ss:$0x1], $0xffff  }
0x29: {  	v1 =	vld.idx.msk [tilespmem:v0+s18+$0x0 ss:$0x1], $0xffff  }
0x2a: {  	v2 =	vld.idx.msk [tilespmem:v0+s18+$0x10 ss:$0x1], $0xffff;
	[tilespmem:s13+$0x30] =	vst v6  }
0x2b: {  	s17 =	simm.s32 $0x80;
	s19 =	simm.s32 $0x400;
	[tilespmem:s13+$0xFFFFFFC0] =	vst v7;
	v6 =	vld.idx.msk [tilespmem:v0+s18+$0x20 ss:$0x1], $0xffff;
	s18 =	smov.u32 s13  }
.LBB1_4:
0x2c: {  	p1 =	sne.s32 s19, $0xE00;
	v7 =	vld.idx.msk [tilespmem:v0+s17+$0x30 ss:$0x1], $0xffff;
	[tilespmem:s18+$0xFFFFFFD0] =	vst v5  }
0x2d: {  	v8 =	vld.idx.msk [tilespmem:v0+s17+$0xFFFFFFC0 ss:$0x1], $0xffff;
	[tilespmem:s18+$0xFFFFFFE0] =	vst v4  }
0x2e: {  	v5 =	vld.idx.msk [tilespmem:v0+s17+$0xFFFFFFD0 ss:$0x1], $0xffff;
	[tilespmem:s18+$0xFFFFFFF0] =	vst v3  }
.Ltmp3:
0x2f: {  	v4 =	vld.idx.msk [tilespmem:v0+s17+$0xFFFFFFE0 ss:$0x1], $0xffff;
	[tilespmem:s18+$0x0] =	vst v1;
	(pc) =	sbr.rel @p1 .LBB1_4-.Ltmp3, $4  }
0x30: {  	v3 =	vld.idx.msk [tilespmem:v0+s17+$0xFFFFFFF0 ss:$0x1], $0xffff;
	[tilespmem:s18+$0x10] =	vst v2  }
0x31: {  	v1 =	vld.idx.msk [tilespmem:v0+s17+$0x0 ss:$0x1], $0xffff;
	[tilespmem:s18+$0x20] =	vst v6;
	s18 =	sadd.s32 $0x800, s18  }
0x32: {  	v2 =	vld.idx.msk [tilespmem:v0+s17+$0x10 ss:$0x1], $0xffff;
	[tilespmem:s18+$0x30] =	vst v7  }
0x33: {  	[tilespmem:s18+$0xFFFFFFC0] =	vst v8;
	v6 =	vld.idx.msk [tilespmem:v0+s17+$0x20 ss:$0x1], $0xffff;
	s17 =	sshra.s32 s19, $0x2;
	s19 =	sadd.s32 $0x200, s19  }
0x34: {  	_ =	sdelay $0x2  }
0x35: {  	[tilespmem:s18+$0xFFFFFFD0] =	vst v5  }
0x36: {  	v56 =	vld.idx.msk [tilespmem:v0+s17+$0x30 ss:$0x1], $0xffff;
	[tilespmem:s18+$0xFFFFFFE0] =	vst v4  }
0x37: {  	v57 =	vld.idx.msk [tilespmem:v0+s17+$0xFFFFFFC0 ss:$0x1], $0xffff;
	[tilespmem:s18+$0xFFFFFFF0] =	vst v3  }
0x38: {  	v58 =	vld.idx.msk [tilespmem:v0+s17+$0xFFFFFFD0 ss:$0x1], $0xffff;
	[tilespmem:s18+$0x0] =	vst v1  }
0x39: {  	v59 =	vld.idx.msk [tilespmem:v0+s17+$0xFFFFFFE0 ss:$0x1], $0xffff;
	[tilespmem:s18+$0x10] =	vst v2  }
0x3a: {  	v60 =	vld.idx.msk [tilespmem:v0+s17+$0xFFFFFFF0 ss:$0x1], $0xffff;
	s31 =	sadd.s32 $0x800, s18;
	[tilespmem:s18+$0x20] =	vst v6  }
0x3b: {  	v61 =	vld.idx.msk [tilespmem:v0+s17+$0x0 ss:$0x1], $0xffff;
	[tilespmem:s31+$0x30] =	vst v56  }
0x3c: {  	v62 =	vld.idx.msk [tilespmem:v0+s17+$0x10 ss:$0x1], $0xffff;
	s16 =	sadd.s32 $0x1, s16;
	[tilespmem:s31+$0xFFFFFFC0] =	vst v57  }
0x3d: {  	v63 =	vld.idx.msk [tilespmem:v0+s17+$0x20 ss:$0x1], $0xffff;
	p1 =	sne.s32 s16, $0x10;
	[tilespmem:s31+$0xFFFFFFD0] =	vst v58  }
.Ltmp4:
0x3e: {  	[tilespmem:s31+$0xFFFFFFE0] =	vst v59;
	(pc) =	sbr.rel @p1 .LBB1_3-.Ltmp4, $4  }
0x3f: {  	[tilespmem:s31+$0xFFFFFFF0] =	vst v60  }
0x40: {  	[tilespmem:s31+$0x0] =	vst v61  }
0x41: {  	[tilespmem:s31+$0x10] =	vst v62  }
0x42: {  	s13 =	sadd.s32 $0x80, s13;
	s15 =	sadd.s32 $0x400, s15;
	[tilespmem:s31+$0x20] =	vst v63  }
.Ltmp5:
0x43: {  	(pc) =	sbr.rel .LBB1_7-.Ltmp5, $4  }
0x44: {  	s12 =	sshll.u32 s12, $0xC;
	s11 =	sshll.u32 s11, $0x4  }
0x45: {  	s11 =	sand.u32 $0x1F0, s11;
	s12 =	sadd.s32 s3, s12  }
0x46: {  	s11 =	sadd.s32 s11, s12  }
0x47: {  	[hbm4b:s11+s6] =	stream.strided.scatter [tilespmem:s14], [sflag:$0x2], $0x4000, s7, s6, $0x38;
	[tilespmem:$0x10000] =	vst v63  }
.LBB1_8:
0x48: {  	_ =	sfence.sel $0x180000  }
0x49: {  	s2 =	simm.s32 $0x1;
	[bflag:$0x0] =	sbarrier.arrive $0xFFFF  }
0x4a: {  	s31 =	simm.s32 $0x2;
	[sflag:s2] =	ssyncpa.u1 $0x1  }
0x4b: {  	[sflag:s31] =	ssyncpa.u1 $0x1  }
0x4c: {  	p0 =	sne.s32 s1, $0x0;
	_ =	strace $0x90000047  }
0x4d: {  	s0 =	sadd.s32 @!p0 $0x100000, s0;
	[bflag:$0x2] =	sbarrier.arrive $0xFFFF  }
0x4e: {  	[sflag:s0] =	ssyncadd.tile.s32 @!p0 $0x1;
	_ =	shalt  }
.Lfunc_end1:
_tile_overlayer_lowered:
.L_overlay_start_2:
0x4f: {  	(tag) =	ssettag $0x2  }
0x50: {  	s0 =	rddreg [dreg:$0x0];
	s2 =	stileid.u32  }
0x51: {  	s1 =	rddreg [dreg:$0x1];
	p0 =	sne.s32 s2, $0x0  }
0x52: {  	s3 =	rddreg [dreg:$0x2];
	[bflag:$0x3] =	sbarrier.arrive $0xFFFF;
	s2 =	simm.s32 @!p0 $0x1C01  }
0x53: {  	[timem:s3], [sflag:s2] =	dma.local @!p0 [hbm:s0], s1  }
0x54: {  	s0 =	simm.s32 @!p0 $0x1  }
0x55: {  	_ =	swait.ge @!p0 [sflag:s0], s1  }
0x56: {  	s1 =	ssub.s32 @!p0 $0x0, s1;
	[sflag:s0] =	ssyncset.done @!p0 $0x0  }
0x57: {  	[sflag:s0] =	ssyncadd.s32 @!p0 s1  }
0x58: {  	[bflag:$0x3] =	sbarrier.arrive $0xFFFF  }
0x59: {  	_ =	shalt  }

</sc_bundles>
